<compile_context>
chip_gen: v7x
topology: tpu7x:2x2x1
jax: 0.10.2.dev20260603
libtpu: 0.0.44.dev20260713+nightly
codegen_flags: <defaults>
</compile_context>

<pallas_src>
import functools

import jax
import jax.numpy as jnp
from jax import lax
from jax.experimental import pallas as pl
from jax.experimental.pallas import tpu as pltpu
from jax.experimental.pallas import tpu_sc as plsc

NTILES = 16
NCORES = 2
CHUNK = 128
CNTW = 128


def _sc_degree_kernel(np_rows, nchunk):
    stripe = np_rows // NTILES
    nzcopy = stripe // CHUNK

    def body(idx_hbm, cnt_hbm, idx_v, work_v, cnt_sh):
        c = lax.axis_index("c")
        s = lax.axis_index("s")
        pltpu.sync_copy(idx_hbm.at[c, s], idx_v)
        zv = jnp.zeros((16,), jnp.float32)

        def zero_body(i, _):
            work_v[i // (CNTW // 16), pl.ds((i % (CNTW // 16)) * 16, 16)] = zv
            return 0

        lax.fori_loop(0, CHUNK * (CNTW // 16), zero_body, 0)
        for k in range(nzcopy):
            pltpu.sync_copy(
                work_v, cnt_sh.at[pl.ds(s * stripe + k * CHUNK, CHUNK)])
        ov = jnp.ones((16,), jnp.float32)

        def one_body(i, _):
            work_v[i // (CNTW // 16), pl.ds((i % (CNTW // 16)) * 16, 16)] = ov
            return 0

        lax.fori_loop(0, CHUNK * (CNTW // 16), one_body, 0)
        plsc.subcore_barrier()

        def sc_body(j, _):
            pltpu.sync_copy(work_v, cnt_sh.at[idx_v.at[j]], add=True)
            return 0

        lax.fori_loop(0, nchunk, sc_body, 0)
        plsc.subcore_barrier()
        pltpu.sync_copy(cnt_sh.at[pl.ds(s * stripe, stripe)],
                        cnt_hbm.at[c, pl.ds(s * stripe, stripe)])

    return pl.kernel(
        body,
        out_type=jax.ShapeDtypeStruct((NCORES, np_rows, CNTW), jnp.float32),
        mesh=plsc.VectorSubcoreMesh(core_axis_name="c", subcore_axis_name="s"),
        scratch_types=[
            pltpu.VMEM((nchunk, CHUNK), jnp.int32),
            pltpu.VMEM((CHUNK, CNTW), jnp.float32),
            pltpu.VMEM_SHARED((np_rows, CNTW), jnp.float32),
        ],
    )


def _sc_agg_kernel(np_rows, nchunk, hh):
    stripe = np_rows // NTILES
    nzcopy = stripe // CHUNK

    nbuf = 2
    nphase = 2
    assert nchunk % (nbuf * nphase) == 0
    hchunk = nchunk // nphase

    def body(table_hbm, idxg_hbm, idxs_hbm, agg_hbm,
             idxg_v, idxs_v, buf0, buf1, acc_sh, sem0, sem1):
        bufs = (buf0, buf1)
        sems = (sem0, sem1)
        c = lax.axis_index("c")
        s = lax.axis_index("s")
        pltpu.sync_copy(idxg_hbm.at[c, s, pl.ds(0, hchunk)], idxg_v)
        pltpu.sync_copy(idxs_hbm.at[s, pl.ds(0, hchunk)], idxs_v)
        pltpu.async_copy(table_hbm.at[idxg_v.at[0]], buf0, sem0)
        zv = jnp.zeros((16,), jnp.float32)

        def zfill(i, _):
            buf1[i // (hh // 16), pl.ds((i % (hh // 16)) * 16, 16)] = zv
            return 0

        lax.fori_loop(0, CHUNK * (hh // 16), zfill, 0)
        for k in range(nzcopy):
            pltpu.sync_copy(
                buf1, acc_sh.at[pl.ds(s * stripe + k * CHUNK, CHUNK)])
        pltpu.async_copy(table_hbm.at[idxg_v.at[1]], buf1, sem1)
        plsc.subcore_barrier()

        for ph in range(nphase):
            if ph:
                pltpu.sync_copy(idxg_hbm.at[c, s, pl.ds(ph * hchunk, hchunk)],
                                idxg_v)
                pltpu.sync_copy(idxs_hbm.at[s, pl.ds(ph * hchunk, hchunk)],
                                idxs_v)
                for b in range(nbuf):
                    pltpu.async_copy(
                        table_hbm.at[idxg_v.at[b]], bufs[b], sems[b])

            def group_body(g, _):
                for b in range(nbuf):
                    j = g * nbuf + b
                    pltpu.make_async_copy(
                        table_hbm.at[idxg_v.at[j]], bufs[b], sems[b]).wait()
                    pltpu.sync_copy(bufs[b], acc_sh.at[idxs_v.at[j]], add=True)

                    @pl.when(j + nbuf < hchunk)
                    def _():
                        pltpu.async_copy(
                            table_hbm.at[idxg_v.at[j + nbuf]], bufs[b],
                            sems[b])

                return 0

            lax.fori_loop(0, hchunk // nbuf, group_body, 0)
        plsc.subcore_barrier()
        pltpu.sync_copy(acc_sh.at[pl.ds(s * stripe, stripe)],
                        agg_hbm.at[c, pl.ds(s * stripe, stripe)])

    return pl.kernel(
        body,
        out_type=jax.ShapeDtypeStruct((NCORES, np_rows, hh), jnp.float32),
        mesh=plsc.VectorSubcoreMesh(core_axis_name="c", subcore_axis_name="s"),
        scratch_types=[
            pltpu.VMEM((nchunk // nphase, CHUNK), jnp.int32),
            pltpu.VMEM((nchunk // nphase, CHUNK), jnp.int32),
            pltpu.VMEM((CHUNK, hh), jnp.float32),
            pltpu.VMEM((CHUNK, hh), jnp.float32),
            pltpu.VMEM_SHARED((np_rows, hh), jnp.float32),
            pltpu.SemaphoreType.DMA,
            pltpu.SemaphoreType.DMA,
        ],
    )


def _proj_body(hh, x_ref, w_ref, b_ref, cnt_ref, out_ref):
    inv_out = lax.rsqrt(jnp.maximum(cnt_ref[0][:, 0:1], 1.0))
    h = jnp.dot(x_ref[...], w_ref[...],
                preferred_element_type=jnp.float32) + b_ref[...]
    hs = h * inv_out
    out_ref[0] = hs[:, :hh]
    out_ref[1] = hs[:, hh:]


def _layer_body(hh, a0_ref, a1_ref, cd_ref, cs_ref, w_ref, b_ref, out_ref):
    inv_in = lax.rsqrt(jnp.maximum(cd_ref[0][:, 0:1], 1.0))
    inv_out = lax.rsqrt(jnp.maximum(cs_ref[0][:, 0:1], 1.0))
    a0 = a0_ref[0] * inv_in
    a1 = a1_ref[0] * inv_in
    t = (jnp.dot(a0, w_ref[:hh, :], preferred_element_type=jnp.float32)
         + jnp.dot(a1, w_ref[hh:, :], preferred_element_type=jnp.float32)
         + b_ref[...])
    hs = jnp.maximum(t, 0.0) * inv_out
    out_ref[0] = hs[:, :hh]
    out_ref[1] = hs[:, hh:]


def _head_body(n, hh, claim_ref, agg_ref, cnt_ref,
               w2_ref, b2_ref, wc1_ref, bc1_ref, wc2_ref, bc2_ref, out_ref):
    claim = claim_ref[0, 0]
    rows = lax.broadcasted_iota(jnp.int32, (n, 1), 0)
    msk = (rows == claim).astype(jnp.float32)
    a0 = jnp.sum(agg_ref[0] * msk, axis=0, keepdims=True)
    a1 = jnp.sum(agg_ref[1] * msk, axis=0, keepdims=True)
    cnt = jnp.sum(cnt_ref[0][:, 0:1] * msk, axis=0, keepdims=True)
    inv_in = lax.rsqrt(jnp.maximum(cnt, 1.0))
    t = (jnp.dot(a0, w2_ref[:hh, :], preferred_element_type=jnp.float32)
         + jnp.dot(a1, w2_ref[hh:, :], preferred_element_type=jnp.float32))
    h2 = jnp.maximum(t * inv_in + b2_ref[...], 0.0)
    hid = jnp.maximum(
        jnp.dot(h2, wc1_ref[...], preferred_element_type=jnp.float32)
        + bc1_ref[...], 0.0)
    out_ref[...] = (jnp.dot(hid, wc2_ref[...],
                            preferred_element_type=jnp.float32) + bc2_ref[...])


def kernel(node_features, edge_index, claim_node_idx,
           W_in, b_in, W0, b0, W1, b1, W2, b2, Wc1, bc1, Wc2, bc2):
    n, d = node_features.shape
    e = edge_index.shape[1]
    h = W_in.shape[1]
    hh = h // 2
    c_out = Wc2.shape[1]
    pad_row = n
    blk = 1000 if n % 1000 == 0 else 8 * max(1, n // (8 * 10))
    np_rows = -(-(n + 8) // (NTILES * CHUNK)) * (NTILES * CHUNK)
    ept = -(-e // NTILES)
    nchunk = -(-(-(-ept // CHUNK)) // 4) * 4
    tot = NTILES * nchunk * CHUNK

    src = edge_index[0]
    dst = edge_index[1]
    pad = jnp.full((tot - e,), pad_row, jnp.int32)
    srcp = jnp.concatenate([src, pad])
    dstp = jnp.concatenate([dst, pad])
    idx_deg = jnp.stack([srcp, dstp]).reshape(NCORES, NTILES, nchunk, CHUNK)
    idx_gather = jnp.stack([srcp, srcp + np_rows]).reshape(
        NCORES, NTILES, nchunk, CHUNK)
    idx_scatter = dstp.reshape(NTILES, nchunk, CHUNK)
    claim = jnp.asarray(claim_node_idx, jnp.int32).reshape(1, 1)
    b_in2 = b_in.reshape(1, h)

    counts = _sc_degree_kernel(np_rows, nchunk)(idx_deg)

    grid = n // blk
    cnt_spec = lambda which: pl.BlockSpec(
        (1, blk, CNTW), lambda r: (which, r, 0))
    half_spec = lambda which: pl.BlockSpec(
        (1, blk, hh), lambda r: (which, r, 0))
    out_spec = pl.BlockSpec((2, blk, hh), lambda r: (0, r, 0))
    full = lambda a, b: pl.BlockSpec((a, b), lambda r: (0, 0))

    hs = pl.pallas_call(
        functools.partial(_proj_body, hh),
        grid=(grid,),
        in_specs=[
            pl.BlockSpec((blk, d), lambda r: (r, 0)),
            full(d, h),
            full(1, h),
            cnt_spec(0),
        ],
        out_specs=out_spec,
        out_shape=jax.ShapeDtypeStruct((NCORES, np_rows, hh), jnp.float32),
    )(node_features, W_in, b_in2, counts)

    agg_fn = _sc_agg_kernel(np_rows, nchunk, hh)
    layer_fn = pl.pallas_call(
        functools.partial(_layer_body, hh),
        grid=(grid,),
        in_specs=[
            half_spec(0),
            half_spec(1),
            cnt_spec(1),
            cnt_spec(0),
            full(h, h),
            full(1, h),
        ],
        out_specs=out_spec,
        out_shape=jax.ShapeDtypeStruct((NCORES, np_rows, hh), jnp.float32),
    )

    for w, b in ((W0, b0), (W1, b1)):
        agg = agg_fn(hs.reshape(NCORES * np_rows, hh),
                     idx_gather, idx_scatter)
        hs = layer_fn(agg, agg, counts, counts, w, b.reshape(1, h))

    agg = agg_fn(hs.reshape(NCORES * np_rows, hh), idx_gather, idx_scatter)

    logits = pl.pallas_call(
        functools.partial(_head_body, n, hh),
        grid=(1,),
        in_specs=[
            pl.BlockSpec(memory_space=pltpu.SMEM),
            pl.BlockSpec((2, n, hh), lambda r: (0, 0, 0)),
            pl.BlockSpec((1, n, CNTW), lambda r: (1, 0, 0)),
            full(h, h),
            full(1, h),
            full(h, hh),
            full(1, hh),
            full(hh, c_out),
            full(1, c_out),
        ],
        out_specs=pl.BlockSpec((1, c_out), lambda r: (0, 0)),
        out_shape=jax.ShapeDtypeStruct((1, c_out), jnp.float32),
    )(claim, agg, counts, W2, b2.reshape(1, h), Wc1, bc1.reshape(1, hh),
      Wc2, bc2.reshape(1, c_out))
    return logits[0]

# --- scband reference (transcript-rebuilt; emitter-appended) ---
"""Pipeline reference for scband-gnnverdict-predictor-82635170775089 (READ-ONLY COPY).

The authoritative reference and input builder live on the scoring server;
editing this copy changes nothing except your own understanding.
"""

import jax, jax.numpy as jnp
import numpy as np

N = 10000
E = 160000
D = 768
H = 256
C = 3


def setup_inputs(seed: int = 0) -> dict:
    key = jax.random.key(seed)
    ks = jax.random.split(key, 16)
    node_features = jax.random.normal(ks[0], (N, D), dtype=jnp.float32)
    edge_index = jax.random.randint(ks[1], (2, E), 0, N, dtype=jnp.int32)
    claim_node_idx = 0
    s = 0.02
    W_in = jax.random.normal(ks[2], (D, H), dtype=jnp.float32) * s
    b_in = jnp.zeros((H,), dtype=jnp.float32)
    W0 = jax.random.normal(ks[3], (H, H), dtype=jnp.float32) * s
    b0 = jnp.zeros((H,), dtype=jnp.float32)
    W1 = jax.random.normal(ks[4], (H, H), dtype=jnp.float32) * s
    b1 = jnp.zeros((H,), dtype=jnp.float32)
    W2 = jax.random.normal(ks[5], (H, H), dtype=jnp.float32) * s
    b2 = jnp.zeros((H,), dtype=jnp.float32)
    Wc1 = jax.random.normal(ks[6], (H, H // 2), dtype=jnp.float32) * s
    bc1 = jnp.zeros((H // 2,), dtype=jnp.float32)
    Wc2 = jax.random.normal(ks[7], (H // 2, C), dtype=jnp.float32) * s
    bc2 = jnp.zeros((C,), dtype=jnp.float32)
    return {
        "node_features": node_features,
        "edge_index": edge_index,
        "claim_node_idx": claim_node_idx,
        "W_in": W_in, "b_in": b_in,
        "W0": W0, "b0": b0,
        "W1": W1, "b1": b1,
        "W2": W2, "b2": b2,
        "Wc1": Wc1, "bc1": bc1,
        "Wc2": Wc2, "bc2": bc2,
    }


def reference(node_features, edge_index, claim_node_idx, W_in, b_in, W0, b0, W1, b1, W2, b2, Wc1, bc1, Wc2, bc2):
    # DGL GraphConv (norm='both') equivalent: h' = relu( D_in^{-1/2} A D_out^{-1/2} h W + b )
    src = edge_index[0]
    dst = edge_index[1]
    deg_out = jnp.maximum(jnp.bincount(src, length=N), 1).astype(jnp.float32)
    deg_in = jnp.maximum(jnp.bincount(dst, length=N), 1).astype(jnp.float32)
    inv_out = deg_out ** -0.5
    inv_in = deg_in ** -0.5

    # input projection (no activation, matching torch code)
    h = node_features @ W_in + b_in

    for W, b in ((W0, b0), (W1, b1), (W2, b2)):
        m = h[src] * inv_out[src][:, None]            # gather + src-norm
        agg = jax.ops.segment_sum(m, dst, num_segments=N)  # scatter-add
        h = jax.nn.relu((agg * inv_in[:, None]) @ W + b)
        # dropout is identity in eval mode

    claim = h[claim_node_idx]
    hid = jax.nn.relu(claim @ Wc1 + bc1)
    logits = hid @ Wc2 + bc2
    return logits

if __name__ == "__main__":
    import jax
    _d = setup_inputs()
    print(jax.jit(kernel)(*tuple(_d.values())))

</pallas_src>

<mosaic_0001>
#map = affine_map<(d0, d1) -> (0, 0, 0, 0)>
#map1 = affine_map<(d0, d1) -> (0, 0, 0)>
module attributes {stable_mosaic.version = 14 : i64} {
  func.func @body(%arg0: i32, %arg1: i32, %arg2: memref<2x16x80x128xi32, #tpu.memory_space<hbm>>, %arg3: memref<2x10240x128xf32, #tpu.memory_space<hbm>>, %arg4: memref<80x128xi32, #tpu.memory_space<vmem>>, %arg5: memref<128x128xf32, #tpu.memory_space<vmem>>, %arg6: memref<10240x128xf32, #tpu.memory_space<vmem_shared>>) attributes {dimension_semantics = [#tpu.dimension_semantics<core_parallel>, #tpu.dimension_semantics<subcore_parallel>], iteration_bounds = array<i64: 2, 16>, scalar_prefetch = 0 : i64, scratch_operands = 3 : i64, tpu.core_type = #tpu.core_type<sc_vector_subcore>, window_params = [{transform_indices = #map}, {transform_indices = #map1}]} {
    "tpu.region"() ({
      %run_scoped3A = tpu.sem_alloc : memref<!tpu.dma_semaphore, #tpu.memory_space<semaphore_mem>>
      %dma_start3A = arith.constant 0 : i32
      %dma_start3A_46 = arith.constant 0 : i32
      %dma_start3A_47 = tpu.memref_slice %arg2[%arg0, %arg1, %dma_start3A, %dma_start3A_46] : memref<2x16x80x128xi32, #tpu.memory_space<hbm>> -> memref<1x1x80x128xi32, #tpu.memory_space<hbm>>
      %dma_start3A_48 = tpu.memref_squeeze %dma_start3A_47 : memref<1x1x80x128xi32, #tpu.memory_space<hbm>> -> memref<80x128xi32, #tpu.memory_space<hbm>>
      %dma_start3A_49 = arith.constant 0 : i32
      %dma_start3A_50 = arith.constant 0 : i32
      %dma_start3A_51 = tpu.memref_slice %arg2[%arg0, %arg1, %dma_start3A_49, %dma_start3A_50] : memref<2x16x80x128xi32, #tpu.memory_space<hbm>> -> memref<1x1x80x128xi32, #tpu.memory_space<hbm>>
      %dma_start3A_52 = tpu.memref_squeeze %dma_start3A_51 : memref<1x1x80x128xi32, #tpu.memory_space<hbm>> -> memref<80x128xi32, #tpu.memory_space<hbm>>
      tpu.enqueue_dma source(%dma_start3A_52 : memref<80x128xi32, #tpu.memory_space<hbm>>) target(%arg4 : memref<80x128xi32, #tpu.memory_space<vmem>>) target_semaphore(%run_scoped3A : memref<!tpu.dma_semaphore, #tpu.memory_space<semaphore_mem>>)
      %dma_wait3A = arith.constant 0 : i32
      %dma_wait3A_53 = arith.constant 0 : i32
      %dma_wait3A_54 = tpu.memref_slice %arg2[%arg0, %arg1, %dma_wait3A, %dma_wait3A_53] : memref<2x16x80x128xi32, #tpu.memory_space<hbm>> -> memref<1x1x80x128xi32, #tpu.memory_space<hbm>>
      %dma_wait3A_55 = tpu.memref_squeeze %dma_wait3A_54 : memref<1x1x80x128xi32, #tpu.memory_space<hbm>> -> memref<80x128xi32, #tpu.memory_space<hbm>>
      %dma_wait3A_56 = arith.constant 0 : i32
      %dma_wait3A_57 = arith.constant 0 : i32
      %dma_wait3A_58 = tpu.memref_slice %arg2[%arg0, %arg1, %dma_wait3A_56, %dma_wait3A_57] : memref<2x16x80x128xi32, #tpu.memory_space<hbm>> -> memref<1x1x80x128xi32, #tpu.memory_space<hbm>>
      %dma_wait3A_59 = tpu.memref_squeeze %dma_wait3A_58 : memref<1x1x80x128xi32, #tpu.memory_space<hbm>> -> memref<80x128xi32, #tpu.memory_space<hbm>>
      tpu.wait_dma2 semaphore(%run_scoped3A : memref<!tpu.dma_semaphore, #tpu.memory_space<semaphore_mem>>) src(%dma_wait3A_59 : memref<80x128xi32, #tpu.memory_space<hbm>>) dst(%arg4 : memref<80x128xi32, #tpu.memory_space<vmem>>)
      tpu.yield
    }) : () -> ()
    %broadcast_in_dim3A = arith.constant 0.000000e+00 : f32
    %broadcast_in_dim3A_0 = vector.broadcast %broadcast_in_dim3A : f32 to vector<16xf32>
    %scan3A = arith.constant 0 : i32
    %scan3A_1 = arith.constant 0 : i32
    %scan3A_2 = arith.constant 1024 : i32
    %scan3A_3 = arith.addi %scan3A_1, %scan3A_2 : i32
    %scan3A_4 = arith.constant 1 : i32
    %scan3A_5 = scf.for %scan3A_46 = %scan3A_1 to %scan3A_3 step %scan3A_4 iter_args(%scan3A_47 = %scan3A) -> (i32)  : i32 {
      %jit3A = arith.constant 8 : i32
      %div3A = arith.divsi %scan3A_46, %jit3A : i32
      %sign3A = arith.constant 0 : i32
      %sign3A_48 = arith.cmpi sgt, %scan3A_46, %sign3A : i32
      %sign3A_49 = arith.extui %sign3A_48 : i1 to i32
      %sign3A_50 = arith.constant 0 : i32
      %sign3A_51 = arith.cmpi slt, %scan3A_46, %sign3A_50 : i32
      %sign3A_52 = arith.extui %sign3A_51 : i1 to i32
      %sign3A_53 = arith.subi %sign3A_49, %sign3A_52 : i32
      %sign3A_54 = arith.constant 0 : i32
      %sign3A_55 = arith.cmpi sgt, %jit3A, %sign3A_54 : i32
      %sign3A_56 = arith.extui %sign3A_55 : i1 to i32
      %sign3A_57 = arith.constant 0 : i32
      %sign3A_58 = arith.cmpi slt, %jit3A, %sign3A_57 : i32
      %sign3A_59 = arith.extui %sign3A_58 : i1 to i32
      %sign3A_60 = arith.subi %sign3A_56, %sign3A_59 : i32
      %ne3A = arith.cmpi ne, %sign3A_53, %sign3A_60 : i32
      %rem3A = arith.remsi %scan3A_46, %jit3A : i32
      %ne3A_61 = arith.constant 0 : i32
      %ne3A_62 = arith.cmpi ne, %rem3A, %ne3A_61 : i32
      %and3A = arith.andi %ne3A, %ne3A_62 : i1
      %sub3A = arith.constant 1 : i32
      %sub3A_63 = arith.subi %div3A, %sub3A : i32
      %select_n3A = arith.select %and3A, %sub3A_63, %div3A : i32
      %jit3A_64 = arith.constant 8 : i32
      %eq3A = arith.constant 0 : i32
      %eq3A_65 = arith.cmpi eq, %jit3A_64, %eq3A : i32
      %jit3A_66 = arith.constant 1 : i32
      %select_n3A_67 = arith.select %eq3A_65, %jit3A_66, %jit3A_64 : i32
      %rem3A_68 = arith.remsi %scan3A_46, %select_n3A_67 : i32
      %ne3A_69 = arith.constant 0 : i32
      %ne3A_70 = arith.cmpi ne, %rem3A_68, %ne3A_69 : i32
      %lt3A = arith.constant 0 : i32
      %lt3A_71 = arith.cmpi slt, %rem3A_68, %lt3A : i32
      %lt3A_72 = arith.constant 0 : i32
      %lt3A_73 = arith.cmpi slt, %select_n3A_67, %lt3A_72 : i32
      %ne3A_74 = arith.xori %lt3A_71, %lt3A_73 : i1
      %and3A_75 = arith.andi %ne3A_74, %ne3A_70 : i1
      %add3A_76 = arith.addi %rem3A_68, %select_n3A_67 : i32
      %select_n3A_77 = arith.select %and3A_75, %add3A_76, %rem3A_68 : i32
      %mul3A_78 = arith.constant 16 : i32
      %mul3A_79 = arith.muli %select_n3A_77, %mul3A_78 : i32
      %swap3A = arith.index_cast %select_n3A : i32 to index
      %swap3A_80 = arith.index_cast %mul3A_79 : i32 to index
      %swap3A_81 = tpu.vector_load %arg5[%swap3A, %swap3A_80] {strides = array<i32>} : memref<128x128xf32, #tpu.memory_space<vmem>>, vector<1x16xf32>,
      %swap3A_82 = vector.shape_cast %swap3A_81 : vector<1x16xf32> to vector<16xf32>
      %swap3A_83 = vector.shape_cast %broadcast_in_dim3A_0 : vector<16xf32> to vector<1x16xf32>
      tpu.vector_store %arg5[%swap3A, %swap3A_80], %swap3A_83 {strides = array<i32>} : memref<128x128xf32, #tpu.memory_space<vmem>>, vector<1x16xf32>,
      %scan3A_84 = arith.constant 0 : i32
      scf.yield %scan3A_84 : i32
    }
    %scan3A_6 = arith.constant 1024 : i32
    %mul3A = arith.constant 640 : i32
    %mul3A_7 = arith.muli %arg1, %mul3A : i32
    %add3A = arith.constant 0 : i32
    %add3A_8 = arith.addi %mul3A_7, %add3A : i32
    "tpu.region"() ({
      %run_scoped3A = tpu.sem_alloc : memref<!tpu.dma_semaphore, #tpu.memory_space<semaphore_mem>>
      %dma_start3A = arith.constant 0 : i32
      %dma_start3A_46 = tpu.memref_slice %arg6[%add3A_8, %dma_start3A] : memref<10240x128xf32, #tpu.memory_space<vmem_shared>> -> memref<128x128xf32, #tpu.memory_space<vmem_shared>>
      %dma_start3A_47 = arith.constant 0 : i32
      %dma_start3A_48 = tpu.memref_slice %arg6[%add3A_8, %dma_start3A_47] : memref<10240x128xf32, #tpu.memory_space<vmem_shared>> -> memref<128x128xf32, #tpu.memory_space<vmem_shared>>
      tpu.enqueue_dma source(%arg5 : memref<128x128xf32, #tpu.memory_space<vmem>>) target(%dma_start3A_48 : memref<128x128xf32, #tpu.memory_space<vmem_shared>>) target_semaphore(%run_scoped3A : memref<!tpu.dma_semaphore, #tpu.memory_space<semaphore_mem>>)
      %dma_wait3A = arith.constant 0 : i32
      %dma_wait3A_49 = tpu.memref_slice %arg6[%add3A_8, %dma_wait3A] : memref<10240x128xf32, #tpu.memory_space<vmem_shared>> -> memref<128x128xf32, #tpu.memory_space<vmem_shared>>
      %dma_wait3A_50 = arith.constant 0 : i32
      %dma_wait3A_51 = tpu.memref_slice %arg6[%add3A_8, %dma_wait3A_50] : memref<10240x128xf32, #tpu.memory_space<vmem_shared>> -> memref<128x128xf32, #tpu.memory_space<vmem_shared>>
      tpu.wait_dma2 semaphore(%run_scoped3A : memref<!tpu.dma_semaphore, #tpu.memory_space<semaphore_mem>>) src(%arg5 : memref<128x128xf32, #tpu.memory_space<vmem>>) dst(%dma_wait3A_51 : memref<128x128xf32, #tpu.memory_space<vmem_shared>>)
      tpu.yield
    }) : () -> ()
    %mul3A_9 = arith.constant 640 : i32
    %mul3A_10 = arith.muli %arg1, %mul3A_9 : i32
    %add3A_11 = arith.constant 128 : i32
    %add3A_12 = arith.addi %mul3A_10, %add3A_11 : i32
    "tpu.region"() ({
      %run_scoped3A = tpu.sem_alloc : memref<!tpu.dma_semaphore, #tpu.memory_space<semaphore_mem>>
      %dma_start3A = arith.constant 0 : i32
      %dma_start3A_46 = tpu.memref_slice %arg6[%add3A_12, %dma_start3A] : memref<10240x128xf32, #tpu.memory_space<vmem_shared>> -> memref<128x128xf32, #tpu.memory_space<vmem_shared>>
      %dma_start3A_47 = arith.constant 0 : i32
      %dma_start3A_48 = tpu.memref_slice %arg6[%add3A_12, %dma_start3A_47] : memref<10240x128xf32, #tpu.memory_space<vmem_shared>> -> memref<128x128xf32, #tpu.memory_space<vmem_shared>>
      tpu.enqueue_dma source(%arg5 : memref<128x128xf32, #tpu.memory_space<vmem>>) target(%dma_start3A_48 : memref<128x128xf32, #tpu.memory_space<vmem_shared>>) target_semaphore(%run_scoped3A : memref<!tpu.dma_semaphore, #tpu.memory_space<semaphore_mem>>)
      %dma_wait3A = arith.constant 0 : i32
      %dma_wait3A_49 = tpu.memref_slice %arg6[%add3A_12, %dma_wait3A] : memref<10240x128xf32, #tpu.memory_space<vmem_shared>> -> memref<128x128xf32, #tpu.memory_space<vmem_shared>>
      %dma_wait3A_50 = arith.constant 0 : i32
      %dma_wait3A_51 = tpu.memref_slice %arg6[%add3A_12, %dma_wait3A_50] : memref<10240x128xf32, #tpu.memory_space<vmem_shared>> -> memref<128x128xf32, #tpu.memory_space<vmem_shared>>
      tpu.wait_dma2 semaphore(%run_scoped3A : memref<!tpu.dma_semaphore, #tpu.memory_space<semaphore_mem>>) src(%arg5 : memref<128x128xf32, #tpu.memory_space<vmem>>) dst(%dma_wait3A_51 : memref<128x128xf32, #tpu.memory_space<vmem_shared>>)
      tpu.yield
    }) : () -> ()
    %mul3A_13 = arith.constant 640 : i32
    %mul3A_14 = arith.muli %arg1, %mul3A_13 : i32
    %add3A_15 = arith.constant 256 : i32
    %add3A_16 = arith.addi %mul3A_14, %add3A_15 : i32
    "tpu.region"() ({
      %run_scoped3A = tpu.sem_alloc : memref<!tpu.dma_semaphore, #tpu.memory_space<semaphore_mem>>
      %dma_start3A = arith.constant 0 : i32
      %dma_start3A_46 = tpu.memref_slice %arg6[%add3A_16, %dma_start3A] : memref<10240x128xf32, #tpu.memory_space<vmem_shared>> -> memref<128x128xf32, #tpu.memory_space<vmem_shared>>
      %dma_start3A_47 = arith.constant 0 : i32
      %dma_start3A_48 = tpu.memref_slice %arg6[%add3A_16, %dma_start3A_47] : memref<10240x128xf32, #tpu.memory_space<vmem_shared>> -> memref<128x128xf32, #tpu.memory_space<vmem_shared>>
      tpu.enqueue_dma source(%arg5 : memref<128x128xf32, #tpu.memory_space<vmem>>) target(%dma_start3A_48 : memref<128x128xf32, #tpu.memory_space<vmem_shared>>) target_semaphore(%run_scoped3A : memref<!tpu.dma_semaphore, #tpu.memory_space<semaphore_mem>>)
      %dma_wait3A = arith.constant 0 : i32
      %dma_wait3A_49 = tpu.memref_slice %arg6[%add3A_16, %dma_wait3A] : memref<10240x128xf32, #tpu.memory_space<vmem_shared>> -> memref<128x128xf32, #tpu.memory_space<vmem_shared>>
      %dma_wait3A_50 = arith.constant 0 : i32
      %dma_wait3A_51 = tpu.memref_slice %arg6[%add3A_16, %dma_wait3A_50] : memref<10240x128xf32, #tpu.memory_space<vmem_shared>> -> memref<128x128xf32, #tpu.memory_space<vmem_shared>>
      tpu.wait_dma2 semaphore(%run_scoped3A : memref<!tpu.dma_semaphore, #tpu.memory_space<semaphore_mem>>) src(%arg5 : memref<128x128xf32, #tpu.memory_space<vmem>>) dst(%dma_wait3A_51 : memref<128x128xf32, #tpu.memory_space<vmem_shared>>)
      tpu.yield
    }) : () -> ()
    %mul3A_17 = arith.constant 640 : i32
    %mul3A_18 = arith.muli %arg1, %mul3A_17 : i32
    %add3A_19 = arith.constant 384 : i32
    %add3A_20 = arith.addi %mul3A_18, %add3A_19 : i32
    "tpu.region"() ({
      %run_scoped3A = tpu.sem_alloc : memref<!tpu.dma_semaphore, #tpu.memory_space<semaphore_mem>>
      %dma_start3A = arith.constant 0 : i32
      %dma_start3A_46 = tpu.memref_slice %arg6[%add3A_20, %dma_start3A] : memref<10240x128xf32, #tpu.memory_space<vmem_shared>> -> memref<128x128xf32, #tpu.memory_space<vmem_shared>>
      %dma_start3A_47 = arith.constant 0 : i32
      %dma_start3A_48 = tpu.memref_slice %arg6[%add3A_20, %dma_start3A_47] : memref<10240x128xf32, #tpu.memory_space<vmem_shared>> -> memref<128x128xf32, #tpu.memory_space<vmem_shared>>
      tpu.enqueue_dma source(%arg5 : memref<128x128xf32, #tpu.memory_space<vmem>>) target(%dma_start3A_48 : memref<128x128xf32, #tpu.memory_space<vmem_shared>>) target_semaphore(%run_scoped3A : memref<!tpu.dma_semaphore, #tpu.memory_space<semaphore_mem>>)
      %dma_wait3A = arith.constant 0 : i32
      %dma_wait3A_49 = tpu.memref_slice %arg6[%add3A_20, %dma_wait3A] : memref<10240x128xf32, #tpu.memory_space<vmem_shared>> -> memref<128x128xf32, #tpu.memory_space<vmem_shared>>
      %dma_wait3A_50 = arith.constant 0 : i32
      %dma_wait3A_51 = tpu.memref_slice %arg6[%add3A_20, %dma_wait3A_50] : memref<10240x128xf32, #tpu.memory_space<vmem_shared>> -> memref<128x128xf32, #tpu.memory_space<vmem_shared>>
      tpu.wait_dma2 semaphore(%run_scoped3A : memref<!tpu.dma_semaphore, #tpu.memory_space<semaphore_mem>>) src(%arg5 : memref<128x128xf32, #tpu.memory_space<vmem>>) dst(%dma_wait3A_51 : memref<128x128xf32, #tpu.memory_space<vmem_shared>>)
      tpu.yield
    }) : () -> ()
    %mul3A_21 = arith.constant 640 : i32
    %mul3A_22 = arith.muli %arg1, %mul3A_21 : i32
    %add3A_23 = arith.constant 512 : i32
    %add3A_24 = arith.addi %mul3A_22, %add3A_23 : i32
    "tpu.region"() ({
      %run_scoped3A = tpu.sem_alloc : memref<!tpu.dma_semaphore, #tpu.memory_space<semaphore_mem>>
      %dma_start3A = arith.constant 0 : i32
      %dma_start3A_46 = tpu.memref_slice %arg6[%add3A_24, %dma_start3A] : memref<10240x128xf32, #tpu.memory_space<vmem_shared>> -> memref<128x128xf32, #tpu.memory_space<vmem_shared>>
      %dma_start3A_47 = arith.constant 0 : i32
      %dma_start3A_48 = tpu.memref_slice %arg6[%add3A_24, %dma_start3A_47] : memref<10240x128xf32, #tpu.memory_space<vmem_shared>> -> memref<128x128xf32, #tpu.memory_space<vmem_shared>>
      tpu.enqueue_dma source(%arg5 : memref<128x128xf32, #tpu.memory_space<vmem>>) target(%dma_start3A_48 : memref<128x128xf32, #tpu.memory_space<vmem_shared>>) target_semaphore(%run_scoped3A : memref<!tpu.dma_semaphore, #tpu.memory_space<semaphore_mem>>)
      %dma_wait3A = arith.constant 0 : i32
      %dma_wait3A_49 = tpu.memref_slice %arg6[%add3A_24, %dma_wait3A] : memref<10240x128xf32, #tpu.memory_space<vmem_shared>> -> memref<128x128xf32, #tpu.memory_space<vmem_shared>>
      %dma_wait3A_50 = arith.constant 0 : i32
      %dma_wait3A_51 = tpu.memref_slice %arg6[%add3A_24, %dma_wait3A_50] : memref<10240x128xf32, #tpu.memory_space<vmem_shared>> -> memref<128x128xf32, #tpu.memory_space<vmem_shared>>
      tpu.wait_dma2 semaphore(%run_scoped3A : memref<!tpu.dma_semaphore, #tpu.memory_space<semaphore_mem>>) src(%arg5 : memref<128x128xf32, #tpu.memory_space<vmem>>) dst(%dma_wait3A_51 : memref<128x128xf32, #tpu.memory_space<vmem_shared>>)
      tpu.yield
    }) : () -> ()
    %broadcast_in_dim3A_25 = arith.constant 1.000000e+00 : f32
    %broadcast_in_dim3A_26 = vector.broadcast %broadcast_in_dim3A_25 : f32 to vector<16xf32>
    %scan3A_27 = arith.constant 0 : i32
    %scan3A_28 = arith.constant 0 : i32
    %scan3A_29 = arith.constant 1024 : i32
    %scan3A_30 = arith.addi %scan3A_28, %scan3A_29 : i32
    %scan3A_31 = arith.constant 1 : i32
    %scan3A_32 = scf.for %scan3A_46 = %scan3A_28 to %scan3A_30 step %scan3A_31 iter_args(%scan3A_47 = %scan3A_27) -> (i32)  : i32 {
      %jit3A = arith.constant 8 : i32
      %div3A = arith.divsi %scan3A_46, %jit3A : i32
      %sign3A = arith.constant 0 : i32
      %sign3A_48 = arith.cmpi sgt, %scan3A_46, %sign3A : i32
      %sign3A_49 = arith.extui %sign3A_48 : i1 to i32
      %sign3A_50 = arith.constant 0 : i32
      %sign3A_51 = arith.cmpi slt, %scan3A_46, %sign3A_50 : i32
      %sign3A_52 = arith.extui %sign3A_51 : i1 to i32
      %sign3A_53 = arith.subi %sign3A_49, %sign3A_52 : i32
      %sign3A_54 = arith.constant 0 : i32
      %sign3A_55 = arith.cmpi sgt, %jit3A, %sign3A_54 : i32
      %sign3A_56 = arith.extui %sign3A_55 : i1 to i32
      %sign3A_57 = arith.constant 0 : i32
      %sign3A_58 = arith.cmpi slt, %jit3A, %sign3A_57 : i32
      %sign3A_59 = arith.extui %sign3A_58 : i1 to i32
      %sign3A_60 = arith.subi %sign3A_56, %sign3A_59 : i32
      %ne3A = arith.cmpi ne, %sign3A_53, %sign3A_60 : i32
      %rem3A = arith.remsi %scan3A_46, %jit3A : i32
      %ne3A_61 = arith.constant 0 : i32
      %ne3A_62 = arith.cmpi ne, %rem3A, %ne3A_61 : i32
      %and3A = arith.andi %ne3A, %ne3A_62 : i1
      %sub3A = arith.constant 1 : i32
      %sub3A_63 = arith.subi %div3A, %sub3A : i32
      %select_n3A = arith.select %and3A, %sub3A_63, %div3A : i32
      %jit3A_64 = arith.constant 8 : i32
      %eq3A = arith.constant 0 : i32
      %eq3A_65 = arith.cmpi eq, %jit3A_64, %eq3A : i32
      %jit3A_66 = arith.constant 1 : i32
      %select_n3A_67 = arith.select %eq3A_65, %jit3A_66, %jit3A_64 : i32
      %rem3A_68 = arith.remsi %scan3A_46, %select_n3A_67 : i32
      %ne3A_69 = arith.constant 0 : i32
      %ne3A_70 = arith.cmpi ne, %rem3A_68, %ne3A_69 : i32
      %lt3A = arith.constant 0 : i32
      %lt3A_71 = arith.cmpi slt, %rem3A_68, %lt3A : i32
      %lt3A_72 = arith.constant 0 : i32
      %lt3A_73 = arith.cmpi slt, %select_n3A_67, %lt3A_72 : i32
      %ne3A_74 = arith.xori %lt3A_71, %lt3A_73 : i1
      %and3A_75 = arith.andi %ne3A_74, %ne3A_70 : i1
      %add3A_76 = arith.addi %rem3A_68, %select_n3A_67 : i32
      %select_n3A_77 = arith.select %and3A_75, %add3A_76, %rem3A_68 : i32
      %mul3A_78 = arith.constant 16 : i32
      %mul3A_79 = arith.muli %select_n3A_77, %mul3A_78 : i32
      %swap3A = arith.index_cast %select_n3A : i32 to index
      %swap3A_80 = arith.index_cast %mul3A_79 : i32 to index
      %swap3A_81 = tpu.vector_load %arg5[%swap3A, %swap3A_80] {strides = array<i32>} : memref<128x128xf32, #tpu.memory_space<vmem>>, vector<1x16xf32>,
      %swap3A_82 = vector.shape_cast %swap3A_81 : vector<1x16xf32> to vector<16xf32>
      %swap3A_83 = vector.shape_cast %broadcast_in_dim3A_26 : vector<16xf32> to vector<1x16xf32>
      tpu.vector_store %arg5[%swap3A, %swap3A_80], %swap3A_83 {strides = array<i32>} : memref<128x128xf32, #tpu.memory_space<vmem>>, vector<1x16xf32>,
      %scan3A_84 = arith.constant 0 : i32
      scf.yield %scan3A_84 : i32
    }
    %scan3A_33 = arith.constant 1024 : i32
    %barrier3A = arith.constant 0 : index
    tpu.barrier barrier_id(%barrier3A)
    %scan3A_34 = arith.constant 0 : i32
    %scan3A_35 = arith.constant 0 : i32
    %scan3A_36 = arith.constant 80 : i32
    %scan3A_37 = arith.addi %scan3A_35, %scan3A_36 : i32
    %scan3A_38 = arith.constant 1 : i32
    %scan3A_39 = scf.for %scan3A_46 = %scan3A_35 to %scan3A_37 step %scan3A_38 iter_args(%scan3A_47 = %scan3A_34) -> (i32)  : i32 {
      "tpu.region"() ({
        %run_scoped3A = tpu.sem_alloc : memref<!tpu.dma_semaphore, #tpu.memory_space<semaphore_mem>>
        %dma_start3A = arith.constant 0 : i32
        %dma_start3A_49 = tpu.memref_slice %arg4[%scan3A_46, %dma_start3A] : memref<80x128xi32, #tpu.memory_space<vmem>> -> memref<1x128xi32, #tpu.memory_space<vmem>>
        %dma_start3A_50 = tpu.memref_squeeze %dma_start3A_49 : memref<1x128xi32, #tpu.memory_space<vmem>> -> memref<128xi32, #tpu.memory_space<vmem>>
        %dma_start3A_51 = arith.constant 0 : i32
        %dma_start3A_52 = arith.constant 0 : i32
        %dma_start3A_53 = tpu.memref_slice %arg6[%dma_start3A_51, %dma_start3A_52] : memref<10240x128xf32, #tpu.memory_space<vmem_shared>> -> memref<10240x128xf32, #tpu.memory_space<vmem_shared>>
        tpu.enqueue_indirect_dma source(%arg5 : memref<128x128xf32, #tpu.memory_space<vmem>>) target(%dma_start3A_53 : memref<10240x128xf32, #tpu.memory_space<vmem_shared>>) offsets(%dma_start3A_50 : memref<128xi32, #tpu.memory_space<vmem>>) semaphore(%run_scoped3A : memref<!tpu.dma_semaphore, #tpu.memory_space<semaphore_mem>>) {add = true}
        %dma_wait3A = arith.constant 0 : i32
        %dma_wait3A_54 = tpu.memref_slice %arg4[%scan3A_46, %dma_wait3A] : memref<80x128xi32, #tpu.memory_space<vmem>> -> memref<1x128xi32, #tpu.memory_space<vmem>>
        %dma_wait3A_55 = tpu.memref_squeeze %dma_wait3A_54 : memref<1x128xi32, #tpu.memory_space<vmem>> -> memref<128xi32, #tpu.memory_space<vmem>>
        %dma_wait3A_56 = arith.constant 0 : i32
        %dma_wait3A_57 = arith.constant 0 : i32
        %dma_wait3A_58 = tpu.memref_slice %arg6[%dma_wait3A_56, %dma_wait3A_57] : memref<10240x128xf32, #tpu.memory_space<vmem_shared>> -> memref<10240x128xf32, #tpu.memory_space<vmem_shared>>
        tpu.wait_indirect_dma semaphore(%run_scoped3A : memref<!tpu.dma_semaphore, #tpu.memory_space<semaphore_mem>>) src(%arg5 : memref<128x128xf32, #tpu.memory_space<vmem>>) dst(%dma_wait3A_58 : memref<10240x128xf32, #tpu.memory_space<vmem_shared>>)
        tpu.yield
      }) : () -> ()
      %scan3A_48 = arith.constant 0 : i32
      scf.yield %scan3A_48 : i32
    }
    %scan3A_40 = arith.constant 80 : i32
    %barrier3A_41 = arith.constant 0 : index
    tpu.barrier barrier_id(%barrier3A_41)
    %mul3A_42 = arith.constant 640 : i32
    %mul3A_43 = arith.muli %arg1, %mul3A_42 : i32
    %mul3A_44 = arith.constant 640 : i32
    %mul3A_45 = arith.muli %arg1, %mul3A_44 : i32
    "tpu.region"() ({
      %run_scoped3A = tpu.sem_alloc : memref<!tpu.dma_semaphore, #tpu.memory_space<semaphore_mem>>
      %dma_start3A = arith.constant 0 : i32
      %dma_start3A_46 = tpu.memref_slice %arg3[%arg0, %mul3A_45, %dma_start3A] : memref<2x10240x128xf32, #tpu.memory_space<hbm>> -> memref<1x640x128xf32, #tpu.memory_space<hbm>>
      %dma_start3A_47 = tpu.memref_squeeze %dma_start3A_46 : memref<1x640x128xf32, #tpu.memory_space<hbm>> -> memref<640x128xf32, #tpu.memory_space<hbm>>
      %dma_start3A_48 = arith.constant 0 : i32
      %dma_start3A_49 = tpu.memref_slice %arg6[%mul3A_43, %dma_start3A_48] : memref<10240x128xf32, #tpu.memory_space<vmem_shared>> -> memref<640x128xf32, #tpu.memory_space<vmem_shared>>
      tpu.enqueue_dma source(%dma_start3A_49 : memref<640x128xf32, #tpu.memory_space<vmem_shared>>) target(%dma_start3A_47 : memref<640x128xf32, #tpu.memory_space<hbm>>) target_semaphore(%run_scoped3A : memref<!tpu.dma_semaphore, #tpu.memory_space<semaphore_mem>>)
      %dma_wait3A = arith.constant 0 : i32
      %dma_wait3A_50 = tpu.memref_slice %arg3[%arg0, %mul3A_45, %dma_wait3A] : memref<2x10240x128xf32, #tpu.memory_space<hbm>> -> memref<1x640x128xf32, #tpu.memory_space<hbm>>
      %dma_wait3A_51 = tpu.memref_squeeze %dma_wait3A_50 : memref<1x640x128xf32, #tpu.memory_space<hbm>> -> memref<640x128xf32, #tpu.memory_space<hbm>>
      %dma_wait3A_52 = arith.constant 0 : i32
      %dma_wait3A_53 = tpu.memref_slice %arg6[%mul3A_43, %dma_wait3A_52] : memref<10240x128xf32, #tpu.memory_space<vmem_shared>> -> memref<640x128xf32, #tpu.memory_space<vmem_shared>>
      tpu.wait_dma2 semaphore(%run_scoped3A : memref<!tpu.dma_semaphore, #tpu.memory_space<semaphore_mem>>) src(%dma_wait3A_53 : memref<640x128xf32, #tpu.memory_space<vmem_shared>>) dst(%dma_wait3A_51 : memref<640x128xf32, #tpu.memory_space<hbm>>)
      tpu.yield
    }) : () -> ()
    return
  }
}

#map = affine_map<(d0, d1) -> (0, 0)>
#map1 = affine_map<(d0, d1) -> (0, 0, 0, 0)>
#map2 = affine_map<(d0, d1) -> (0, 0, 0)>
module attributes {stable_mosaic.version = 14 : i64} {
  func.func @body(%arg0: i32, %arg1: i32, %arg2: memref<20480x128xf32, #tpu.memory_space<hbm>>, %arg3: memref<2x16x80x128xi32, #tpu.memory_space<hbm>>, %arg4: memref<16x80x128xi32, #tpu.memory_space<hbm>>, %arg5: memref<2x10240x128xf32, #tpu.memory_space<hbm>>, %arg6: memref<40x128xi32, #tpu.memory_space<vmem>>, %arg7: memref<40x128xi32, #tpu.memory_space<vmem>>, %arg8: memref<128x128xf32, #tpu.memory_space<vmem>>, %arg9: memref<128x128xf32, #tpu.memory_space<vmem>>, %arg10: memref<10240x128xf32, #tpu.memory_space<vmem_shared>>, %arg11: memref<!tpu.dma_semaphore, #tpu.memory_space<semaphore_mem>>, %arg12: memref<!tpu.dma_semaphore, #tpu.memory_space<semaphore_mem>>) attributes {dimension_semantics = [#tpu.dimension_semantics<core_parallel>, #tpu.dimension_semantics<subcore_parallel>], iteration_bounds = array<i64: 2, 16>, scalar_prefetch = 0 : i64, scratch_operands = 7 : i64, tpu.core_type = #tpu.core_type<sc_vector_subcore>, window_params = [{transform_indices = #map}, {transform_indices = #map1}, {transform_indices = #map2}, {transform_indices = #map2}]} {
    "tpu.region"() ({
      %run_scoped3A = tpu.sem_alloc : memref<!tpu.dma_semaphore, #tpu.memory_space<semaphore_mem>>
      %dma_start3A_71 = arith.constant 0 : i32
      %dma_start3A_72 = arith.constant 0 : i32
      %dma_start3A_73 = tpu.memref_slice %arg3[%arg0, %arg1, %dma_start3A_71, %dma_start3A_72] : memref<2x16x80x128xi32, #tpu.memory_space<hbm>> -> memref<1x1x40x128xi32, #tpu.memory_space<hbm>>
      %dma_start3A_74 = tpu.memref_squeeze %dma_start3A_73 : memref<1x1x40x128xi32, #tpu.memory_space<hbm>> -> memref<40x128xi32, #tpu.memory_space<hbm>>
      %dma_start3A_75 = arith.constant 0 : i32
      %dma_start3A_76 = arith.constant 0 : i32
      %dma_start3A_77 = tpu.memref_slice %arg3[%arg0, %arg1, %dma_start3A_75, %dma_start3A_76] : memref<2x16x80x128xi32, #tpu.memory_space<hbm>> -> memref<1x1x40x128xi32, #tpu.memory_space<hbm>>
      %dma_start3A_78 = tpu.memref_squeeze %dma_start3A_77 : memref<1x1x40x128xi32, #tpu.memory_space<hbm>> -> memref<40x128xi32, #tpu.memory_space<hbm>>
      tpu.enqueue_dma source(%dma_start3A_78 : memref<40x128xi32, #tpu.memory_space<hbm>>) target(%arg6 : memref<40x128xi32, #tpu.memory_space<vmem>>) target_semaphore(%run_scoped3A : memref<!tpu.dma_semaphore, #tpu.memory_space<semaphore_mem>>)
      %dma_wait3A = arith.constant 0 : i32
      %dma_wait3A_79 = arith.constant 0 : i32
      %dma_wait3A_80 = tpu.memref_slice %arg3[%arg0, %arg1, %dma_wait3A, %dma_wait3A_79] : memref<2x16x80x128xi32, #tpu.memory_space<hbm>> -> memref<1x1x40x128xi32, #tpu.memory_space<hbm>>
      %dma_wait3A_81 = tpu.memref_squeeze %dma_wait3A_80 : memref<1x1x40x128xi32, #tpu.memory_space<hbm>> -> memref<40x128xi32, #tpu.memory_space<hbm>>
      %dma_wait3A_82 = arith.constant 0 : i32
      %dma_wait3A_83 = arith.constant 0 : i32
      %dma_wait3A_84 = tpu.memref_slice %arg3[%arg0, %arg1, %dma_wait3A_82, %dma_wait3A_83] : memref<2x16x80x128xi32, #tpu.memory_space<hbm>> -> memref<1x1x40x128xi32, #tpu.memory_space<hbm>>
      %dma_wait3A_85 = tpu.memref_squeeze %dma_wait3A_84 : memref<1x1x40x128xi32, #tpu.memory_space<hbm>> -> memref<40x128xi32, #tpu.memory_space<hbm>>
      tpu.wait_dma2 semaphore(%run_scoped3A : memref<!tpu.dma_semaphore, #tpu.memory_space<semaphore_mem>>) src(%dma_wait3A_85 : memref<40x128xi32, #tpu.memory_space<hbm>>) dst(%arg6 : memref<40x128xi32, #tpu.memory_space<vmem>>)
      tpu.yield
    }) : () -> ()
    "tpu.region"() ({
      %run_scoped3A = tpu.sem_alloc : memref<!tpu.dma_semaphore, #tpu.memory_space<semaphore_mem>>
      %dma_start3A_71 = arith.constant 0 : i32
      %dma_start3A_72 = arith.constant 0 : i32
      %dma_start3A_73 = tpu.memref_slice %arg4[%arg1, %dma_start3A_71, %dma_start3A_72] : memref<16x80x128xi32, #tpu.memory_space<hbm>> -> memref<1x40x128xi32, #tpu.memory_space<hbm>>
      %dma_start3A_74 = tpu.memref_squeeze %dma_start3A_73 : memref<1x40x128xi32, #tpu.memory_space<hbm>> -> memref<40x128xi32, #tpu.memory_space<hbm>>
      %dma_start3A_75 = arith.constant 0 : i32
      %dma_start3A_76 = arith.constant 0 : i32
      %dma_start3A_77 = tpu.memref_slice %arg4[%arg1, %dma_start3A_75, %dma_start3A_76] : memref<16x80x128xi32, #tpu.memory_space<hbm>> -> memref<1x40x128xi32, #tpu.memory_space<hbm>>
      %dma_start3A_78 = tpu.memref_squeeze %dma_start3A_77 : memref<1x40x128xi32, #tpu.memory_space<hbm>> -> memref<40x128xi32, #tpu.memory_space<hbm>>
      tpu.enqueue_dma source(%dma_start3A_78 : memref<40x128xi32, #tpu.memory_space<hbm>>) target(%arg7 : memref<40x128xi32, #tpu.memory_space<vmem>>) target_semaphore(%run_scoped3A : memref<!tpu.dma_semaphore, #tpu.memory_space<semaphore_mem>>)
      %dma_wait3A = arith.constant 0 : i32
      %dma_wait3A_79 = arith.constant 0 : i32
      %dma_wait3A_80 = tpu.memref_slice %arg4[%arg1, %dma_wait3A, %dma_wait3A_79] : memref<16x80x128xi32, #tpu.memory_space<hbm>> -> memref<1x40x128xi32, #tpu.memory_space<hbm>>
      %dma_wait3A_81 = tpu.memref_squeeze %dma_wait3A_80 : memref<1x40x128xi32, #tpu.memory_space<hbm>> -> memref<40x128xi32, #tpu.memory_space<hbm>>
      %dma_wait3A_82 = arith.constant 0 : i32
      %dma_wait3A_83 = arith.constant 0 : i32
      %dma_wait3A_84 = tpu.memref_slice %arg4[%arg1, %dma_wait3A_82, %dma_wait3A_83] : memref<16x80x128xi32, #tpu.memory_space<hbm>> -> memref<1x40x128xi32, #tpu.memory_space<hbm>>
      %dma_wait3A_85 = tpu.memref_squeeze %dma_wait3A_84 : memref<1x40x128xi32, #tpu.memory_space<hbm>> -> memref<40x128xi32, #tpu.memory_space<hbm>>
      tpu.wait_dma2 semaphore(%run_scoped3A : memref<!tpu.dma_semaphore, #tpu.memory_space<semaphore_mem>>) src(%dma_wait3A_85 : memref<40x128xi32, #tpu.memory_space<hbm>>) dst(%arg7 : memref<40x128xi32, #tpu.memory_space<vmem>>)
      tpu.yield
    }) : () -> ()
    %dma_start3A = arith.constant 0 : i32
    %dma_start3A_0 = arith.constant 0 : i32
    %dma_start3A_1 = tpu.memref_slice %arg6[%dma_start3A, %dma_start3A_0] : memref<40x128xi32, #tpu.memory_space<vmem>> -> memref<1x128xi32, #tpu.memory_space<vmem>>
    %dma_start3A_2 = tpu.memref_squeeze %dma_start3A_1 : memref<1x128xi32, #tpu.memory_space<vmem>> -> memref<128xi32, #tpu.memory_space<vmem>>
    %dma_start3A_3 = arith.constant 0 : i32
    %dma_start3A_4 = arith.constant 0 : i32
    %dma_start3A_5 = tpu.memref_slice %arg2[%dma_start3A_3, %dma_start3A_4] : memref<20480x128xf32, #tpu.memory_space<hbm>> -> memref<20480x128xf32, #tpu.memory_space<hbm>>
    tpu.enqueue_indirect_dma source(%dma_start3A_5 : memref<20480x128xf32, #tpu.memory_space<hbm>>) target(%arg8 : memref<128x128xf32, #tpu.memory_space<vmem>>) offsets(%dma_start3A_2 : memref<128xi32, #tpu.memory_space<vmem>>) semaphore(%arg11 : memref<!tpu.dma_semaphore, #tpu.memory_space<semaphore_mem>>)
    %broadcast_in_dim3A = arith.constant 0.000000e+00 : f32
    %broadcast_in_dim3A_6 = vector.broadcast %broadcast_in_dim3A : f32 to vector<16xf32>
    %scan3A = arith.constant 0 : i32
    %scan3A_7 = arith.constant 0 : i32
    %scan3A_8 = arith.constant 1024 : i32
    %scan3A_9 = arith.addi %scan3A_7, %scan3A_8 : i32
    %scan3A_10 = arith.constant 1 : i32
    %scan3A_11 = scf.for %scan3A_71 = %scan3A_7 to %scan3A_9 step %scan3A_10 iter_args(%scan3A_72 = %scan3A) -> (i32)  : i32 {
      %jit3A = arith.constant 8 : i32
      %div3A = arith.divsi %scan3A_71, %jit3A : i32
      %sign3A = arith.constant 0 : i32
      %sign3A_73 = arith.cmpi sgt, %scan3A_71, %sign3A : i32
      %sign3A_74 = arith.extui %sign3A_73 : i1 to i32
      %sign3A_75 = arith.constant 0 : i32
      %sign3A_76 = arith.cmpi slt, %scan3A_71, %sign3A_75 : i32
      %sign3A_77 = arith.extui %sign3A_76 : i1 to i32
      %sign3A_78 = arith.subi %sign3A_74, %sign3A_77 : i32
      %sign3A_79 = arith.constant 0 : i32
      %sign3A_80 = arith.cmpi sgt, %jit3A, %sign3A_79 : i32
      %sign3A_81 = arith.extui %sign3A_80 : i1 to i32
      %sign3A_82 = arith.constant 0 : i32
      %sign3A_83 = arith.cmpi slt, %jit3A, %sign3A_82 : i32
      %sign3A_84 = arith.extui %sign3A_83 : i1 to i32
      %sign3A_85 = arith.subi %sign3A_81, %sign3A_84 : i32
      %ne3A = arith.cmpi ne, %sign3A_78, %sign3A_85 : i32
      %rem3A = arith.remsi %scan3A_71, %jit3A : i32
      %ne3A_86 = arith.constant 0 : i32
      %ne3A_87 = arith.cmpi ne, %rem3A, %ne3A_86 : i32
      %and3A = arith.andi %ne3A, %ne3A_87 : i1
      %sub3A = arith.constant 1 : i32
      %sub3A_88 = arith.subi %div3A, %sub3A : i32
      %select_n3A = arith.select %and3A, %sub3A_88, %div3A : i32
      %jit3A_89 = arith.constant 8 : i32
      %eq3A = arith.constant 0 : i32
      %eq3A_90 = arith.cmpi eq, %jit3A_89, %eq3A : i32
      %jit3A_91 = arith.constant 1 : i32
      %select_n3A_92 = arith.select %eq3A_90, %jit3A_91, %jit3A_89 : i32
      %rem3A_93 = arith.remsi %scan3A_71, %select_n3A_92 : i32
      %ne3A_94 = arith.constant 0 : i32
      %ne3A_95 = arith.cmpi ne, %rem3A_93, %ne3A_94 : i32
      %lt3A = arith.constant 0 : i32
      %lt3A_96 = arith.cmpi slt, %rem3A_93, %lt3A : i32
      %lt3A_97 = arith.constant 0 : i32
      %lt3A_98 = arith.cmpi slt, %select_n3A_92, %lt3A_97 : i32
      %ne3A_99 = arith.xori %lt3A_96, %lt3A_98 : i1
      %and3A_100 = arith.andi %ne3A_99, %ne3A_95 : i1
      %add3A_101 = arith.addi %rem3A_93, %select_n3A_92 : i32
      %select_n3A_102 = arith.select %and3A_100, %add3A_101, %rem3A_93 : i32
      %mul3A_103 = arith.constant 16 : i32
      %mul3A_104 = arith.muli %select_n3A_102, %mul3A_103 : i32
      %swap3A = arith.index_cast %select_n3A : i32 to index
      %swap3A_105 = arith.index_cast %mul3A_104 : i32 to index
      %swap3A_106 = tpu.vector_load %arg9[%swap3A, %swap3A_105] {strides = array<i32>} : memref<128x128xf32, #tpu.memory_space<vmem>>, vector<1x16xf32>,
      %swap3A_107 = vector.shape_cast %swap3A_106 : vector<1x16xf32> to vector<16xf32>
      %swap3A_108 = vector.shape_cast %broadcast_in_dim3A_6 : vector<16xf32> to vector<1x16xf32>
      tpu.vector_store %arg9[%swap3A, %swap3A_105], %swap3A_108 {strides = array<i32>} : memref<128x128xf32, #tpu.memory_space<vmem>>, vector<1x16xf32>,
      %scan3A_109 = arith.constant 0 : i32
      scf.yield %scan3A_109 : i32
    }
    %scan3A_12 = arith.constant 1024 : i32
    %mul3A = arith.constant 640 : i32
    %mul3A_13 = arith.muli %arg1, %mul3A : i32
    %add3A = arith.constant 0 : i32
    %add3A_14 = arith.addi %mul3A_13, %add3A : i32
    "tpu.region"() ({
      %run_scoped3A = tpu.sem_alloc : memref<!tpu.dma_semaphore, #tpu.memory_space<semaphore_mem>>
      %dma_start3A_71 = arith.constant 0 : i32
      %dma_start3A_72 = tpu.memref_slice %arg10[%add3A_14, %dma_start3A_71] : memref<10240x128xf32, #tpu.memory_space<vmem_shared>> -> memref<128x128xf32, #tpu.memory_space<vmem_shared>>
      %dma_start3A_73 = arith.constant 0 : i32
      %dma_start3A_74 = tpu.memref_slice %arg10[%add3A_14, %dma_start3A_73] : memref<10240x128xf32, #tpu.memory_space<vmem_shared>> -> memref<128x128xf32, #tpu.memory_space<vmem_shared>>
      tpu.enqueue_dma source(%arg9 : memref<128x128xf32, #tpu.memory_space<vmem>>) target(%dma_start3A_74 : memref<128x128xf32, #tpu.memory_space<vmem_shared>>) target_semaphore(%run_scoped3A : memref<!tpu.dma_semaphore, #tpu.memory_space<semaphore_mem>>)
      %dma_wait3A = arith.constant 0 : i32
      %dma_wait3A_75 = tpu.memref_slice %arg10[%add3A_14, %dma_wait3A] : memref<10240x128xf32, #tpu.memory_space<vmem_shared>> -> memref<128x128xf32, #tpu.memory_space<vmem_shared>>
      %dma_wait3A_76 = arith.constant 0 : i32
      %dma_wait3A_77 = tpu.memref_slice %arg10[%add3A_14, %dma_wait3A_76] : memref<10240x128xf32, #tpu.memory_space<vmem_shared>> -> memref<128x128xf32, #tpu.memory_space<vmem_shared>>
      tpu.wait_dma2 semaphore(%run_scoped3A : memref<!tpu.dma_semaphore, #tpu.memory_space<semaphore_mem>>) src(%arg9 : memref<128x128xf32, #tpu.memory_space<vmem>>) dst(%dma_wait3A_77 : memref<128x128xf32, #tpu.memory_space<vmem_shared>>)
      tpu.yield
    }) : () -> ()
    %mul3A_15 = arith.constant 640 : i32
    %mul3A_16 = arith.muli %arg1, %mul3A_15 : i32
    %add3A_17 = arith.constant 128 : i32
    %add3A_18 = arith.addi %mul3A_16, %add3A_17 : i32
    "tpu.region"() ({
      %run_scoped3A = tpu.sem_alloc : memref<!tpu.dma_semaphore, #tpu.memory_space<semaphore_mem>>
      %dma_start3A_71 = arith.constant 0 : i32
      %dma_start3A_72 = tpu.memref_slice %arg10[%add3A_18, %dma_start3A_71] : memref<10240x128xf32, #tpu.memory_space<vmem_shared>> -> memref<128x128xf32, #tpu.memory_space<vmem_shared>>
      %dma_start3A_73 = arith.constant 0 : i32
      %dma_start3A_74 = tpu.memref_slice %arg10[%add3A_18, %dma_start3A_73] : memref<10240x128xf32, #tpu.memory_space<vmem_shared>> -> memref<128x128xf32, #tpu.memory_space<vmem_shared>>
      tpu.enqueue_dma source(%arg9 : memref<128x128xf32, #tpu.memory_space<vmem>>) target(%dma_start3A_74 : memref<128x128xf32, #tpu.memory_space<vmem_shared>>) target_semaphore(%run_scoped3A : memref<!tpu.dma_semaphore, #tpu.memory_space<semaphore_mem>>)
      %dma_wait3A = arith.constant 0 : i32
      %dma_wait3A_75 = tpu.memref_slice %arg10[%add3A_18, %dma_wait3A] : memref<10240x128xf32, #tpu.memory_space<vmem_shared>> -> memref<128x128xf32, #tpu.memory_space<vmem_shared>>
      %dma_wait3A_76 = arith.constant 0 : i32
      %dma_wait3A_77 = tpu.memref_slice %arg10[%add3A_18, %dma_wait3A_76] : memref<10240x128xf32, #tpu.memory_space<vmem_shared>> -> memref<128x128xf32, #tpu.memory_space<vmem_shared>>
      tpu.wait_dma2 semaphore(%run_scoped3A : memref<!tpu.dma_semaphore, #tpu.memory_space<semaphore_mem>>) src(%arg9 : memref<128x128xf32, #tpu.memory_space<vmem>>) dst(%dma_wait3A_77 : memref<128x128xf32, #tpu.memory_space<vmem_shared>>)
      tpu.yield
    }) : () -> ()
    %mul3A_19 = arith.constant 640 : i32
    %mul3A_20 = arith.muli %arg1, %mul3A_19 : i32
    %add3A_21 = arith.constant 256 : i32
    %add3A_22 = arith.addi %mul3A_20, %add3A_21 : i32
    "tpu.region"() ({
      %run_scoped3A = tpu.sem_alloc : memref<!tpu.dma_semaphore, #tpu.memory_space<semaphore_mem>>
      %dma_start3A_71 = arith.constant 0 : i32
      %dma_start3A_72 = tpu.memref_slice %arg10[%add3A_22, %dma_start3A_71] : memref<10240x128xf32, #tpu.memory_space<vmem_shared>> -> memref<128x128xf32, #tpu.memory_space<vmem_shared>>
      %dma_start3A_73 = arith.constant 0 : i32
      %dma_start3A_74 = tpu.memref_slice %arg10[%add3A_22, %dma_start3A_73] : memref<10240x128xf32, #tpu.memory_space<vmem_shared>> -> memref<128x128xf32, #tpu.memory_space<vmem_shared>>
      tpu.enqueue_dma source(%arg9 : memref<128x128xf32, #tpu.memory_space<vmem>>) target(%dma_start3A_74 : memref<128x128xf32, #tpu.memory_space<vmem_shared>>) target_semaphore(%run_scoped3A : memref<!tpu.dma_semaphore, #tpu.memory_space<semaphore_mem>>)
      %dma_wait3A = arith.constant 0 : i32
      %dma_wait3A_75 = tpu.memref_slice %arg10[%add3A_22, %dma_wait3A] : memref<10240x128xf32, #tpu.memory_space<vmem_shared>> -> memref<128x128xf32, #tpu.memory_space<vmem_shared>>
      %dma_wait3A_76 = arith.constant 0 : i32
      %dma_wait3A_77 = tpu.memref_slice %arg10[%add3A_22, %dma_wait3A_76] : memref<10240x128xf32, #tpu.memory_space<vmem_shared>> -> memref<128x128xf32, #tpu.memory_space<vmem_shared>>
      tpu.wait_dma2 semaphore(%run_scoped3A : memref<!tpu.dma_semaphore, #tpu.memory_space<semaphore_mem>>) src(%arg9 : memref<128x128xf32, #tpu.memory_space<vmem>>) dst(%dma_wait3A_77 : memref<128x128xf32, #tpu.memory_space<vmem_shared>>)
      tpu.yield
    }) : () -> ()
    %mul3A_23 = arith.constant 640 : i32
    %mul3A_24 = arith.muli %arg1, %mul3A_23 : i32
    %add3A_25 = arith.constant 384 : i32
    %add3A_26 = arith.addi %mul3A_24, %add3A_25 : i32
    "tpu.region"() ({
      %run_scoped3A = tpu.sem_alloc : memref<!tpu.dma_semaphore, #tpu.memory_space<semaphore_mem>>
      %dma_start3A_71 = arith.constant 0 : i32
      %dma_start3A_72 = tpu.memref_slice %arg10[%add3A_26, %dma_start3A_71] : memref<10240x128xf32, #tpu.memory_space<vmem_shared>> -> memref<128x128xf32, #tpu.memory_space<vmem_shared>>
      %dma_start3A_73 = arith.constant 0 : i32
      %dma_start3A_74 = tpu.memref_slice %arg10[%add3A_26, %dma_start3A_73] : memref<10240x128xf32, #tpu.memory_space<vmem_shared>> -> memref<128x128xf32, #tpu.memory_space<vmem_shared>>
      tpu.enqueue_dma source(%arg9 : memref<128x128xf32, #tpu.memory_space<vmem>>) target(%dma_start3A_74 : memref<128x128xf32, #tpu.memory_space<vmem_shared>>) target_semaphore(%run_scoped3A : memref<!tpu.dma_semaphore, #tpu.memory_space<semaphore_mem>>)
      %dma_wait3A = arith.constant 0 : i32
      %dma_wait3A_75 = tpu.memref_slice %arg10[%add3A_26, %dma_wait3A] : memref<10240x128xf32, #tpu.memory_space<vmem_shared>> -> memref<128x128xf32, #tpu.memory_space<vmem_shared>>
      %dma_wait3A_76 = arith.constant 0 : i32
      %dma_wait3A_77 = tpu.memref_slice %arg10[%add3A_26, %dma_wait3A_76] : memref<10240x128xf32, #tpu.memory_space<vmem_shared>> -> memref<128x128xf32, #tpu.memory_space<vmem_shared>>
      tpu.wait_dma2 semaphore(%run_scoped3A : memref<!tpu.dma_semaphore, #tpu.memory_space<semaphore_mem>>) src(%arg9 : memref<128x128xf32, #tpu.memory_space<vmem>>) dst(%dma_wait3A_77 : memref<128x128xf32, #tpu.memory_space<vmem_shared>>)
      tpu.yield
    }) : () -> ()
    %mul3A_27 = arith.constant 640 : i32
    %mul3A_28 = arith.muli %arg1, %mul3A_27 : i32
    %add3A_29 = arith.constant 512 : i32
    %add3A_30 = arith.addi %mul3A_28, %add3A_29 : i32
    "tpu.region"() ({
      %run_scoped3A = tpu.sem_alloc : memref<!tpu.dma_semaphore, #tpu.memory_space<semaphore_mem>>
      %dma_start3A_71 = arith.constant 0 : i32
      %dma_start3A_72 = tpu.memref_slice %arg10[%add3A_30, %dma_start3A_71] : memref<10240x128xf32, #tpu.memory_space<vmem_shared>> -> memref<128x128xf32, #tpu.memory_space<vmem_shared>>
      %dma_start3A_73 = arith.constant 0 : i32
      %dma_start3A_74 = tpu.memref_slice %arg10[%add3A_30, %dma_start3A_73] : memref<10240x128xf32, #tpu.memory_space<vmem_shared>> -> memref<128x128xf32, #tpu.memory_space<vmem_shared>>
      tpu.enqueue_dma source(%arg9 : memref<128x128xf32, #tpu.memory_space<vmem>>) target(%dma_start3A_74 : memref<128x128xf32, #tpu.memory_space<vmem_shared>>) target_semaphore(%run_scoped3A : memref<!tpu.dma_semaphore, #tpu.memory_space<semaphore_mem>>)
      %dma_wait3A = arith.constant 0 : i32
      %dma_wait3A_75 = tpu.memref_slice %arg10[%add3A_30, %dma_wait3A] : memref<10240x128xf32, #tpu.memory_space<vmem_shared>> -> memref<128x128xf32, #tpu.memory_space<vmem_shared>>
      %dma_wait3A_76 = arith.constant 0 : i32
      %dma_wait3A_77 = tpu.memref_slice %arg10[%add3A_30, %dma_wait3A_76] : memref<10240x128xf32, #tpu.memory_space<vmem_shared>> -> memref<128x128xf32, #tpu.memory_space<vmem_shared>>
      tpu.wait_dma2 semaphore(%run_scoped3A : memref<!tpu.dma_semaphore, #tpu.memory_space<semaphore_mem>>) src(%arg9 : memref<128x128xf32, #tpu.memory_space<vmem>>) dst(%dma_wait3A_77 : memref<128x128xf32, #tpu.memory_space<vmem_shared>>)
      tpu.yield
    }) : () -> ()
    %dma_start3A_31 = arith.constant 1 : i32
    %dma_start3A_32 = arith.constant 0 : i32
    %dma_start3A_33 = tpu.memref_slice %arg6[%dma_start3A_31, %dma_start3A_32] : memref<40x128xi32, #tpu.memory_space<vmem>> -> memref<1x128xi32, #tpu.memory_space<vmem>>
    %dma_start3A_34 = tpu.memref_squeeze %dma_start3A_33 : memref<1x128xi32, #tpu.memory_space<vmem>> -> memref<128xi32, #tpu.memory_space<vmem>>
    %dma_start3A_35 = arith.constant 0 : i32
    %dma_start3A_36 = arith.constant 0 : i32
    %dma_start3A_37 = tpu.memref_slice %arg2[%dma_start3A_35, %dma_start3A_36] : memref<20480x128xf32, #tpu.memory_space<hbm>> -> memref<20480x128xf32, #tpu.memory_space<hbm>>
    tpu.enqueue_indirect_dma source(%dma_start3A_37 : memref<20480x128xf32, #tpu.memory_space<hbm>>) target(%arg9 : memref<128x128xf32, #tpu.memory_space<vmem>>) offsets(%dma_start3A_34 : memref<128xi32, #tpu.memory_space<vmem>>) semaphore(%arg12 : memref<!tpu.dma_semaphore, #tpu.memory_space<semaphore_mem>>)
    %barrier3A = arith.constant 0 : index
    tpu.barrier barrier_id(%barrier3A)
    %scan3A_38 = arith.constant 0 : i32
    %scan3A_39 = arith.constant 0 : i32
    %scan3A_40 = arith.constant 20 : i32
    %scan3A_41 = arith.addi %scan3A_39, %scan3A_40 : i32
    %scan3A_42 = arith.constant 1 : i32
    %scan3A_43 = scf.for %scan3A_71 = %scan3A_39 to %scan3A_41 step %scan3A_42 iter_args(%scan3A_72 = %scan3A_38) -> (i32)  : i32 {
      %mul3A_73 = arith.constant 2 : i32
      %mul3A_74 = arith.muli %scan3A_71, %mul3A_73 : i32
      %add3A_75 = arith.constant 0 : i32
      %add3A_76 = arith.addi %mul3A_74, %add3A_75 : i32
      %dma_wait3A = arith.constant 0 : i32
      %dma_wait3A_77 = tpu.memref_slice %arg6[%add3A_76, %dma_wait3A] : memref<40x128xi32, #tpu.memory_space<vmem>> -> memref<1x128xi32, #tpu.memory_space<vmem>>
      %dma_wait3A_78 = tpu.memref_squeeze %dma_wait3A_77 : memref<1x128xi32, #tpu.memory_space<vmem>> -> memref<128xi32, #tpu.memory_space<vmem>>
      %dma_wait3A_79 = arith.constant 0 : i32
      %dma_wait3A_80 = arith.constant 0 : i32
      %dma_wait3A_81 = tpu.memref_slice %arg2[%dma_wait3A_79, %dma_wait3A_80] : memref<20480x128xf32, #tpu.memory_space<hbm>> -> memref<20480x128xf32, #tpu.memory_space<hbm>>
      tpu.wait_indirect_dma semaphore(%arg11 : memref<!tpu.dma_semaphore, #tpu.memory_space<semaphore_mem>>) src(%dma_wait3A_81 : memref<20480x128xf32, #tpu.memory_space<hbm>>) dst(%arg8 : memref<128x128xf32, #tpu.memory_space<vmem>>)
      "tpu.region"() ({
        %run_scoped3A = tpu.sem_alloc : memref<!tpu.dma_semaphore, #tpu.memory_space<semaphore_mem>>
        %dma_start3A_104 = arith.constant 0 : i32
        %dma_start3A_105 = tpu.memref_slice %arg7[%add3A_76, %dma_start3A_104] : memref<40x128xi32, #tpu.memory_space<vmem>> -> memref<1x128xi32, #tpu.memory_space<vmem>>
        %dma_start3A_106 = tpu.memref_squeeze %dma_start3A_105 : memref<1x128xi32, #tpu.memory_space<vmem>> -> memref<128xi32, #tpu.memory_space<vmem>>
        %dma_start3A_107 = arith.constant 0 : i32
        %dma_start3A_108 = arith.constant 0 : i32
        %dma_start3A_109 = tpu.memref_slice %arg10[%dma_start3A_107, %dma_start3A_108] : memref<10240x128xf32, #tpu.memory_space<vmem_shared>> -> memref<10240x128xf32, #tpu.memory_space<vmem_shared>>
        tpu.enqueue_indirect_dma source(%arg8 : memref<128x128xf32, #tpu.memory_space<vmem>>) target(%dma_start3A_109 : memref<10240x128xf32, #tpu.memory_space<vmem_shared>>) offsets(%dma_start3A_106 : memref<128xi32, #tpu.memory_space<vmem>>) semaphore(%run_scoped3A : memref<!tpu.dma_semaphore, #tpu.memory_space<semaphore_mem>>) {add = true}
        %dma_wait3A_110 = arith.constant 0 : i32
        %dma_wait3A_111 = tpu.memref_slice %arg7[%add3A_76, %dma_wait3A_110] : memref<40x128xi32, #tpu.memory_space<vmem>> -> memref<1x128xi32, #tpu.memory_space<vmem>>
        %dma_wait3A_112 = tpu.memref_squeeze %dma_wait3A_111 : memref<1x128xi32, #tpu.memory_space<vmem>> -> memref<128xi32, #tpu.memory_space<vmem>>
        %dma_wait3A_113 = arith.constant 0 : i32
        %dma_wait3A_114 = arith.constant 0 : i32
        %dma_wait3A_115 = tpu.memref_slice %arg10[%dma_wait3A_113, %dma_wait3A_114] : memref<10240x128xf32, #tpu.memory_space<vmem_shared>> -> memref<10240x128xf32, #tpu.memory_space<vmem_shared>>
        tpu.wait_indirect_dma semaphore(%run_scoped3A : memref<!tpu.dma_semaphore, #tpu.memory_space<semaphore_mem>>) src(%arg8 : memref<128x128xf32, #tpu.memory_space<vmem>>) dst(%dma_wait3A_115 : memref<10240x128xf32, #tpu.memory_space<vmem_shared>>)
        tpu.yield
      }) : () -> ()
      %add3A_82 = arith.constant 2 : i32
      %add3A_83 = arith.addi %add3A_76, %add3A_82 : i32
      %lt3A = arith.constant 40 : i32
      %lt3A_84 = arith.cmpi slt, %add3A_83, %lt3A : i32
      %convert_element_type3A = arith.extui %lt3A_84 : i1 to i32
      %cond3A = arith.constant 0 : i32
      %cond3A_85 = arith.cmpi ne, %convert_element_type3A, %cond3A : i32
      scf.if %cond3A_85 {
        %add3A_104 = arith.constant 2 : i32
        %add3A_105 = arith.addi %add3A_76, %add3A_104 : i32
        %dma_start3A_106 = arith.constant 0 : i32
        %dma_start3A_107 = tpu.memref_slice %arg6[%add3A_105, %dma_start3A_106] : memref<40x128xi32, #tpu.memory_space<vmem>> -> memref<1x128xi32, #tpu.memory_space<vmem>>
        %dma_start3A_108 = tpu.memref_squeeze %dma_start3A_107 : memref<1x128xi32, #tpu.memory_space<vmem>> -> memref<128xi32, #tpu.memory_space<vmem>>
        %dma_start3A_109 = arith.constant 0 : i32
        %dma_start3A_110 = arith.constant 0 : i32
        %dma_start3A_111 = tpu.memref_slice %arg2[%dma_start3A_109, %dma_start3A_110] : memref<20480x128xf32, #tpu.memory_space<hbm>> -> memref<20480x128xf32, #tpu.memory_space<hbm>>
        tpu.enqueue_indirect_dma source(%dma_start3A_111 : memref<20480x128xf32, #tpu.memory_space<hbm>>) target(%arg8 : memref<128x128xf32, #tpu.memory_space<vmem>>) offsets(%dma_start3A_108 : memref<128xi32, #tpu.memory_space<vmem>>) semaphore(%arg11 : memref<!tpu.dma_semaphore, #tpu.memory_space<semaphore_mem>>)
      } else {
      }
      %mul3A_86 = arith.constant 2 : i32
      %mul3A_87 = arith.muli %scan3A_71, %mul3A_86 : i32
      %add3A_88 = arith.constant 1 : i32
      %add3A_89 = arith.addi %mul3A_87, %add3A_88 : i32
      %dma_wait3A_90 = arith.constant 0 : i32
      %dma_wait3A_91 = tpu.memref_slice %arg6[%add3A_89, %dma_wait3A_90] : memref<40x128xi32, #tpu.memory_space<vmem>> -> memref<1x128xi32, #tpu.memory_space<vmem>>
      %dma_wait3A_92 = tpu.memref_squeeze %dma_wait3A_91 : memref<1x128xi32, #tpu.memory_space<vmem>> -> memref<128xi32, #tpu.memory_space<vmem>>
      %dma_wait3A_93 = arith.constant 0 : i32
      %dma_wait3A_94 = arith.constant 0 : i32
      %dma_wait3A_95 = tpu.memref_slice %arg2[%dma_wait3A_93, %dma_wait3A_94] : memref<20480x128xf32, #tpu.memory_space<hbm>> -> memref<20480x128xf32, #tpu.memory_space<hbm>>
      tpu.wait_indirect_dma semaphore(%arg12 : memref<!tpu.dma_semaphore, #tpu.memory_space<semaphore_mem>>) src(%dma_wait3A_95 : memref<20480x128xf32, #tpu.memory_space<hbm>>) dst(%arg9 : memref<128x128xf32, #tpu.memory_space<vmem>>)
      "tpu.region"() ({
        %run_scoped3A = tpu.sem_alloc : memref<!tpu.dma_semaphore, #tpu.memory_space<semaphore_mem>>
        %dma_start3A_104 = arith.constant 0 : i32
        %dma_start3A_105 = tpu.memref_slice %arg7[%add3A_89, %dma_start3A_104] : memref<40x128xi32, #tpu.memory_space<vmem>> -> memref<1x128xi32, #tpu.memory_space<vmem>>
        %dma_start3A_106 = tpu.memref_squeeze %dma_start3A_105 : memref<1x128xi32, #tpu.memory_space<vmem>> -> memref<128xi32, #tpu.memory_space<vmem>>
        %dma_start3A_107 = arith.constant 0 : i32
        %dma_start3A_108 = arith.constant 0 : i32
        %dma_start3A_109 = tpu.memref_slice %arg10[%dma_start3A_107, %dma_start3A_108] : memref<10240x128xf32, #tpu.memory_space<vmem_shared>> -> memref<10240x128xf32, #tpu.memory_space<vmem_shared>>
        tpu.enqueue_indirect_dma source(%arg9 : memref<128x128xf32, #tpu.memory_space<vmem>>) target(%dma_start3A_109 : memref<10240x128xf32, #tpu.memory_space<vmem_shared>>) offsets(%dma_start3A_106 : memref<128xi32, #tpu.memory_space<vmem>>) semaphore(%run_scoped3A : memref<!tpu.dma_semaphore, #tpu.memory_space<semaphore_mem>>) {add = true}
        %dma_wait3A_110 = arith.constant 0 : i32
        %dma_wait3A_111 = tpu.memref_slice %arg7[%add3A_89, %dma_wait3A_110] : memref<40x128xi32, #tpu.memory_space<vmem>> -> memref<1x128xi32, #tpu.memory_space<vmem>>
        %dma_wait3A_112 = tpu.memref_squeeze %dma_wait3A_111 : memref<1x128xi32, #tpu.memory_space<vmem>> -> memref<128xi32, #tpu.memory_space<vmem>>
        %dma_wait3A_113 = arith.constant 0 : i32
        %dma_wait3A_114 = arith.constant 0 : i32
        %dma_wait3A_115 = tpu.memref_slice %arg10[%dma_wait3A_113, %dma_wait3A_114] : memref<10240x128xf32, #tpu.memory_space<vmem_shared>> -> memref<10240x128xf32, #tpu.memory_space<vmem_shared>>
        tpu.wait_indirect_dma semaphore(%run_scoped3A : memref<!tpu.dma_semaphore, #tpu.memory_space<semaphore_mem>>) src(%arg9 : memref<128x128xf32, #tpu.memory_space<vmem>>) dst(%dma_wait3A_115 : memref<10240x128xf32, #tpu.memory_space<vmem_shared>>)
        tpu.yield
      }) : () -> ()
      %add3A_96 = arith.constant 2 : i32
      %add3A_97 = arith.addi %add3A_89, %add3A_96 : i32
      %lt3A_98 = arith.constant 40 : i32
      %lt3A_99 = arith.cmpi slt, %add3A_97, %lt3A_98 : i32
      %convert_element_type3A_100 = arith.extui %lt3A_99 : i1 to i32
      %cond3A_101 = arith.constant 0 : i32
      %cond3A_102 = arith.cmpi ne, %convert_element_type3A_100, %cond3A_101 : i32
      scf.if %cond3A_102 {
        %add3A_104 = arith.constant 2 : i32
        %add3A_105 = arith.addi %add3A_89, %add3A_104 : i32
        %dma_start3A_106 = arith.constant 0 : i32
        %dma_start3A_107 = tpu.memref_slice %arg6[%add3A_105, %dma_start3A_106] : memref<40x128xi32, #tpu.memory_space<vmem>> -> memref<1x128xi32, #tpu.memory_space<vmem>>
        %dma_start3A_108 = tpu.memref_squeeze %dma_start3A_107 : memref<1x128xi32, #tpu.memory_space<vmem>> -> memref<128xi32, #tpu.memory_space<vmem>>
        %dma_start3A_109 = arith.constant 0 : i32
        %dma_start3A_110 = arith.constant 0 : i32
        %dma_start3A_111 = tpu.memref_slice %arg2[%dma_start3A_109, %dma_start3A_110] : memref<20480x128xf32, #tpu.memory_space<hbm>> -> memref<20480x128xf32, #tpu.memory_space<hbm>>
        tpu.enqueue_indirect_dma source(%dma_start3A_111 : memref<20480x128xf32, #tpu.memory_space<hbm>>) target(%arg9 : memref<128x128xf32, #tpu.memory_space<vmem>>) offsets(%dma_start3A_108 : memref<128xi32, #tpu.memory_space<vmem>>) semaphore(%arg12 : memref<!tpu.dma_semaphore, #tpu.memory_space<semaphore_mem>>)
      } else {
      }
      %scan3A_103 = arith.constant 0 : i32
      scf.yield %scan3A_103 : i32
    }
    %scan3A_44 = arith.constant 20 : i32
    "tpu.region"() ({
      %run_scoped3A = tpu.sem_alloc : memref<!tpu.dma_semaphore, #tpu.memory_space<semaphore_mem>>
      %dma_start3A_71 = arith.constant 40 : i32
      %dma_start3A_72 = arith.constant 0 : i32
      %dma_start3A_73 = tpu.memref_slice %arg3[%arg0, %arg1, %dma_start3A_71, %dma_start3A_72] : memref<2x16x80x128xi32, #tpu.memory_space<hbm>> -> memref<1x1x40x128xi32, #tpu.memory_space<hbm>>
      %dma_start3A_74 = tpu.memref_squeeze %dma_start3A_73 : memref<1x1x40x128xi32, #tpu.memory_space<hbm>> -> memref<40x128xi32, #tpu.memory_space<hbm>>
      %dma_start3A_75 = arith.constant 40 : i32
      %dma_start3A_76 = arith.constant 0 : i32
      %dma_start3A_77 = tpu.memref_slice %arg3[%arg0, %arg1, %dma_start3A_75, %dma_start3A_76] : memref<2x16x80x128xi32, #tpu.memory_space<hbm>> -> memref<1x1x40x128xi32, #tpu.memory_space<hbm>>
      %dma_start3A_78 = tpu.memref_squeeze %dma_start3A_77 : memref<1x1x40x128xi32, #tpu.memory_space<hbm>> -> memref<40x128xi32, #tpu.memory_space<hbm>>
      tpu.enqueue_dma source(%dma_start3A_78 : memref<40x128xi32, #tpu.memory_space<hbm>>) target(%arg6 : memref<40x128xi32, #tpu.memory_space<vmem>>) target_semaphore(%run_scoped3A : memref<!tpu.dma_semaphore, #tpu.memory_space<semaphore_mem>>)
      %dma_wait3A = arith.constant 40 : i32
      %dma_wait3A_79 = arith.constant 0 : i32
      %dma_wait3A_80 = tpu.memref_slice %arg3[%arg0, %arg1, %dma_wait3A, %dma_wait3A_79] : memref<2x16x80x128xi32, #tpu.memory_space<hbm>> -> memref<1x1x40x128xi32, #tpu.memory_space<hbm>>
      %dma_wait3A_81 = tpu.memref_squeeze %dma_wait3A_80 : memref<1x1x40x128xi32, #tpu.memory_space<hbm>> -> memref<40x128xi32, #tpu.memory_space<hbm>>
      %dma_wait3A_82 = arith.constant 40 : i32
      %dma_wait3A_83 = arith.constant 0 : i32
      %dma_wait3A_84 = tpu.memref_slice %arg3[%arg0, %arg1, %dma_wait3A_82, %dma_wait3A_83] : memref<2x16x80x128xi32, #tpu.memory_space<hbm>> -> memref<1x1x40x128xi32, #tpu.memory_space<hbm>>
      %dma_wait3A_85 = tpu.memref_squeeze %dma_wait3A_84 : memref<1x1x40x128xi32, #tpu.memory_space<hbm>> -> memref<40x128xi32, #tpu.memory_space<hbm>>
      tpu.wait_dma2 semaphore(%run_scoped3A : memref<!tpu.dma_semaphore, #tpu.memory_space<semaphore_mem>>) src(%dma_wait3A_85 : memref<40x128xi32, #tpu.memory_space<hbm>>) dst(%arg6 : memref<40x128xi32, #tpu.memory_space<vmem>>)
      tpu.yield
    }) : () -> ()
    "tpu.region"() ({
      %run_scoped3A = tpu.sem_alloc : memref<!tpu.dma_semaphore, #tpu.memory_space<semaphore_mem>>
      %dma_start3A_71 = arith.constant 40 : i32
      %dma_start3A_72 = arith.constant 0 : i32
      %dma_start3A_73 = tpu.memref_slice %arg4[%arg1, %dma_start3A_71, %dma_start3A_72] : memref<16x80x128xi32, #tpu.memory_space<hbm>> -> memref<1x40x128xi32, #tpu.memory_space<hbm>>
      %dma_start3A_74 = tpu.memref_squeeze %dma_start3A_73 : memref<1x40x128xi32, #tpu.memory_space<hbm>> -> memref<40x128xi32, #tpu.memory_space<hbm>>
      %dma_start3A_75 = arith.constant 40 : i32
      %dma_start3A_76 = arith.constant 0 : i32
      %dma_start3A_77 = tpu.memref_slice %arg4[%arg1, %dma_start3A_75, %dma_start3A_76] : memref<16x80x128xi32, #tpu.memory_space<hbm>> -> memref<1x40x128xi32, #tpu.memory_space<hbm>>
      %dma_start3A_78 = tpu.memref_squeeze %dma_start3A_77 : memref<1x40x128xi32, #tpu.memory_space<hbm>> -> memref<40x128xi32, #tpu.memory_space<hbm>>
      tpu.enqueue_dma source(%dma_start3A_78 : memref<40x128xi32, #tpu.memory_space<hbm>>) target(%arg7 : memref<40x128xi32, #tpu.memory_space<vmem>>) target_semaphore(%run_scoped3A : memref<!tpu.dma_semaphore, #tpu.memory_space<semaphore_mem>>)
      %dma_wait3A = arith.constant 40 : i32
      %dma_wait3A_79 = arith.constant 0 : i32
      %dma_wait3A_80 = tpu.memref_slice %arg4[%arg1, %dma_wait3A, %dma_wait3A_79] : memref<16x80x128xi32, #tpu.memory_space<hbm>> -> memref<1x40x128xi32, #tpu.memory_space<hbm>>
      %dma_wait3A_81 = tpu.memref_squeeze %dma_wait3A_80 : memref<1x40x128xi32, #tpu.memory_space<hbm>> -> memref<40x128xi32, #tpu.memory_space<hbm>>
      %dma_wait3A_82 = arith.constant 40 : i32
      %dma_wait3A_83 = arith.constant 0 : i32
      %dma_wait3A_84 = tpu.memref_slice %arg4[%arg1, %dma_wait3A_82, %dma_wait3A_83] : memref<16x80x128xi32, #tpu.memory_space<hbm>> -> memref<1x40x128xi32, #tpu.memory_space<hbm>>
      %dma_wait3A_85 = tpu.memref_squeeze %dma_wait3A_84 : memref<1x40x128xi32, #tpu.memory_space<hbm>> -> memref<40x128xi32, #tpu.memory_space<hbm>>
      tpu.wait_dma2 semaphore(%run_scoped3A : memref<!tpu.dma_semaphore, #tpu.memory_space<semaphore_mem>>) src(%dma_wait3A_85 : memref<40x128xi32, #tpu.memory_space<hbm>>) dst(%arg7 : memref<40x128xi32, #tpu.memory_space<vmem>>)
      tpu.yield
    }) : () -> ()
    %dma_start3A_45 = arith.constant 0 : i32
    %dma_start3A_46 = arith.constant 0 : i32
    %dma_start3A_47 = tpu.memref_slice %arg6[%dma_start3A_45, %dma_start3A_46] : memref<40x128xi32, #tpu.memory_space<vmem>> -> memref<1x128xi32, #tpu.memory_space<vmem>>
    %dma_start3A_48 = tpu.memref_squeeze %dma_start3A_47 : memref<1x128xi32, #tpu.memory_space<vmem>> -> memref<128xi32, #tpu.memory_space<vmem>>
    %dma_start3A_49 = arith.constant 0 : i32
    %dma_start3A_50 = arith.constant 0 : i32
    %dma_start3A_51 = tpu.memref_slice %arg2[%dma_start3A_49, %dma_start3A_50] : memref<20480x128xf32, #tpu.memory_space<hbm>> -> memref<20480x128xf32, #tpu.memory_space<hbm>>
    tpu.enqueue_indirect_dma source(%dma_start3A_51 : memref<20480x128xf32, #tpu.memory_space<hbm>>) target(%arg8 : memref<128x128xf32, #tpu.memory_space<vmem>>) offsets(%dma_start3A_48 : memref<128xi32, #tpu.memory_space<vmem>>) semaphore(%arg11 : memref<!tpu.dma_semaphore, #tpu.memory_space<semaphore_mem>>)
    %dma_start3A_52 = arith.constant 1 : i32
    %dma_start3A_53 = arith.constant 0 : i32
    %dma_start3A_54 = tpu.memref_slice %arg6[%dma_start3A_52, %dma_start3A_53] : memref<40x128xi32, #tpu.memory_space<vmem>> -> memref<1x128xi32, #tpu.memory_space<vmem>>
    %dma_start3A_55 = tpu.memref_squeeze %dma_start3A_54 : memref<1x128xi32, #tpu.memory_space<vmem>> -> memref<128xi32, #tpu.memory_space<vmem>>
    %dma_start3A_56 = arith.constant 0 : i32
    %dma_start3A_57 = arith.constant 0 : i32
    %dma_start3A_58 = tpu.memref_slice %arg2[%dma_start3A_56, %dma_start3A_57] : memref<20480x128xf32, #tpu.memory_space<hbm>> -> memref<20480x128xf32, #tpu.memory_space<hbm>>
    tpu.enqueue_indirect_dma source(%dma_start3A_58 : memref<20480x128xf32, #tpu.memory_space<hbm>>) target(%arg9 : memref<128x128xf32, #tpu.memory_space<vmem>>) offsets(%dma_start3A_55 : memref<128xi32, #tpu.memory_space<vmem>>) semaphore(%arg12 : memref<!tpu.dma_semaphore, #tpu.memory_space<semaphore_mem>>)
    %scan3A_59 = arith.constant 0 : i32
    %scan3A_60 = arith.constant 0 : i32
    %scan3A_61 = arith.constant 20 : i32
    %scan3A_62 = arith.addi %scan3A_60, %scan3A_61 : i32
    %scan3A_63 = arith.constant 1 : i32
    %scan3A_64 = scf.for %scan3A_71 = %scan3A_60 to %scan3A_62 step %scan3A_63 iter_args(%scan3A_72 = %scan3A_59) -> (i32)  : i32 {
      %mul3A_73 = arith.constant 2 : i32
      %mul3A_74 = arith.muli %scan3A_71, %mul3A_73 : i32
      %add3A_75 = arith.constant 0 : i32
      %add3A_76 = arith.addi %mul3A_74, %add3A_75 : i32
      %dma_wait3A = arith.constant 0 : i32
      %dma_wait3A_77 = tpu.memref_slice %arg6[%add3A_76, %dma_wait3A] : memref<40x128xi32, #tpu.memory_space<vmem>> -> memref<1x128xi32, #tpu.memory_space<vmem>>
      %dma_wait3A_78 = tpu.memref_squeeze %dma_wait3A_77 : memref<1x128xi32, #tpu.memory_space<vmem>> -> memref<128xi32, #tpu.memory_space<vmem>>
      %dma_wait3A_79 = arith.constant 0 : i32
      %dma_wait3A_80 = arith.constant 0 : i32
      %dma_wait3A_81 = tpu.memref_slice %arg2[%dma_wait3A_79, %dma_wait3A_80] : memref<20480x128xf32, #tpu.memory_space<hbm>> -> memref<20480x128xf32, #tpu.memory_space<hbm>>
      tpu.wait_indirect_dma semaphore(%arg11 : memref<!tpu.dma_semaphore, #tpu.memory_space<semaphore_mem>>) src(%dma_wait3A_81 : memref<20480x128xf32, #tpu.memory_space<hbm>>) dst(%arg8 : memref<128x128xf32, #tpu.memory_space<vmem>>)
      "tpu.region"() ({
        %run_scoped3A = tpu.sem_alloc : memref<!tpu.dma_semaphore, #tpu.memory_space<semaphore_mem>>
        %dma_start3A_104 = arith.constant 0 : i32
        %dma_start3A_105 = tpu.memref_slice %arg7[%add3A_76, %dma_start3A_104] : memref<40x128xi32, #tpu.memory_space<vmem>> -> memref<1x128xi32, #tpu.memory_space<vmem>>
        %dma_start3A_106 = tpu.memref_squeeze %dma_start3A_105 : memref<1x128xi32, #tpu.memory_space<vmem>> -> memref<128xi32, #tpu.memory_space<vmem>>
        %dma_start3A_107 = arith.constant 0 : i32
        %dma_start3A_108 = arith.constant 0 : i32
        %dma_start3A_109 = tpu.memref_slice %arg10[%dma_start3A_107, %dma_start3A_108] : memref<10240x128xf32, #tpu.memory_space<vmem_shared>> -> memref<10240x128xf32, #tpu.memory_space<vmem_shared>>
        tpu.enqueue_indirect_dma source(%arg8 : memref<128x128xf32, #tpu.memory_space<vmem>>) target(%dma_start3A_109 : memref<10240x128xf32, #tpu.memory_space<vmem_shared>>) offsets(%dma_start3A_106 : memref<128xi32, #tpu.memory_space<vmem>>) semaphore(%run_scoped3A : memref<!tpu.dma_semaphore, #tpu.memory_space<semaphore_mem>>) {add = true}
        %dma_wait3A_110 = arith.constant 0 : i32
        %dma_wait3A_111 = tpu.memref_slice %arg7[%add3A_76, %dma_wait3A_110] : memref<40x128xi32, #tpu.memory_space<vmem>> -> memref<1x128xi32, #tpu.memory_space<vmem>>
        %dma_wait3A_112 = tpu.memref_squeeze %dma_wait3A_111 : memref<1x128xi32, #tpu.memory_space<vmem>> -> memref<128xi32, #tpu.memory_space<vmem>>
        %dma_wait3A_113 = arith.constant 0 : i32
        %dma_wait3A_114 = arith.constant 0 : i32
        %dma_wait3A_115 = tpu.memref_slice %arg10[%dma_wait3A_113, %dma_wait3A_114] : memref<10240x128xf32, #tpu.memory_space<vmem_shared>> -> memref<10240x128xf32, #tpu.memory_space<vmem_shared>>
        tpu.wait_indirect_dma semaphore(%run_scoped3A : memref<!tpu.dma_semaphore, #tpu.memory_space<semaphore_mem>>) src(%arg8 : memref<128x128xf32, #tpu.memory_space<vmem>>) dst(%dma_wait3A_115 : memref<10240x128xf32, #tpu.memory_space<vmem_shared>>)
        tpu.yield
      }) : () -> ()
      %add3A_82 = arith.constant 2 : i32
      %add3A_83 = arith.addi %add3A_76, %add3A_82 : i32
      %lt3A = arith.constant 40 : i32
      %lt3A_84 = arith.cmpi slt, %add3A_83, %lt3A : i32
      %convert_element_type3A = arith.extui %lt3A_84 : i1 to i32
      %cond3A = arith.constant 0 : i32
      %cond3A_85 = arith.cmpi ne, %convert_element_type3A, %cond3A : i32
      scf.if %cond3A_85 {
        %add3A_104 = arith.constant 2 : i32
        %add3A_105 = arith.addi %add3A_76, %add3A_104 : i32
        %dma_start3A_106 = arith.constant 0 : i32
        %dma_start3A_107 = tpu.memref_slice %arg6[%add3A_105, %dma_start3A_106] : memref<40x128xi32, #tpu.memory_space<vmem>> -> memref<1x128xi32, #tpu.memory_space<vmem>>
        %dma_start3A_108 = tpu.memref_squeeze %dma_start3A_107 : memref<1x128xi32, #tpu.memory_space<vmem>> -> memref<128xi32, #tpu.memory_space<vmem>>
        %dma_start3A_109 = arith.constant 0 : i32
        %dma_start3A_110 = arith.constant 0 : i32
        %dma_start3A_111 = tpu.memref_slice %arg2[%dma_start3A_109, %dma_start3A_110] : memref<20480x128xf32, #tpu.memory_space<hbm>> -> memref<20480x128xf32, #tpu.memory_space<hbm>>
        tpu.enqueue_indirect_dma source(%dma_start3A_111 : memref<20480x128xf32, #tpu.memory_space<hbm>>) target(%arg8 : memref<128x128xf32, #tpu.memory_space<vmem>>) offsets(%dma_start3A_108 : memref<128xi32, #tpu.memory_space<vmem>>) semaphore(%arg11 : memref<!tpu.dma_semaphore, #tpu.memory_space<semaphore_mem>>)
      } else {
      }
      %mul3A_86 = arith.constant 2 : i32
      %mul3A_87 = arith.muli %scan3A_71, %mul3A_86 : i32
      %add3A_88 = arith.constant 1 : i32
      %add3A_89 = arith.addi %mul3A_87, %add3A_88 : i32
      %dma_wait3A_90 = arith.constant 0 : i32
      %dma_wait3A_91 = tpu.memref_slice %arg6[%add3A_89, %dma_wait3A_90] : memref<40x128xi32, #tpu.memory_space<vmem>> -> memref<1x128xi32, #tpu.memory_space<vmem>>
      %dma_wait3A_92 = tpu.memref_squeeze %dma_wait3A_91 : memref<1x128xi32, #tpu.memory_space<vmem>> -> memref<128xi32, #tpu.memory_space<vmem>>
      %dma_wait3A_93 = arith.constant 0 : i32
      %dma_wait3A_94 = arith.constant 0 : i32
      %dma_wait3A_95 = tpu.memref_slice %arg2[%dma_wait3A_93, %dma_wait3A_94] : memref<20480x128xf32, #tpu.memory_space<hbm>> -> memref<20480x128xf32, #tpu.memory_space<hbm>>
      tpu.wait_indirect_dma semaphore(%arg12 : memref<!tpu.dma_semaphore, #tpu.memory_space<semaphore_mem>>) src(%dma_wait3A_95 : memref<20480x128xf32, #tpu.memory_space<hbm>>) dst(%arg9 : memref<128x128xf32, #tpu.memory_space<vmem>>)
      "tpu.region"() ({
        %run_scoped3A = tpu.sem_alloc : memref<!tpu.dma_semaphore, #tpu.memory_space<semaphore_mem>>
        %dma_start3A_104 = arith.constant 0 : i32
        %dma_start3A_105 = tpu.memref_slice %arg7[%add3A_89, %dma_start3A_104] : memref<40x128xi32, #tpu.memory_space<vmem>> -> memref<1x128xi32, #tpu.memory_space<vmem>>
        %dma_start3A_106 = tpu.memref_squeeze %dma_start3A_105 : memref<1x128xi32, #tpu.memory_space<vmem>> -> memref<128xi32, #tpu.memory_space<vmem>>
        %dma_start3A_107 = arith.constant 0 : i32
        %dma_start3A_108 = arith.constant 0 : i32
        %dma_start3A_109 = tpu.memref_slice %arg10[%dma_start3A_107, %dma_start3A_108] : memref<10240x128xf32, #tpu.memory_space<vmem_shared>> -> memref<10240x128xf32, #tpu.memory_space<vmem_shared>>
        tpu.enqueue_indirect_dma source(%arg9 : memref<128x128xf32, #tpu.memory_space<vmem>>) target(%dma_start3A_109 : memref<10240x128xf32, #tpu.memory_space<vmem_shared>>) offsets(%dma_start3A_106 : memref<128xi32, #tpu.memory_space<vmem>>) semaphore(%run_scoped3A : memref<!tpu.dma_semaphore, #tpu.memory_space<semaphore_mem>>) {add = true}
        %dma_wait3A_110 = arith.constant 0 : i32
        %dma_wait3A_111 = tpu.memref_slice %arg7[%add3A_89, %dma_wait3A_110] : memref<40x128xi32, #tpu.memory_space<vmem>> -> memref<1x128xi32, #tpu.memory_space<vmem>>
        %dma_wait3A_112 = tpu.memref_squeeze %dma_wait3A_111 : memref<1x128xi32, #tpu.memory_space<vmem>> -> memref<128xi32, #tpu.memory_space<vmem>>
        %dma_wait3A_113 = arith.constant 0 : i32
        %dma_wait3A_114 = arith.constant 0 : i32
        %dma_wait3A_115 = tpu.memref_slice %arg10[%dma_wait3A_113, %dma_wait3A_114] : memref<10240x128xf32, #tpu.memory_space<vmem_shared>> -> memref<10240x128xf32, #tpu.memory_space<vmem_shared>>
        tpu.wait_indirect_dma semaphore(%run_scoped3A : memref<!tpu.dma_semaphore, #tpu.memory_space<semaphore_mem>>) src(%arg9 : memref<128x128xf32, #tpu.memory_space<vmem>>) dst(%dma_wait3A_115 : memref<10240x128xf32, #tpu.memory_space<vmem_shared>>)
        tpu.yield
      }) : () -> ()
      %add3A_96 = arith.constant 2 : i32
      %add3A_97 = arith.addi %add3A_89, %add3A_96 : i32
      %lt3A_98 = arith.constant 40 : i32
      %lt3A_99 = arith.cmpi slt, %add3A_97, %lt3A_98 : i32
      %convert_element_type3A_100 = arith.extui %lt3A_99 : i1 to i32
      %cond3A_101 = arith.constant 0 : i32
      %cond3A_102 = arith.cmpi ne, %convert_element_type3A_100, %cond3A_101 : i32
      scf.if %cond3A_102 {
        %add3A_104 = arith.constant 2 : i32
        %add3A_105 = arith.addi %add3A_89, %add3A_104 : i32
        %dma_start3A_106 = arith.constant 0 : i32
        %dma_start3A_107 = tpu.memref_slice %arg6[%add3A_105, %dma_start3A_106] : memref<40x128xi32, #tpu.memory_space<vmem>> -> memref<1x128xi32, #tpu.memory_space<vmem>>
        %dma_start3A_108 = tpu.memref_squeeze %dma_start3A_107 : memref<1x128xi32, #tpu.memory_space<vmem>> -> memref<128xi32, #tpu.memory_space<vmem>>
        %dma_start3A_109 = arith.constant 0 : i32
        %dma_start3A_110 = arith.constant 0 : i32
        %dma_start3A_111 = tpu.memref_slice %arg2[%dma_start3A_109, %dma_start3A_110] : memref<20480x128xf32, #tpu.memory_space<hbm>> -> memref<20480x128xf32, #tpu.memory_space<hbm>>
        tpu.enqueue_indirect_dma source(%dma_start3A_111 : memref<20480x128xf32, #tpu.memory_space<hbm>>) target(%arg9 : memref<128x128xf32, #tpu.memory_space<vmem>>) offsets(%dma_start3A_108 : memref<128xi32, #tpu.memory_space<vmem>>) semaphore(%arg12 : memref<!tpu.dma_semaphore, #tpu.memory_space<semaphore_mem>>)
      } else {
      }
      %scan3A_103 = arith.constant 0 : i32
      scf.yield %scan3A_103 : i32
    }
    %scan3A_65 = arith.constant 20 : i32
    %barrier3A_66 = arith.constant 0 : index
    tpu.barrier barrier_id(%barrier3A_66)
    %mul3A_67 = arith.constant 640 : i32
    %mul3A_68 = arith.muli %arg1, %mul3A_67 : i32
    %mul3A_69 = arith.constant 640 : i32
    %mul3A_70 = arith.muli %arg1, %mul3A_69 : i32
    "tpu.region"() ({
      %run_scoped3A = tpu.sem_alloc : memref<!tpu.dma_semaphore, #tpu.memory_space<semaphore_mem>>
      %dma_start3A_71 = arith.constant 0 : i32
      %dma_start3A_72 = tpu.memref_slice %arg5[%arg0, %mul3A_70, %dma_start3A_71] : memref<2x10240x128xf32, #tpu.memory_space<hbm>> -> memref<1x640x128xf32, #tpu.memory_space<hbm>>
      %dma_start3A_73 = tpu.memref_squeeze %dma_start3A_72 : memref<1x640x128xf32, #tpu.memory_space<hbm>> -> memref<640x128xf32, #tpu.memory_space<hbm>>
      %dma_start3A_74 = arith.constant 0 : i32
      %dma_start3A_75 = tpu.memref_slice %arg10[%mul3A_68, %dma_start3A_74] : memref<10240x128xf32, #tpu.memory_space<vmem_shared>> -> memref<640x128xf32, #tpu.memory_space<vmem_shared>>
      tpu.enqueue_dma source(%dma_start3A_75 : memref<640x128xf32, #tpu.memory_space<vmem_shared>>) target(%dma_start3A_73 : memref<640x128xf32, #tpu.memory_space<hbm>>) target_semaphore(%run_scoped3A : memref<!tpu.dma_semaphore, #tpu.memory_space<semaphore_mem>>)
      %dma_wait3A = arith.constant 0 : i32
      %dma_wait3A_76 = tpu.memref_slice %arg5[%arg0, %mul3A_70, %dma_wait3A] : memref<2x10240x128xf32, #tpu.memory_space<hbm>> -> memref<1x640x128xf32, #tpu.memory_space<hbm>>
      %dma_wait3A_77 = tpu.memref_squeeze %dma_wait3A_76 : memref<1x640x128xf32, #tpu.memory_space<hbm>> -> memref<640x128xf32, #tpu.memory_space<hbm>>
      %dma_wait3A_78 = arith.constant 0 : i32
      %dma_wait3A_79 = tpu.memref_slice %arg10[%mul3A_68, %dma_wait3A_78] : memref<10240x128xf32, #tpu.memory_space<vmem_shared>> -> memref<640x128xf32, #tpu.memory_space<vmem_shared>>
      tpu.wait_dma2 semaphore(%run_scoped3A : memref<!tpu.dma_semaphore, #tpu.memory_space<semaphore_mem>>) src(%dma_wait3A_79 : memref<640x128xf32, #tpu.memory_space<vmem_shared>>) dst(%dma_wait3A_77 : memref<640x128xf32, #tpu.memory_space<hbm>>)
      tpu.yield
    }) : () -> ()
    return
  }
}

#map = affine_map<(d0, d1) -> (0, 0)>
#map1 = affine_map<(d0, d1) -> (0, 0, 0, 0)>
#map2 = affine_map<(d0, d1) -> (0, 0, 0)>
module attributes {stable_mosaic.version = 14 : i64} {
  func.func @body(%arg0: i32, %arg1: i32, %arg2: memref<20480x128xf32, #tpu.memory_space<hbm>>, %arg3: memref<2x16x80x128xi32, #tpu.memory_space<hbm>>, %arg4: memref<16x80x128xi32, #tpu.memory_space<hbm>>, %arg5: memref<2x10240x128xf32, #tpu.memory_space<hbm>>, %arg6: memref<40x128xi32, #tpu.memory_space<vmem>>, %arg7: memref<40x128xi32, #tpu.memory_space<vmem>>, %arg8: memref<128x128xf32, #tpu.memory_space<vmem>>, %arg9: memref<128x128xf32, #tpu.memory_space<vmem>>, %arg10: memref<10240x128xf32, #tpu.memory_space<vmem_shared>>, %arg11: memref<!tpu.dma_semaphore, #tpu.memory_space<semaphore_mem>>, %arg12: memref<!tpu.dma_semaphore, #tpu.memory_space<semaphore_mem>>) attributes {dimension_semantics = [#tpu.dimension_semantics<core_parallel>, #tpu.dimension_semantics<subcore_parallel>], iteration_bounds = array<i64: 2, 16>, scalar_prefetch = 0 : i64, scratch_operands = 7 : i64, tpu.core_type = #tpu.core_type<sc_vector_subcore>, window_params = [{transform_indices = #map}, {transform_indices = #map1}, {transform_indices = #map2}, {transform_indices = #map2}]} {
    "tpu.region"() ({
      %run_scoped3A = tpu.sem_alloc : memref<!tpu.dma_semaphore, #tpu.memory_space<semaphore_mem>>
      %dma_start3A_71 = arith.constant 0 : i32
      %dma_start3A_72 = arith.constant 0 : i32
      %dma_start3A_73 = tpu.memref_slice %arg3[%arg0, %arg1, %dma_start3A_71, %dma_start3A_72] : memref<2x16x80x128xi32, #tpu.memory_space<hbm>> -> memref<1x1x40x128xi32, #tpu.memory_space<hbm>>
      %dma_start3A_74 = tpu.memref_squeeze %dma_start3A_73 : memref<1x1x40x128xi32, #tpu.memory_space<hbm>> -> memref<40x128xi32, #tpu.memory_space<hbm>>
      %dma_start3A_75 = arith.constant 0 : i32
      %dma_start3A_76 = arith.constant 0 : i32
      %dma_start3A_77 = tpu.memref_slice %arg3[%arg0, %arg1, %dma_start3A_75, %dma_start3A_76] : memref<2x16x80x128xi32, #tpu.memory_space<hbm>> -> memref<1x1x40x128xi32, #tpu.memory_space<hbm>>
      %dma_start3A_78 = tpu.memref_squeeze %dma_start3A_77 : memref<1x1x40x128xi32, #tpu.memory_space<hbm>> -> memref<40x128xi32, #tpu.memory_space<hbm>>
      tpu.enqueue_dma source(%dma_start3A_78 : memref<40x128xi32, #tpu.memory_space<hbm>>) target(%arg6 : memref<40x128xi32, #tpu.memory_space<vmem>>) target_semaphore(%run_scoped3A : memref<!tpu.dma_semaphore, #tpu.memory_space<semaphore_mem>>)
      %dma_wait3A = arith.constant 0 : i32
      %dma_wait3A_79 = arith.constant 0 : i32
      %dma_wait3A_80 = tpu.memref_slice %arg3[%arg0, %arg1, %dma_wait3A, %dma_wait3A_79] : memref<2x16x80x128xi32, #tpu.memory_space<hbm>> -> memref<1x1x40x128xi32, #tpu.memory_space<hbm>>
      %dma_wait3A_81 = tpu.memref_squeeze %dma_wait3A_80 : memref<1x1x40x128xi32, #tpu.memory_space<hbm>> -> memref<40x128xi32, #tpu.memory_space<hbm>>
      %dma_wait3A_82 = arith.constant 0 : i32
      %dma_wait3A_83 = arith.constant 0 : i32
      %dma_wait3A_84 = tpu.memref_slice %arg3[%arg0, %arg1, %dma_wait3A_82, %dma_wait3A_83] : memref<2x16x80x128xi32, #tpu.memory_space<hbm>> -> memref<1x1x40x128xi32, #tpu.memory_space<hbm>>
      %dma_wait3A_85 = tpu.memref_squeeze %dma_wait3A_84 : memref<1x1x40x128xi32, #tpu.memory_space<hbm>> -> memref<40x128xi32, #tpu.memory_space<hbm>>
      tpu.wait_dma2 semaphore(%run_scoped3A : memref<!tpu.dma_semaphore, #tpu.memory_space<semaphore_mem>>) src(%dma_wait3A_85 : memref<40x128xi32, #tpu.memory_space<hbm>>) dst(%arg6 : memref<40x128xi32, #tpu.memory_space<vmem>>)
      tpu.yield
    }) : () -> ()
    "tpu.region"() ({
      %run_scoped3A = tpu.sem_alloc : memref<!tpu.dma_semaphore, #tpu.memory_space<semaphore_mem>>
      %dma_start3A_71 = arith.constant 0 : i32
      %dma_start3A_72 = arith.constant 0 : i32
      %dma_start3A_73 = tpu.memref_slice %arg4[%arg1, %dma_start3A_71, %dma_start3A_72] : memref<16x80x128xi32, #tpu.memory_space<hbm>> -> memref<1x40x128xi32, #tpu.memory_space<hbm>>
      %dma_start3A_74 = tpu.memref_squeeze %dma_start3A_73 : memref<1x40x128xi32, #tpu.memory_space<hbm>> -> memref<40x128xi32, #tpu.memory_space<hbm>>
      %dma_start3A_75 = arith.constant 0 : i32
      %dma_start3A_76 = arith.constant 0 : i32
      %dma_start3A_77 = tpu.memref_slice %arg4[%arg1, %dma_start3A_75, %dma_start3A_76] : memref<16x80x128xi32, #tpu.memory_space<hbm>> -> memref<1x40x128xi32, #tpu.memory_space<hbm>>
      %dma_start3A_78 = tpu.memref_squeeze %dma_start3A_77 : memref<1x40x128xi32, #tpu.memory_space<hbm>> -> memref<40x128xi32, #tpu.memory_space<hbm>>
      tpu.enqueue_dma source(%dma_start3A_78 : memref<40x128xi32, #tpu.memory_space<hbm>>) target(%arg7 : memref<40x128xi32, #tpu.memory_space<vmem>>) target_semaphore(%run_scoped3A : memref<!tpu.dma_semaphore, #tpu.memory_space<semaphore_mem>>)
      %dma_wait3A = arith.constant 0 : i32
      %dma_wait3A_79 = arith.constant 0 : i32
      %dma_wait3A_80 = tpu.memref_slice %arg4[%arg1, %dma_wait3A, %dma_wait3A_79] : memref<16x80x128xi32, #tpu.memory_space<hbm>> -> memref<1x40x128xi32, #tpu.memory_space<hbm>>
      %dma_wait3A_81 = tpu.memref_squeeze %dma_wait3A_80 : memref<1x40x128xi32, #tpu.memory_space<hbm>> -> memref<40x128xi32, #tpu.memory_space<hbm>>
      %dma_wait3A_82 = arith.constant 0 : i32
      %dma_wait3A_83 = arith.constant 0 : i32
      %dma_wait3A_84 = tpu.memref_slice %arg4[%arg1, %dma_wait3A_82, %dma_wait3A_83] : memref<16x80x128xi32, #tpu.memory_space<hbm>> -> memref<1x40x128xi32, #tpu.memory_space<hbm>>
      %dma_wait3A_85 = tpu.memref_squeeze %dma_wait3A_84 : memref<1x40x128xi32, #tpu.memory_space<hbm>> -> memref<40x128xi32, #tpu.memory_space<hbm>>
      tpu.wait_dma2 semaphore(%run_scoped3A : memref<!tpu.dma_semaphore, #tpu.memory_space<semaphore_mem>>) src(%dma_wait3A_85 : memref<40x128xi32, #tpu.memory_space<hbm>>) dst(%arg7 : memref<40x128xi32, #tpu.memory_space<vmem>>)
      tpu.yield
    }) : () -> ()
    %dma_start3A = arith.constant 0 : i32
    %dma_start3A_0 = arith.constant 0 : i32
    %dma_start3A_1 = tpu.memref_slice %arg6[%dma_start3A, %dma_start3A_0] : memref<40x128xi32, #tpu.memory_space<vmem>> -> memref<1x128xi32, #tpu.memory_space<vmem>>
    %dma_start3A_2 = tpu.memref_squeeze %dma_start3A_1 : memref<1x128xi32, #tpu.memory_space<vmem>> -> memref<128xi32, #tpu.memory_space<vmem>>
    %dma_start3A_3 = arith.constant 0 : i32
    %dma_start3A_4 = arith.constant 0 : i32
    %dma_start3A_5 = tpu.memref_slice %arg2[%dma_start3A_3, %dma_start3A_4] : memref<20480x128xf32, #tpu.memory_space<hbm>> -> memref<20480x128xf32, #tpu.memory_space<hbm>>
    tpu.enqueue_indirect_dma source(%dma_start3A_5 : memref<20480x128xf32, #tpu.memory_space<hbm>>) target(%arg8 : memref<128x128xf32, #tpu.memory_space<vmem>>) offsets(%dma_start3A_2 : memref<128xi32, #tpu.memory_space<vmem>>) semaphore(%arg11 : memref<!tpu.dma_semaphore, #tpu.memory_space<semaphore_mem>>)
    %broadcast_in_dim3A = arith.constant 0.000000e+00 : f32
    %broadcast_in_dim3A_6 = vector.broadcast %broadcast_in_dim3A : f32 to vector<16xf32>
    %scan3A = arith.constant 0 : i32
    %scan3A_7 = arith.constant 0 : i32
    %scan3A_8 = arith.constant 1024 : i32
    %scan3A_9 = arith.addi %scan3A_7, %scan3A_8 : i32
    %scan3A_10 = arith.constant 1 : i32
    %scan3A_11 = scf.for %scan3A_71 = %scan3A_7 to %scan3A_9 step %scan3A_10 iter_args(%scan3A_72 = %scan3A) -> (i32)  : i32 {
      %jit3A = arith.constant 8 : i32
      %div3A = arith.divsi %scan3A_71, %jit3A : i32
      %sign3A = arith.constant 0 : i32
      %sign3A_73 = arith.cmpi sgt, %scan3A_71, %sign3A : i32
      %sign3A_74 = arith.extui %sign3A_73 : i1 to i32
      %sign3A_75 = arith.constant 0 : i32
      %sign3A_76 = arith.cmpi slt, %scan3A_71, %sign3A_75 : i32
      %sign3A_77 = arith.extui %sign3A_76 : i1 to i32
      %sign3A_78 = arith.subi %sign3A_74, %sign3A_77 : i32
      %sign3A_79 = arith.constant 0 : i32
      %sign3A_80 = arith.cmpi sgt, %jit3A, %sign3A_79 : i32
      %sign3A_81 = arith.extui %sign3A_80 : i1 to i32
      %sign3A_82 = arith.constant 0 : i32
      %sign3A_83 = arith.cmpi slt, %jit3A, %sign3A_82 : i32
      %sign3A_84 = arith.extui %sign3A_83 : i1 to i32
      %sign3A_85 = arith.subi %sign3A_81, %sign3A_84 : i32
      %ne3A = arith.cmpi ne, %sign3A_78, %sign3A_85 : i32
      %rem3A = arith.remsi %scan3A_71, %jit3A : i32
      %ne3A_86 = arith.constant 0 : i32
      %ne3A_87 = arith.cmpi ne, %rem3A, %ne3A_86 : i32
      %and3A = arith.andi %ne3A, %ne3A_87 : i1
      %sub3A = arith.constant 1 : i32
      %sub3A_88 = arith.subi %div3A, %sub3A : i32
      %select_n3A = arith.select %and3A, %sub3A_88, %div3A : i32
      %jit3A_89 = arith.constant 8 : i32
      %eq3A = arith.constant 0 : i32
      %eq3A_90 = arith.cmpi eq, %jit3A_89, %eq3A : i32
      %jit3A_91 = arith.constant 1 : i32
      %select_n3A_92 = arith.select %eq3A_90, %jit3A_91, %jit3A_89 : i32
      %rem3A_93 = arith.remsi %scan3A_71, %select_n3A_92 : i32
      %ne3A_94 = arith.constant 0 : i32
      %ne3A_95 = arith.cmpi ne, %rem3A_93, %ne3A_94 : i32
      %lt3A = arith.constant 0 : i32
      %lt3A_96 = arith.cmpi slt, %rem3A_93, %lt3A : i32
      %lt3A_97 = arith.constant 0 : i32
      %lt3A_98 = arith.cmpi slt, %select_n3A_92, %lt3A_97 : i32
      %ne3A_99 = arith.xori %lt3A_96, %lt3A_98 : i1
      %and3A_100 = arith.andi %ne3A_99, %ne3A_95 : i1
      %add3A_101 = arith.addi %rem3A_93, %select_n3A_92 : i32
      %select_n3A_102 = arith.select %and3A_100, %add3A_101, %rem3A_93 : i32
      %mul3A_103 = arith.constant 16 : i32
      %mul3A_104 = arith.muli %select_n3A_102, %mul3A_103 : i32
      %swap3A = arith.index_cast %select_n3A : i32 to index
      %swap3A_105 = arith.index_cast %mul3A_104 : i32 to index
      %swap3A_106 = tpu.vector_load %arg9[%swap3A, %swap3A_105] {strides = array<i32>} : memref<128x128xf32, #tpu.memory_space<vmem>>, vector<1x16xf32>,
      %swap3A_107 = vector.shape_cast %swap3A_106 : vector<1x16xf32> to vector<16xf32>
      %swap3A_108 = vector.shape_cast %broadcast_in_dim3A_6 : vector<16xf32> to vector<1x16xf32>
      tpu.vector_store %arg9[%swap3A, %swap3A_105], %swap3A_108 {strides = array<i32>} : memref<128x128xf32, #tpu.memory_space<vmem>>, vector<1x16xf32>,
      %scan3A_109 = arith.constant 0 : i32
      scf.yield %scan3A_109 : i32
    }
    %scan3A_12 = arith.constant 1024 : i32
    %mul3A = arith.constant 640 : i32
    %mul3A_13 = arith.muli %arg1, %mul3A : i32
    %add3A = arith.constant 0 : i32
    %add3A_14 = arith.addi %mul3A_13, %add3A : i32
    "tpu.region"() ({
      %run_scoped3A = tpu.sem_alloc : memref<!tpu.dma_semaphore, #tpu.memory_space<semaphore_mem>>
      %dma_start3A_71 = arith.constant 0 : i32
      %dma_start3A_72 = tpu.memref_slice %arg10[%add3A_14, %dma_start3A_71] : memref<10240x128xf32, #tpu.memory_space<vmem_shared>> -> memref<128x128xf32, #tpu.memory_space<vmem_shared>>
      %dma_start3A_73 = arith.constant 0 : i32
      %dma_start3A_74 = tpu.memref_slice %arg10[%add3A_14, %dma_start3A_73] : memref<10240x128xf32, #tpu.memory_space<vmem_shared>> -> memref<128x128xf32, #tpu.memory_space<vmem_shared>>
      tpu.enqueue_dma source(%arg9 : memref<128x128xf32, #tpu.memory_space<vmem>>) target(%dma_start3A_74 : memref<128x128xf32, #tpu.memory_space<vmem_shared>>) target_semaphore(%run_scoped3A : memref<!tpu.dma_semaphore, #tpu.memory_space<semaphore_mem>>)
      %dma_wait3A = arith.constant 0 : i32
      %dma_wait3A_75 = tpu.memref_slice %arg10[%add3A_14, %dma_wait3A] : memref<10240x128xf32, #tpu.memory_space<vmem_shared>> -> memref<128x128xf32, #tpu.memory_space<vmem_shared>>
      %dma_wait3A_76 = arith.constant 0 : i32
      %dma_wait3A_77 = tpu.memref_slice %arg10[%add3A_14, %dma_wait3A_76] : memref<10240x128xf32, #tpu.memory_space<vmem_shared>> -> memref<128x128xf32, #tpu.memory_space<vmem_shared>>
      tpu.wait_dma2 semaphore(%run_scoped3A : memref<!tpu.dma_semaphore, #tpu.memory_space<semaphore_mem>>) src(%arg9 : memref<128x128xf32, #tpu.memory_space<vmem>>) dst(%dma_wait3A_77 : memref<128x128xf32, #tpu.memory_space<vmem_shared>>)
      tpu.yield
    }) : () -> ()
    %mul3A_15 = arith.constant 640 : i32
    %mul3A_16 = arith.muli %arg1, %mul3A_15 : i32
    %add3A_17 = arith.constant 128 : i32
    %add3A_18 = arith.addi %mul3A_16, %add3A_17 : i32
    "tpu.region"() ({
      %run_scoped3A = tpu.sem_alloc : memref<!tpu.dma_semaphore, #tpu.memory_space<semaphore_mem>>
      %dma_start3A_71 = arith.constant 0 : i32
      %dma_start3A_72 = tpu.memref_slice %arg10[%add3A_18, %dma_start3A_71] : memref<10240x128xf32, #tpu.memory_space<vmem_shared>> -> memref<128x128xf32, #tpu.memory_space<vmem_shared>>
      %dma_start3A_73 = arith.constant 0 : i32
      %dma_start3A_74 = tpu.memref_slice %arg10[%add3A_18, %dma_start3A_73] : memref<10240x128xf32, #tpu.memory_space<vmem_shared>> -> memref<128x128xf32, #tpu.memory_space<vmem_shared>>
      tpu.enqueue_dma source(%arg9 : memref<128x128xf32, #tpu.memory_space<vmem>>) target(%dma_start3A_74 : memref<128x128xf32, #tpu.memory_space<vmem_shared>>) target_semaphore(%run_scoped3A : memref<!tpu.dma_semaphore, #tpu.memory_space<semaphore_mem>>)
      %dma_wait3A = arith.constant 0 : i32
      %dma_wait3A_75 = tpu.memref_slice %arg10[%add3A_18, %dma_wait3A] : memref<10240x128xf32, #tpu.memory_space<vmem_shared>> -> memref<128x128xf32, #tpu.memory_space<vmem_shared>>
      %dma_wait3A_76 = arith.constant 0 : i32
      %dma_wait3A_77 = tpu.memref_slice %arg10[%add3A_18, %dma_wait3A_76] : memref<10240x128xf32, #tpu.memory_space<vmem_shared>> -> memref<128x128xf32, #tpu.memory_space<vmem_shared>>
      tpu.wait_dma2 semaphore(%run_scoped3A : memref<!tpu.dma_semaphore, #tpu.memory_space<semaphore_mem>>) src(%arg9 : memref<128x128xf32, #tpu.memory_space<vmem>>) dst(%dma_wait3A_77 : memref<128x128xf32, #tpu.memory_space<vmem_shared>>)
      tpu.yield
    }) : () -> ()
    %mul3A_19 = arith.constant 640 : i32
    %mul3A_20 = arith.muli %arg1, %mul3A_19 : i32
    %add3A_21 = arith.constant 256 : i32
    %add3A_22 = arith.addi %mul3A_20, %add3A_21 : i32
    "tpu.region"() ({
      %run_scoped3A = tpu.sem_alloc : memref<!tpu.dma_semaphore, #tpu.memory_space<semaphore_mem>>
      %dma_start3A_71 = arith.constant 0 : i32
      %dma_start3A_72 = tpu.memref_slice %arg10[%add3A_22, %dma_start3A_71] : memref<10240x128xf32, #tpu.memory_space<vmem_shared>> -> memref<128x128xf32, #tpu.memory_space<vmem_shared>>
      %dma_start3A_73 = arith.constant 0 : i32
      %dma_start3A_74 = tpu.memref_slice %arg10[%add3A_22, %dma_start3A_73] : memref<10240x128xf32, #tpu.memory_space<vmem_shared>> -> memref<128x128xf32, #tpu.memory_space<vmem_shared>>
      tpu.enqueue_dma source(%arg9 : memref<128x128xf32, #tpu.memory_space<vmem>>) target(%dma_start3A_74 : memref<128x128xf32, #tpu.memory_space<vmem_shared>>) target_semaphore(%run_scoped3A : memref<!tpu.dma_semaphore, #tpu.memory_space<semaphore_mem>>)
      %dma_wait3A = arith.constant 0 : i32
      %dma_wait3A_75 = tpu.memref_slice %arg10[%add3A_22, %dma_wait3A] : memref<10240x128xf32, #tpu.memory_space<vmem_shared>> -> memref<128x128xf32, #tpu.memory_space<vmem_shared>>
      %dma_wait3A_76 = arith.constant 0 : i32
      %dma_wait3A_77 = tpu.memref_slice %arg10[%add3A_22, %dma_wait3A_76] : memref<10240x128xf32, #tpu.memory_space<vmem_shared>> -> memref<128x128xf32, #tpu.memory_space<vmem_shared>>
      tpu.wait_dma2 semaphore(%run_scoped3A : memref<!tpu.dma_semaphore, #tpu.memory_space<semaphore_mem>>) src(%arg9 : memref<128x128xf32, #tpu.memory_space<vmem>>) dst(%dma_wait3A_77 : memref<128x128xf32, #tpu.memory_space<vmem_shared>>)
      tpu.yield
    }) : () -> ()
    %mul3A_23 = arith.constant 640 : i32
    %mul3A_24 = arith.muli %arg1, %mul3A_23 : i32
    %add3A_25 = arith.constant 384 : i32
    %add3A_26 = arith.addi %mul3A_24, %add3A_25 : i32
    "tpu.region"() ({
      %run_scoped3A = tpu.sem_alloc : memref<!tpu.dma_semaphore, #tpu.memory_space<semaphore_mem>>
      %dma_start3A_71 = arith.constant 0 : i32
      %dma_start3A_72 = tpu.memref_slice %arg10[%add3A_26, %dma_start3A_71] : memref<10240x128xf32, #tpu.memory_space<vmem_shared>> -> memref<128x128xf32, #tpu.memory_space<vmem_shared>>
      %dma_start3A_73 = arith.constant 0 : i32
      %dma_start3A_74 = tpu.memref_slice %arg10[%add3A_26, %dma_start3A_73] : memref<10240x128xf32, #tpu.memory_space<vmem_shared>> -> memref<128x128xf32, #tpu.memory_space<vmem_shared>>
      tpu.enqueue_dma source(%arg9 : memref<128x128xf32, #tpu.memory_space<vmem>>) target(%dma_start3A_74 : memref<128x128xf32, #tpu.memory_space<vmem_shared>>) target_semaphore(%run_scoped3A : memref<!tpu.dma_semaphore, #tpu.memory_space<semaphore_mem>>)
      %dma_wait3A = arith.constant 0 : i32
      %dma_wait3A_75 = tpu.memref_slice %arg10[%add3A_26, %dma_wait3A] : memref<10240x128xf32, #tpu.memory_space<vmem_shared>> -> memref<128x128xf32, #tpu.memory_space<vmem_shared>>
      %dma_wait3A_76 = arith.constant 0 : i32
      %dma_wait3A_77 = tpu.memref_slice %arg10[%add3A_26, %dma_wait3A_76] : memref<10240x128xf32, #tpu.memory_space<vmem_shared>> -> memref<128x128xf32, #tpu.memory_space<vmem_shared>>
      tpu.wait_dma2 semaphore(%run_scoped3A : memref<!tpu.dma_semaphore, #tpu.memory_space<semaphore_mem>>) src(%arg9 : memref<128x128xf32, #tpu.memory_space<vmem>>) dst(%dma_wait3A_77 : memref<128x128xf32, #tpu.memory_space<vmem_shared>>)
      tpu.yield
    }) : () -> ()
    %mul3A_27 = arith.constant 640 : i32
    %mul3A_28 = arith.muli %arg1, %mul3A_27 : i32
    %add3A_29 = arith.constant 512 : i32
    %add3A_30 = arith.addi %mul3A_28, %add3A_29 : i32
    "tpu.region"() ({
      %run_scoped3A = tpu.sem_alloc : memref<!tpu.dma_semaphore, #tpu.memory_space<semaphore_mem>>
      %dma_start3A_71 = arith.constant 0 : i32
      %dma_start3A_72 = tpu.memref_slice %arg10[%add3A_30, %dma_start3A_71] : memref<10240x128xf32, #tpu.memory_space<vmem_shared>> -> memref<128x128xf32, #tpu.memory_space<vmem_shared>>
      %dma_start3A_73 = arith.constant 0 : i32
      %dma_start3A_74 = tpu.memref_slice %arg10[%add3A_30, %dma_start3A_73] : memref<10240x128xf32, #tpu.memory_space<vmem_shared>> -> memref<128x128xf32, #tpu.memory_space<vmem_shared>>
      tpu.enqueue_dma source(%arg9 : memref<128x128xf32, #tpu.memory_space<vmem>>) target(%dma_start3A_74 : memref<128x128xf32, #tpu.memory_space<vmem_shared>>) target_semaphore(%run_scoped3A : memref<!tpu.dma_semaphore, #tpu.memory_space<semaphore_mem>>)
      %dma_wait3A = arith.constant 0 : i32
      %dma_wait3A_75 = tpu.memref_slice %arg10[%add3A_30, %dma_wait3A] : memref<10240x128xf32, #tpu.memory_space<vmem_shared>> -> memref<128x128xf32, #tpu.memory_space<vmem_shared>>
      %dma_wait3A_76 = arith.constant 0 : i32
      %dma_wait3A_77 = tpu.memref_slice %arg10[%add3A_30, %dma_wait3A_76] : memref<10240x128xf32, #tpu.memory_space<vmem_shared>> -> memref<128x128xf32, #tpu.memory_space<vmem_shared>>
      tpu.wait_dma2 semaphore(%run_scoped3A : memref<!tpu.dma_semaphore, #tpu.memory_space<semaphore_mem>>) src(%arg9 : memref<128x128xf32, #tpu.memory_space<vmem>>) dst(%dma_wait3A_77 : memref<128x128xf32, #tpu.memory_space<vmem_shared>>)
      tpu.yield
    }) : () -> ()
    %dma_start3A_31 = arith.constant 1 : i32
    %dma_start3A_32 = arith.constant 0 : i32
    %dma_start3A_33 = tpu.memref_slice %arg6[%dma_start3A_31, %dma_start3A_32] : memref<40x128xi32, #tpu.memory_space<vmem>> -> memref<1x128xi32, #tpu.memory_space<vmem>>
    %dma_start3A_34 = tpu.memref_squeeze %dma_start3A_33 : memref<1x128xi32, #tpu.memory_space<vmem>> -> memref<128xi32, #tpu.memory_space<vmem>>
    %dma_start3A_35 = arith.constant 0 : i32
    %dma_start3A_36 = arith.constant 0 : i32
    %dma_start3A_37 = tpu.memref_slice %arg2[%dma_start3A_35, %dma_start3A_36] : memref<20480x128xf32, #tpu.memory_space<hbm>> -> memref<20480x128xf32, #tpu.memory_space<hbm>>
    tpu.enqueue_indirect_dma source(%dma_start3A_37 : memref<20480x128xf32, #tpu.memory_space<hbm>>) target(%arg9 : memref<128x128xf32, #tpu.memory_space<vmem>>) offsets(%dma_start3A_34 : memref<128xi32, #tpu.memory_space<vmem>>) semaphore(%arg12 : memref<!tpu.dma_semaphore, #tpu.memory_space<semaphore_mem>>)
    %barrier3A = arith.constant 0 : index
    tpu.barrier barrier_id(%barrier3A)
    %scan3A_38 = arith.constant 0 : i32
    %scan3A_39 = arith.constant 0 : i32
    %scan3A_40 = arith.constant 20 : i32
    %scan3A_41 = arith.addi %scan3A_39, %scan3A_40 : i32
    %scan3A_42 = arith.constant 1 : i32
    %scan3A_43 = scf.for %scan3A_71 = %scan3A_39 to %scan3A_41 step %scan3A_42 iter_args(%scan3A_72 = %scan3A_38) -> (i32)  : i32 {
      %mul3A_73 = arith.constant 2 : i32
      %mul3A_74 = arith.muli %scan3A_71, %mul3A_73 : i32
      %add3A_75 = arith.constant 0 : i32
      %add3A_76 = arith.addi %mul3A_74, %add3A_75 : i32
      %dma_wait3A = arith.constant 0 : i32
      %dma_wait3A_77 = tpu.memref_slice %arg6[%add3A_76, %dma_wait3A] : memref<40x128xi32, #tpu.memory_space<vmem>> -> memref<1x128xi32, #tpu.memory_space<vmem>>
      %dma_wait3A_78 = tpu.memref_squeeze %dma_wait3A_77 : memref<1x128xi32, #tpu.memory_space<vmem>> -> memref<128xi32, #tpu.memory_space<vmem>>
      %dma_wait3A_79 = arith.constant 0 : i32
      %dma_wait3A_80 = arith.constant 0 : i32
      %dma_wait3A_81 = tpu.memref_slice %arg2[%dma_wait3A_79, %dma_wait3A_80] : memref<20480x128xf32, #tpu.memory_space<hbm>> -> memref<20480x128xf32, #tpu.memory_space<hbm>>
      tpu.wait_indirect_dma semaphore(%arg11 : memref<!tpu.dma_semaphore, #tpu.memory_space<semaphore_mem>>) src(%dma_wait3A_81 : memref<20480x128xf32, #tpu.memory_space<hbm>>) dst(%arg8 : memref<128x128xf32, #tpu.memory_space<vmem>>)
      "tpu.region"() ({
        %run_scoped3A = tpu.sem_alloc : memref<!tpu.dma_semaphore, #tpu.memory_space<semaphore_mem>>
        %dma_start3A_104 = arith.constant 0 : i32
        %dma_start3A_105 = tpu.memref_slice %arg7[%add3A_76, %dma_start3A_104] : memref<40x128xi32, #tpu.memory_space<vmem>> -> memref<1x128xi32, #tpu.memory_space<vmem>>
        %dma_start3A_106 = tpu.memref_squeeze %dma_start3A_105 : memref<1x128xi32, #tpu.memory_space<vmem>> -> memref<128xi32, #tpu.memory_space<vmem>>
        %dma_start3A_107 = arith.constant 0 : i32
        %dma_start3A_108 = arith.constant 0 : i32
        %dma_start3A_109 = tpu.memref_slice %arg10[%dma_start3A_107, %dma_start3A_108] : memref<10240x128xf32, #tpu.memory_space<vmem_shared>> -> memref<10240x128xf32, #tpu.memory_space<vmem_shared>>
        tpu.enqueue_indirect_dma source(%arg8 : memref<128x128xf32, #tpu.memory_space<vmem>>) target(%dma_start3A_109 : memref<10240x128xf32, #tpu.memory_space<vmem_shared>>) offsets(%dma_start3A_106 : memref<128xi32, #tpu.memory_space<vmem>>) semaphore(%run_scoped3A : memref<!tpu.dma_semaphore, #tpu.memory_space<semaphore_mem>>) {add = true}
        %dma_wait3A_110 = arith.constant 0 : i32
        %dma_wait3A_111 = tpu.memref_slice %arg7[%add3A_76, %dma_wait3A_110] : memref<40x128xi32, #tpu.memory_space<vmem>> -> memref<1x128xi32, #tpu.memory_space<vmem>>
        %dma_wait3A_112 = tpu.memref_squeeze %dma_wait3A_111 : memref<1x128xi32, #tpu.memory_space<vmem>> -> memref<128xi32, #tpu.memory_space<vmem>>
        %dma_wait3A_113 = arith.constant 0 : i32
        %dma_wait3A_114 = arith.constant 0 : i32
        %dma_wait3A_115 = tpu.memref_slice %arg10[%dma_wait3A_113, %dma_wait3A_114] : memref<10240x128xf32, #tpu.memory_space<vmem_shared>> -> memref<10240x128xf32, #tpu.memory_space<vmem_shared>>
        tpu.wait_indirect_dma semaphore(%run_scoped3A : memref<!tpu.dma_semaphore, #tpu.memory_space<semaphore_mem>>) src(%arg8 : memref<128x128xf32, #tpu.memory_space<vmem>>) dst(%dma_wait3A_115 : memref<10240x128xf32, #tpu.memory_space<vmem_shared>>)
        tpu.yield
      }) : () -> ()
      %add3A_82 = arith.constant 2 : i32
      %add3A_83 = arith.addi %add3A_76, %add3A_82 : i32
      %lt3A = arith.constant 40 : i32
      %lt3A_84 = arith.cmpi slt, %add3A_83, %lt3A : i32
      %convert_element_type3A = arith.extui %lt3A_84 : i1 to i32
      %cond3A = arith.constant 0 : i32
      %cond3A_85 = arith.cmpi ne, %convert_element_type3A, %cond3A : i32
      scf.if %cond3A_85 {
        %add3A_104 = arith.constant 2 : i32
        %add3A_105 = arith.addi %add3A_76, %add3A_104 : i32
        %dma_start3A_106 = arith.constant 0 : i32
        %dma_start3A_107 = tpu.memref_slice %arg6[%add3A_105, %dma_start3A_106] : memref<40x128xi32, #tpu.memory_space<vmem>> -> memref<1x128xi32, #tpu.memory_space<vmem>>
        %dma_start3A_108 = tpu.memref_squeeze %dma_start3A_107 : memref<1x128xi32, #tpu.memory_space<vmem>> -> memref<128xi32, #tpu.memory_space<vmem>>
        %dma_start3A_109 = arith.constant 0 : i32
        %dma_start3A_110 = arith.constant 0 : i32
        %dma_start3A_111 = tpu.memref_slice %arg2[%dma_start3A_109, %dma_start3A_110] : memref<20480x128xf32, #tpu.memory_space<hbm>> -> memref<20480x128xf32, #tpu.memory_space<hbm>>
        tpu.enqueue_indirect_dma source(%dma_start3A_111 : memref<20480x128xf32, #tpu.memory_space<hbm>>) target(%arg8 : memref<128x128xf32, #tpu.memory_space<vmem>>) offsets(%dma_start3A_108 : memref<128xi32, #tpu.memory_space<vmem>>) semaphore(%arg11 : memref<!tpu.dma_semaphore, #tpu.memory_space<semaphore_mem>>)
      } else {
      }
      %mul3A_86 = arith.constant 2 : i32
      %mul3A_87 = arith.muli %scan3A_71, %mul3A_86 : i32
      %add3A_88 = arith.constant 1 : i32
      %add3A_89 = arith.addi %mul3A_87, %add3A_88 : i32
      %dma_wait3A_90 = arith.constant 0 : i32
      %dma_wait3A_91 = tpu.memref_slice %arg6[%add3A_89, %dma_wait3A_90] : memref<40x128xi32, #tpu.memory_space<vmem>> -> memref<1x128xi32, #tpu.memory_space<vmem>>
      %dma_wait3A_92 = tpu.memref_squeeze %dma_wait3A_91 : memref<1x128xi32, #tpu.memory_space<vmem>> -> memref<128xi32, #tpu.memory_space<vmem>>
      %dma_wait3A_93 = arith.constant 0 : i32
      %dma_wait3A_94 = arith.constant 0 : i32
      %dma_wait3A_95 = tpu.memref_slice %arg2[%dma_wait3A_93, %dma_wait3A_94] : memref<20480x128xf32, #tpu.memory_space<hbm>> -> memref<20480x128xf32, #tpu.memory_space<hbm>>
      tpu.wait_indirect_dma semaphore(%arg12 : memref<!tpu.dma_semaphore, #tpu.memory_space<semaphore_mem>>) src(%dma_wait3A_95 : memref<20480x128xf32, #tpu.memory_space<hbm>>) dst(%arg9 : memref<128x128xf32, #tpu.memory_space<vmem>>)
      "tpu.region"() ({
        %run_scoped3A = tpu.sem_alloc : memref<!tpu.dma_semaphore, #tpu.memory_space<semaphore_mem>>
        %dma_start3A_104 = arith.constant 0 : i32
        %dma_start3A_105 = tpu.memref_slice %arg7[%add3A_89, %dma_start3A_104] : memref<40x128xi32, #tpu.memory_space<vmem>> -> memref<1x128xi32, #tpu.memory_space<vmem>>
        %dma_start3A_106 = tpu.memref_squeeze %dma_start3A_105 : memref<1x128xi32, #tpu.memory_space<vmem>> -> memref<128xi32, #tpu.memory_space<vmem>>
        %dma_start3A_107 = arith.constant 0 : i32
        %dma_start3A_108 = arith.constant 0 : i32
        %dma_start3A_109 = tpu.memref_slice %arg10[%dma_start3A_107, %dma_start3A_108] : memref<10240x128xf32, #tpu.memory_space<vmem_shared>> -> memref<10240x128xf32, #tpu.memory_space<vmem_shared>>
        tpu.enqueue_indirect_dma source(%arg9 : memref<128x128xf32, #tpu.memory_space<vmem>>) target(%dma_start3A_109 : memref<10240x128xf32, #tpu.memory_space<vmem_shared>>) offsets(%dma_start3A_106 : memref<128xi32, #tpu.memory_space<vmem>>) semaphore(%run_scoped3A : memref<!tpu.dma_semaphore, #tpu.memory_space<semaphore_mem>>) {add = true}
        %dma_wait3A_110 = arith.constant 0 : i32
        %dma_wait3A_111 = tpu.memref_slice %arg7[%add3A_89, %dma_wait3A_110] : memref<40x128xi32, #tpu.memory_space<vmem>> -> memref<1x128xi32, #tpu.memory_space<vmem>>
        %dma_wait3A_112 = tpu.memref_squeeze %dma_wait3A_111 : memref<1x128xi32, #tpu.memory_space<vmem>> -> memref<128xi32, #tpu.memory_space<vmem>>
        %dma_wait3A_113 = arith.constant 0 : i32
        %dma_wait3A_114 = arith.constant 0 : i32
        %dma_wait3A_115 = tpu.memref_slice %arg10[%dma_wait3A_113, %dma_wait3A_114] : memref<10240x128xf32, #tpu.memory_space<vmem_shared>> -> memref<10240x128xf32, #tpu.memory_space<vmem_shared>>
        tpu.wait_indirect_dma semaphore(%run_scoped3A : memref<!tpu.dma_semaphore, #tpu.memory_space<semaphore_mem>>) src(%arg9 : memref<128x128xf32, #tpu.memory_space<vmem>>) dst(%dma_wait3A_115 : memref<10240x128xf32, #tpu.memory_space<vmem_shared>>)
        tpu.yield
      }) : () -> ()
      %add3A_96 = arith.constant 2 : i32
      %add3A_97 = arith.addi %add3A_89, %add3A_96 : i32
      %lt3A_98 = arith.constant 40 : i32
      %lt3A_99 = arith.cmpi slt, %add3A_97, %lt3A_98 : i32
      %convert_element_type3A_100 = arith.extui %lt3A_99 : i1 to i32
      %cond3A_101 = arith.constant 0 : i32
      %cond3A_102 = arith.cmpi ne, %convert_element_type3A_100, %cond3A_101 : i32
      scf.if %cond3A_102 {
        %add3A_104 = arith.constant 2 : i32
        %add3A_105 = arith.addi %add3A_89, %add3A_104 : i32
        %dma_start3A_106 = arith.constant 0 : i32
        %dma_start3A_107 = tpu.memref_slice %arg6[%add3A_105, %dma_start3A_106] : memref<40x128xi32, #tpu.memory_space<vmem>> -> memref<1x128xi32, #tpu.memory_space<vmem>>
        %dma_start3A_108 = tpu.memref_squeeze %dma_start3A_107 : memref<1x128xi32, #tpu.memory_space<vmem>> -> memref<128xi32, #tpu.memory_space<vmem>>
        %dma_start3A_109 = arith.constant 0 : i32
        %dma_start3A_110 = arith.constant 0 : i32
        %dma_start3A_111 = tpu.memref_slice %arg2[%dma_start3A_109, %dma_start3A_110] : memref<20480x128xf32, #tpu.memory_space<hbm>> -> memref<20480x128xf32, #tpu.memory_space<hbm>>
        tpu.enqueue_indirect_dma source(%dma_start3A_111 : memref<20480x128xf32, #tpu.memory_space<hbm>>) target(%arg9 : memref<128x128xf32, #tpu.memory_space<vmem>>) offsets(%dma_start3A_108 : memref<128xi32, #tpu.memory_space<vmem>>) semaphore(%arg12 : memref<!tpu.dma_semaphore, #tpu.memory_space<semaphore_mem>>)
      } else {
      }
      %scan3A_103 = arith.constant 0 : i32
      scf.yield %scan3A_103 : i32
    }
    %scan3A_44 = arith.constant 20 : i32
    "tpu.region"() ({
      %run_scoped3A = tpu.sem_alloc : memref<!tpu.dma_semaphore, #tpu.memory_space<semaphore_mem>>
      %dma_start3A_71 = arith.constant 40 : i32
      %dma_start3A_72 = arith.constant 0 : i32
      %dma_start3A_73 = tpu.memref_slice %arg3[%arg0, %arg1, %dma_start3A_71, %dma_start3A_72] : memref<2x16x80x128xi32, #tpu.memory_space<hbm>> -> memref<1x1x40x128xi32, #tpu.memory_space<hbm>>
      %dma_start3A_74 = tpu.memref_squeeze %dma_start3A_73 : memref<1x1x40x128xi32, #tpu.memory_space<hbm>> -> memref<40x128xi32, #tpu.memory_space<hbm>>
      %dma_start3A_75 = arith.constant 40 : i32
      %dma_start3A_76 = arith.constant 0 : i32
      %dma_start3A_77 = tpu.memref_slice %arg3[%arg0, %arg1, %dma_start3A_75, %dma_start3A_76] : memref<2x16x80x128xi32, #tpu.memory_space<hbm>> -> memref<1x1x40x128xi32, #tpu.memory_space<hbm>>
      %dma_start3A_78 = tpu.memref_squeeze %dma_start3A_77 : memref<1x1x40x128xi32, #tpu.memory_space<hbm>> -> memref<40x128xi32, #tpu.memory_space<hbm>>
      tpu.enqueue_dma source(%dma_start3A_78 : memref<40x128xi32, #tpu.memory_space<hbm>>) target(%arg6 : memref<40x128xi32, #tpu.memory_space<vmem>>) target_semaphore(%run_scoped3A : memref<!tpu.dma_semaphore, #tpu.memory_space<semaphore_mem>>)
      %dma_wait3A = arith.constant 40 : i32
      %dma_wait3A_79 = arith.constant 0 : i32
      %dma_wait3A_80 = tpu.memref_slice %arg3[%arg0, %arg1, %dma_wait3A, %dma_wait3A_79] : memref<2x16x80x128xi32, #tpu.memory_space<hbm>> -> memref<1x1x40x128xi32, #tpu.memory_space<hbm>>
      %dma_wait3A_81 = tpu.memref_squeeze %dma_wait3A_80 : memref<1x1x40x128xi32, #tpu.memory_space<hbm>> -> memref<40x128xi32, #tpu.memory_space<hbm>>
      %dma_wait3A_82 = arith.constant 40 : i32
      %dma_wait3A_83 = arith.constant 0 : i32
      %dma_wait3A_84 = tpu.memref_slice %arg3[%arg0, %arg1, %dma_wait3A_82, %dma_wait3A_83] : memref<2x16x80x128xi32, #tpu.memory_space<hbm>> -> memref<1x1x40x128xi32, #tpu.memory_space<hbm>>
      %dma_wait3A_85 = tpu.memref_squeeze %dma_wait3A_84 : memref<1x1x40x128xi32, #tpu.memory_space<hbm>> -> memref<40x128xi32, #tpu.memory_space<hbm>>
      tpu.wait_dma2 semaphore(%run_scoped3A : memref<!tpu.dma_semaphore, #tpu.memory_space<semaphore_mem>>) src(%dma_wait3A_85 : memref<40x128xi32, #tpu.memory_space<hbm>>) dst(%arg6 : memref<40x128xi32, #tpu.memory_space<vmem>>)
      tpu.yield
    }) : () -> ()
    "tpu.region"() ({
      %run_scoped3A = tpu.sem_alloc : memref<!tpu.dma_semaphore, #tpu.memory_space<semaphore_mem>>
      %dma_start3A_71 = arith.constant 40 : i32
      %dma_start3A_72 = arith.constant 0 : i32
      %dma_start3A_73 = tpu.memref_slice %arg4[%arg1, %dma_start3A_71, %dma_start3A_72] : memref<16x80x128xi32, #tpu.memory_space<hbm>> -> memref<1x40x128xi32, #tpu.memory_space<hbm>>
      %dma_start3A_74 = tpu.memref_squeeze %dma_start3A_73 : memref<1x40x128xi32, #tpu.memory_space<hbm>> -> memref<40x128xi32, #tpu.memory_space<hbm>>
      %dma_start3A_75 = arith.constant 40 : i32
      %dma_start3A_76 = arith.constant 0 : i32
      %dma_start3A_77 = tpu.memref_slice %arg4[%arg1, %dma_start3A_75, %dma_start3A_76] : memref<16x80x128xi32, #tpu.memory_space<hbm>> -> memref<1x40x128xi32, #tpu.memory_space<hbm>>
      %dma_start3A_78 = tpu.memref_squeeze %dma_start3A_77 : memref<1x40x128xi32, #tpu.memory_space<hbm>> -> memref<40x128xi32, #tpu.memory_space<hbm>>
      tpu.enqueue_dma source(%dma_start3A_78 : memref<40x128xi32, #tpu.memory_space<hbm>>) target(%arg7 : memref<40x128xi32, #tpu.memory_space<vmem>>) target_semaphore(%run_scoped3A : memref<!tpu.dma_semaphore, #tpu.memory_space<semaphore_mem>>)
      %dma_wait3A = arith.constant 40 : i32
      %dma_wait3A_79 = arith.constant 0 : i32
      %dma_wait3A_80 = tpu.memref_slice %arg4[%arg1, %dma_wait3A, %dma_wait3A_79] : memref<16x80x128xi32, #tpu.memory_space<hbm>> -> memref<1x40x128xi32, #tpu.memory_space<hbm>>
      %dma_wait3A_81 = tpu.memref_squeeze %dma_wait3A_80 : memref<1x40x128xi32, #tpu.memory_space<hbm>> -> memref<40x128xi32, #tpu.memory_space<hbm>>
      %dma_wait3A_82 = arith.constant 40 : i32
      %dma_wait3A_83 = arith.constant 0 : i32
      %dma_wait3A_84 = tpu.memref_slice %arg4[%arg1, %dma_wait3A_82, %dma_wait3A_83] : memref<16x80x128xi32, #tpu.memory_space<hbm>> -> memref<1x40x128xi32, #tpu.memory_space<hbm>>
      %dma_wait3A_85 = tpu.memref_squeeze %dma_wait3A_84 : memref<1x40x128xi32, #tpu.memory_space<hbm>> -> memref<40x128xi32, #tpu.memory_space<hbm>>
      tpu.wait_dma2 semaphore(%run_scoped3A : memref<!tpu.dma_semaphore, #tpu.memory_space<semaphore_mem>>) src(%dma_wait3A_85 : memref<40x128xi32, #tpu.memory_space<hbm>>) dst(%arg7 : memref<40x128xi32, #tpu.memory_space<vmem>>)
      tpu.yield
    }) : () -> ()
    %dma_start3A_45 = arith.constant 0 : i32
    %dma_start3A_46 = arith.constant 0 : i32
    %dma_start3A_47 = tpu.memref_slice %arg6[%dma_start3A_45, %dma_start3A_46] : memref<40x128xi32, #tpu.memory_space<vmem>> -> memref<1x128xi32, #tpu.memory_space<vmem>>
    %dma_start3A_48 = tpu.memref_squeeze %dma_start3A_47 : memref<1x128xi32, #tpu.memory_space<vmem>> -> memref<128xi32, #tpu.memory_space<vmem>>
    %dma_start3A_49 = arith.constant 0 : i32
    %dma_start3A_50 = arith.constant 0 : i32
    %dma_start3A_51 = tpu.memref_slice %arg2[%dma_start3A_49, %dma_start3A_50] : memref<20480x128xf32, #tpu.memory_space<hbm>> -> memref<20480x128xf32, #tpu.memory_space<hbm>>
    tpu.enqueue_indirect_dma source(%dma_start3A_51 : memref<20480x128xf32, #tpu.memory_space<hbm>>) target(%arg8 : memref<128x128xf32, #tpu.memory_space<vmem>>) offsets(%dma_start3A_48 : memref<128xi32, #tpu.memory_space<vmem>>) semaphore(%arg11 : memref<!tpu.dma_semaphore, #tpu.memory_space<semaphore_mem>>)
    %dma_start3A_52 = arith.constant 1 : i32
    %dma_start3A_53 = arith.constant 0 : i32
    %dma_start3A_54 = tpu.memref_slice %arg6[%dma_start3A_52, %dma_start3A_53] : memref<40x128xi32, #tpu.memory_space<vmem>> -> memref<1x128xi32, #tpu.memory_space<vmem>>
    %dma_start3A_55 = tpu.memref_squeeze %dma_start3A_54 : memref<1x128xi32, #tpu.memory_space<vmem>> -> memref<128xi32, #tpu.memory_space<vmem>>
    %dma_start3A_56 = arith.constant 0 : i32
    %dma_start3A_57 = arith.constant 0 : i32
    %dma_start3A_58 = tpu.memref_slice %arg2[%dma_start3A_56, %dma_start3A_57] : memref<20480x128xf32, #tpu.memory_space<hbm>> -> memref<20480x128xf32, #tpu.memory_space<hbm>>
    tpu.enqueue_indirect_dma source(%dma_start3A_58 : memref<20480x128xf32, #tpu.memory_space<hbm>>) target(%arg9 : memref<128x128xf32, #tpu.memory_space<vmem>>) offsets(%dma_start3A_55 : memref<128xi32, #tpu.memory_space<vmem>>) semaphore(%arg12 : memref<!tpu.dma_semaphore, #tpu.memory_space<semaphore_mem>>)
    %scan3A_59 = arith.constant 0 : i32
    %scan3A_60 = arith.constant 0 : i32
    %scan3A_61 = arith.constant 20 : i32
    %scan3A_62 = arith.addi %scan3A_60, %scan3A_61 : i32
    %scan3A_63 = arith.constant 1 : i32
    %scan3A_64 = scf.for %scan3A_71 = %scan3A_60 to %scan3A_62 step %scan3A_63 iter_args(%scan3A_72 = %scan3A_59) -> (i32)  : i32 {
      %mul3A_73 = arith.constant 2 : i32
      %mul3A_74 = arith.muli %scan3A_71, %mul3A_73 : i32
      %add3A_75 = arith.constant 0 : i32
      %add3A_76 = arith.addi %mul3A_74, %add3A_75 : i32
      %dma_wait3A = arith.constant 0 : i32
      %dma_wait3A_77 = tpu.memref_slice %arg6[%add3A_76, %dma_wait3A] : memref<40x128xi32, #tpu.memory_space<vmem>> -> memref<1x128xi32, #tpu.memory_space<vmem>>
      %dma_wait3A_78 = tpu.memref_squeeze %dma_wait3A_77 : memref<1x128xi32, #tpu.memory_space<vmem>> -> memref<128xi32, #tpu.memory_space<vmem>>
      %dma_wait3A_79 = arith.constant 0 : i32
      %dma_wait3A_80 = arith.constant 0 : i32
      %dma_wait3A_81 = tpu.memref_slice %arg2[%dma_wait3A_79, %dma_wait3A_80] : memref<20480x128xf32, #tpu.memory_space<hbm>> -> memref<20480x128xf32, #tpu.memory_space<hbm>>
      tpu.wait_indirect_dma semaphore(%arg11 : memref<!tpu.dma_semaphore, #tpu.memory_space<semaphore_mem>>) src(%dma_wait3A_81 : memref<20480x128xf32, #tpu.memory_space<hbm>>) dst(%arg8 : memref<128x128xf32, #tpu.memory_space<vmem>>)
      "tpu.region"() ({
        %run_scoped3A = tpu.sem_alloc : memref<!tpu.dma_semaphore, #tpu.memory_space<semaphore_mem>>
        %dma_start3A_104 = arith.constant 0 : i32
        %dma_start3A_105 = tpu.memref_slice %arg7[%add3A_76, %dma_start3A_104] : memref<40x128xi32, #tpu.memory_space<vmem>> -> memref<1x128xi32, #tpu.memory_space<vmem>>
        %dma_start3A_106 = tpu.memref_squeeze %dma_start3A_105 : memref<1x128xi32, #tpu.memory_space<vmem>> -> memref<128xi32, #tpu.memory_space<vmem>>
        %dma_start3A_107 = arith.constant 0 : i32
        %dma_start3A_108 = arith.constant 0 : i32
        %dma_start3A_109 = tpu.memref_slice %arg10[%dma_start3A_107, %dma_start3A_108] : memref<10240x128xf32, #tpu.memory_space<vmem_shared>> -> memref<10240x128xf32, #tpu.memory_space<vmem_shared>>
        tpu.enqueue_indirect_dma source(%arg8 : memref<128x128xf32, #tpu.memory_space<vmem>>) target(%dma_start3A_109 : memref<10240x128xf32, #tpu.memory_space<vmem_shared>>) offsets(%dma_start3A_106 : memref<128xi32, #tpu.memory_space<vmem>>) semaphore(%run_scoped3A : memref<!tpu.dma_semaphore, #tpu.memory_space<semaphore_mem>>) {add = true}
        %dma_wait3A_110 = arith.constant 0 : i32
        %dma_wait3A_111 = tpu.memref_slice %arg7[%add3A_76, %dma_wait3A_110] : memref<40x128xi32, #tpu.memory_space<vmem>> -> memref<1x128xi32, #tpu.memory_space<vmem>>
        %dma_wait3A_112 = tpu.memref_squeeze %dma_wait3A_111 : memref<1x128xi32, #tpu.memory_space<vmem>> -> memref<128xi32, #tpu.memory_space<vmem>>
        %dma_wait3A_113 = arith.constant 0 : i32
        %dma_wait3A_114 = arith.constant 0 : i32
        %dma_wait3A_115 = tpu.memref_slice %arg10[%dma_wait3A_113, %dma_wait3A_114] : memref<10240x128xf32, #tpu.memory_space<vmem_shared>> -> memref<10240x128xf32, #tpu.memory_space<vmem_shared>>
        tpu.wait_indirect_dma semaphore(%run_scoped3A : memref<!tpu.dma_semaphore, #tpu.memory_space<semaphore_mem>>) src(%arg8 : memref<128x128xf32, #tpu.memory_space<vmem>>) dst(%dma_wait3A_115 : memref<10240x128xf32, #tpu.memory_space<vmem_shared>>)
        tpu.yield
      }) : () -> ()
      %add3A_82 = arith.constant 2 : i32
      %add3A_83 = arith.addi %add3A_76, %add3A_82 : i32
      %lt3A = arith.constant 40 : i32
      %lt3A_84 = arith.cmpi slt, %add3A_83, %lt3A : i32
      %convert_element_type3A = arith.extui %lt3A_84 : i1 to i32
      %cond3A = arith.constant 0 : i32
      %cond3A_85 = arith.cmpi ne, %convert_element_type3A, %cond3A : i32
      scf.if %cond3A_85 {
        %add3A_104 = arith.constant 2 : i32
        %add3A_105 = arith.addi %add3A_76, %add3A_104 : i32
        %dma_start3A_106 = arith.constant 0 : i32
        %dma_start3A_107 = tpu.memref_slice %arg6[%add3A_105, %dma_start3A_106] : memref<40x128xi32, #tpu.memory_space<vmem>> -> memref<1x128xi32, #tpu.memory_space<vmem>>
        %dma_start3A_108 = tpu.memref_squeeze %dma_start3A_107 : memref<1x128xi32, #tpu.memory_space<vmem>> -> memref<128xi32, #tpu.memory_space<vmem>>
        %dma_start3A_109 = arith.constant 0 : i32
        %dma_start3A_110 = arith.constant 0 : i32
        %dma_start3A_111 = tpu.memref_slice %arg2[%dma_start3A_109, %dma_start3A_110] : memref<20480x128xf32, #tpu.memory_space<hbm>> -> memref<20480x128xf32, #tpu.memory_space<hbm>>
        tpu.enqueue_indirect_dma source(%dma_start3A_111 : memref<20480x128xf32, #tpu.memory_space<hbm>>) target(%arg8 : memref<128x128xf32, #tpu.memory_space<vmem>>) offsets(%dma_start3A_108 : memref<128xi32, #tpu.memory_space<vmem>>) semaphore(%arg11 : memref<!tpu.dma_semaphore, #tpu.memory_space<semaphore_mem>>)
      } else {
      }
      %mul3A_86 = arith.constant 2 : i32
      %mul3A_87 = arith.muli %scan3A_71, %mul3A_86 : i32
      %add3A_88 = arith.constant 1 : i32
      %add3A_89 = arith.addi %mul3A_87, %add3A_88 : i32
      %dma_wait3A_90 = arith.constant 0 : i32
      %dma_wait3A_91 = tpu.memref_slice %arg6[%add3A_89, %dma_wait3A_90] : memref<40x128xi32, #tpu.memory_space<vmem>> -> memref<1x128xi32, #tpu.memory_space<vmem>>
      %dma_wait3A_92 = tpu.memref_squeeze %dma_wait3A_91 : memref<1x128xi32, #tpu.memory_space<vmem>> -> memref<128xi32, #tpu.memory_space<vmem>>
      %dma_wait3A_93 = arith.constant 0 : i32
      %dma_wait3A_94 = arith.constant 0 : i32
      %dma_wait3A_95 = tpu.memref_slice %arg2[%dma_wait3A_93, %dma_wait3A_94] : memref<20480x128xf32, #tpu.memory_space<hbm>> -> memref<20480x128xf32, #tpu.memory_space<hbm>>
      tpu.wait_indirect_dma semaphore(%arg12 : memref<!tpu.dma_semaphore, #tpu.memory_space<semaphore_mem>>) src(%dma_wait3A_95 : memref<20480x128xf32, #tpu.memory_space<hbm>>) dst(%arg9 : memref<128x128xf32, #tpu.memory_space<vmem>>)
      "tpu.region"() ({
        %run_scoped3A = tpu.sem_alloc : memref<!tpu.dma_semaphore, #tpu.memory_space<semaphore_mem>>
        %dma_start3A_104 = arith.constant 0 : i32
        %dma_start3A_105 = tpu.memref_slice %arg7[%add3A_89, %dma_start3A_104] : memref<40x128xi32, #tpu.memory_space<vmem>> -> memref<1x128xi32, #tpu.memory_space<vmem>>
        %dma_start3A_106 = tpu.memref_squeeze %dma_start3A_105 : memref<1x128xi32, #tpu.memory_space<vmem>> -> memref<128xi32, #tpu.memory_space<vmem>>
        %dma_start3A_107 = arith.constant 0 : i32
        %dma_start3A_108 = arith.constant 0 : i32
        %dma_start3A_109 = tpu.memref_slice %arg10[%dma_start3A_107, %dma_start3A_108] : memref<10240x128xf32, #tpu.memory_space<vmem_shared>> -> memref<10240x128xf32, #tpu.memory_space<vmem_shared>>
        tpu.enqueue_indirect_dma source(%arg9 : memref<128x128xf32, #tpu.memory_space<vmem>>) target(%dma_start3A_109 : memref<10240x128xf32, #tpu.memory_space<vmem_shared>>) offsets(%dma_start3A_106 : memref<128xi32, #tpu.memory_space<vmem>>) semaphore(%run_scoped3A : memref<!tpu.dma_semaphore, #tpu.memory_space<semaphore_mem>>) {add = true}
        %dma_wait3A_110 = arith.constant 0 : i32
        %dma_wait3A_111 = tpu.memref_slice %arg7[%add3A_89, %dma_wait3A_110] : memref<40x128xi32, #tpu.memory_space<vmem>> -> memref<1x128xi32, #tpu.memory_space<vmem>>
        %dma_wait3A_112 = tpu.memref_squeeze %dma_wait3A_111 : memref<1x128xi32, #tpu.memory_space<vmem>> -> memref<128xi32, #tpu.memory_space<vmem>>
        %dma_wait3A_113 = arith.constant 0 : i32
        %dma_wait3A_114 = arith.constant 0 : i32
        %dma_wait3A_115 = tpu.memref_slice %arg10[%dma_wait3A_113, %dma_wait3A_114] : memref<10240x128xf32, #tpu.memory_space<vmem_shared>> -> memref<10240x128xf32, #tpu.memory_space<vmem_shared>>
        tpu.wait_indirect_dma semaphore(%run_scoped3A : memref<!tpu.dma_semaphore, #tpu.memory_space<semaphore_mem>>) src(%arg9 : memref<128x128xf32, #tpu.memory_space<vmem>>) dst(%dma_wait3A_115 : memref<10240x128xf32, #tpu.memory_space<vmem_shared>>)
        tpu.yield
      }) : () -> ()
      %add3A_96 = arith.constant 2 : i32
      %add3A_97 = arith.addi %add3A_89, %add3A_96 : i32
      %lt3A_98 = arith.constant 40 : i32
      %lt3A_99 = arith.cmpi slt, %add3A_97, %lt3A_98 : i32
      %convert_element_type3A_100 = arith.extui %lt3A_99 : i1 to i32
      %cond3A_101 = arith.constant 0 : i32
      %cond3A_102 = arith.cmpi ne, %convert_element_type3A_100, %cond3A_101 : i32
      scf.if %cond3A_102 {
        %add3A_104 = arith.constant 2 : i32
        %add3A_105 = arith.addi %add3A_89, %add3A_104 : i32
        %dma_start3A_106 = arith.constant 0 : i32
        %dma_start3A_107 = tpu.memref_slice %arg6[%add3A_105, %dma_start3A_106] : memref<40x128xi32, #tpu.memory_space<vmem>> -> memref<1x128xi32, #tpu.memory_space<vmem>>
        %dma_start3A_108 = tpu.memref_squeeze %dma_start3A_107 : memref<1x128xi32, #tpu.memory_space<vmem>> -> memref<128xi32, #tpu.memory_space<vmem>>
        %dma_start3A_109 = arith.constant 0 : i32
        %dma_start3A_110 = arith.constant 0 : i32
        %dma_start3A_111 = tpu.memref_slice %arg2[%dma_start3A_109, %dma_start3A_110] : memref<20480x128xf32, #tpu.memory_space<hbm>> -> memref<20480x128xf32, #tpu.memory_space<hbm>>
        tpu.enqueue_indirect_dma source(%dma_start3A_111 : memref<20480x128xf32, #tpu.memory_space<hbm>>) target(%arg9 : memref<128x128xf32, #tpu.memory_space<vmem>>) offsets(%dma_start3A_108 : memref<128xi32, #tpu.memory_space<vmem>>) semaphore(%arg12 : memref<!tpu.dma_semaphore, #tpu.memory_space<semaphore_mem>>)
      } else {
      }
      %scan3A_103 = arith.constant 0 : i32
      scf.yield %scan3A_103 : i32
    }
    %scan3A_65 = arith.constant 20 : i32
    %barrier3A_66 = arith.constant 0 : index
    tpu.barrier barrier_id(%barrier3A_66)
    %mul3A_67 = arith.constant 640 : i32
    %mul3A_68 = arith.muli %arg1, %mul3A_67 : i32
    %mul3A_69 = arith.constant 640 : i32
    %mul3A_70 = arith.muli %arg1, %mul3A_69 : i32
    "tpu.region"() ({
      %run_scoped3A = tpu.sem_alloc : memref<!tpu.dma_semaphore, #tpu.memory_space<semaphore_mem>>
      %dma_start3A_71 = arith.constant 0 : i32
      %dma_start3A_72 = tpu.memref_slice %arg5[%arg0, %mul3A_70, %dma_start3A_71] : memref<2x10240x128xf32, #tpu.memory_space<hbm>> -> memref<1x640x128xf32, #tpu.memory_space<hbm>>
      %dma_start3A_73 = tpu.memref_squeeze %dma_start3A_72 : memref<1x640x128xf32, #tpu.memory_space<hbm>> -> memref<640x128xf32, #tpu.memory_space<hbm>>
      %dma_start3A_74 = arith.constant 0 : i32
      %dma_start3A_75 = tpu.memref_slice %arg10[%mul3A_68, %dma_start3A_74] : memref<10240x128xf32, #tpu.memory_space<vmem_shared>> -> memref<640x128xf32, #tpu.memory_space<vmem_shared>>
      tpu.enqueue_dma source(%dma_start3A_75 : memref<640x128xf32, #tpu.memory_space<vmem_shared>>) target(%dma_start3A_73 : memref<640x128xf32, #tpu.memory_space<hbm>>) target_semaphore(%run_scoped3A : memref<!tpu.dma_semaphore, #tpu.memory_space<semaphore_mem>>)
      %dma_wait3A = arith.constant 0 : i32
      %dma_wait3A_76 = tpu.memref_slice %arg5[%arg0, %mul3A_70, %dma_wait3A] : memref<2x10240x128xf32, #tpu.memory_space<hbm>> -> memref<1x640x128xf32, #tpu.memory_space<hbm>>
      %dma_wait3A_77 = tpu.memref_squeeze %dma_wait3A_76 : memref<1x640x128xf32, #tpu.memory_space<hbm>> -> memref<640x128xf32, #tpu.memory_space<hbm>>
      %dma_wait3A_78 = arith.constant 0 : i32
      %dma_wait3A_79 = tpu.memref_slice %arg10[%mul3A_68, %dma_wait3A_78] : memref<10240x128xf32, #tpu.memory_space<vmem_shared>> -> memref<640x128xf32, #tpu.memory_space<vmem_shared>>
      tpu.wait_dma2 semaphore(%run_scoped3A : memref<!tpu.dma_semaphore, #tpu.memory_space<semaphore_mem>>) src(%dma_wait3A_79 : memref<640x128xf32, #tpu.memory_space<vmem_shared>>) dst(%dma_wait3A_77 : memref<640x128xf32, #tpu.memory_space<hbm>>)
      tpu.yield
    }) : () -> ()
    return
  }
}

#map = affine_map<(d0, d1) -> (0, 0)>
#map1 = affine_map<(d0, d1) -> (0, 0, 0, 0)>
#map2 = affine_map<(d0, d1) -> (0, 0, 0)>
module attributes {stable_mosaic.version = 14 : i64} {
  func.func @body(%arg0: i32, %arg1: i32, %arg2: memref<20480x128xf32, #tpu.memory_space<hbm>>, %arg3: memref<2x16x80x128xi32, #tpu.memory_space<hbm>>, %arg4: memref<16x80x128xi32, #tpu.memory_space<hbm>>, %arg5: memref<2x10240x128xf32, #tpu.memory_space<hbm>>, %arg6: memref<40x128xi32, #tpu.memory_space<vmem>>, %arg7: memref<40x128xi32, #tpu.memory_space<vmem>>, %arg8: memref<128x128xf32, #tpu.memory_space<vmem>>, %arg9: memref<128x128xf32, #tpu.memory_space<vmem>>, %arg10: memref<10240x128xf32, #tpu.memory_space<vmem_shared>>, %arg11: memref<!tpu.dma_semaphore, #tpu.memory_space<semaphore_mem>>, %arg12: memref<!tpu.dma_semaphore, #tpu.memory_space<semaphore_mem>>) attributes {dimension_semantics = [#tpu.dimension_semantics<core_parallel>, #tpu.dimension_semantics<subcore_parallel>], iteration_bounds = array<i64: 2, 16>, scalar_prefetch = 0 : i64, scratch_operands = 7 : i64, tpu.core_type = #tpu.core_type<sc_vector_subcore>, window_params = [{transform_indices = #map}, {transform_indices = #map1}, {transform_indices = #map2}, {transform_indices = #map2}]} {
    "tpu.region"() ({
      %run_scoped3A = tpu.sem_alloc : memref<!tpu.dma_semaphore, #tpu.memory_space<semaphore_mem>>
      %dma_start3A_71 = arith.constant 0 : i32
      %dma_start3A_72 = arith.constant 0 : i32
      %dma_start3A_73 = tpu.memref_slice %arg3[%arg0, %arg1, %dma_start3A_71, %dma_start3A_72] : memref<2x16x80x128xi32, #tpu.memory_space<hbm>> -> memref<1x1x40x128xi32, #tpu.memory_space<hbm>>
      %dma_start3A_74 = tpu.memref_squeeze %dma_start3A_73 : memref<1x1x40x128xi32, #tpu.memory_space<hbm>> -> memref<40x128xi32, #tpu.memory_space<hbm>>
      %dma_start3A_75 = arith.constant 0 : i32
      %dma_start3A_76 = arith.constant 0 : i32
      %dma_start3A_77 = tpu.memref_slice %arg3[%arg0, %arg1, %dma_start3A_75, %dma_start3A_76] : memref<2x16x80x128xi32, #tpu.memory_space<hbm>> -> memref<1x1x40x128xi32, #tpu.memory_space<hbm>>
      %dma_start3A_78 = tpu.memref_squeeze %dma_start3A_77 : memref<1x1x40x128xi32, #tpu.memory_space<hbm>> -> memref<40x128xi32, #tpu.memory_space<hbm>>
      tpu.enqueue_dma source(%dma_start3A_78 : memref<40x128xi32, #tpu.memory_space<hbm>>) target(%arg6 : memref<40x128xi32, #tpu.memory_space<vmem>>) target_semaphore(%run_scoped3A : memref<!tpu.dma_semaphore, #tpu.memory_space<semaphore_mem>>)
      %dma_wait3A = arith.constant 0 : i32
      %dma_wait3A_79 = arith.constant 0 : i32
      %dma_wait3A_80 = tpu.memref_slice %arg3[%arg0, %arg1, %dma_wait3A, %dma_wait3A_79] : memref<2x16x80x128xi32, #tpu.memory_space<hbm>> -> memref<1x1x40x128xi32, #tpu.memory_space<hbm>>
      %dma_wait3A_81 = tpu.memref_squeeze %dma_wait3A_80 : memref<1x1x40x128xi32, #tpu.memory_space<hbm>> -> memref<40x128xi32, #tpu.memory_space<hbm>>
      %dma_wait3A_82 = arith.constant 0 : i32
      %dma_wait3A_83 = arith.constant 0 : i32
      %dma_wait3A_84 = tpu.memref_slice %arg3[%arg0, %arg1, %dma_wait3A_82, %dma_wait3A_83] : memref<2x16x80x128xi32, #tpu.memory_space<hbm>> -> memref<1x1x40x128xi32, #tpu.memory_space<hbm>>
      %dma_wait3A_85 = tpu.memref_squeeze %dma_wait3A_84 : memref<1x1x40x128xi32, #tpu.memory_space<hbm>> -> memref<40x128xi32, #tpu.memory_space<hbm>>
      tpu.wait_dma2 semaphore(%run_scoped3A : memref<!tpu.dma_semaphore, #tpu.memory_space<semaphore_mem>>) src(%dma_wait3A_85 : memref<40x128xi32, #tpu.memory_space<hbm>>) dst(%arg6 : memref<40x128xi32, #tpu.memory_space<vmem>>)
      tpu.yield
    }) : () -> ()
    "tpu.region"() ({
      %run_scoped3A = tpu.sem_alloc : memref<!tpu.dma_semaphore, #tpu.memory_space<semaphore_mem>>
      %dma_start3A_71 = arith.constant 0 : i32
      %dma_start3A_72 = arith.constant 0 : i32
      %dma_start3A_73 = tpu.memref_slice %arg4[%arg1, %dma_start3A_71, %dma_start3A_72] : memref<16x80x128xi32, #tpu.memory_space<hbm>> -> memref<1x40x128xi32, #tpu.memory_space<hbm>>
      %dma_start3A_74 = tpu.memref_squeeze %dma_start3A_73 : memref<1x40x128xi32, #tpu.memory_space<hbm>> -> memref<40x128xi32, #tpu.memory_space<hbm>>
      %dma_start3A_75 = arith.constant 0 : i32
      %dma_start3A_76 = arith.constant 0 : i32
      %dma_start3A_77 = tpu.memref_slice %arg4[%arg1, %dma_start3A_75, %dma_start3A_76] : memref<16x80x128xi32, #tpu.memory_space<hbm>> -> memref<1x40x128xi32, #tpu.memory_space<hbm>>
      %dma_start3A_78 = tpu.memref_squeeze %dma_start3A_77 : memref<1x40x128xi32, #tpu.memory_space<hbm>> -> memref<40x128xi32, #tpu.memory_space<hbm>>
      tpu.enqueue_dma source(%dma_start3A_78 : memref<40x128xi32, #tpu.memory_space<hbm>>) target(%arg7 : memref<40x128xi32, #tpu.memory_space<vmem>>) target_semaphore(%run_scoped3A : memref<!tpu.dma_semaphore, #tpu.memory_space<semaphore_mem>>)
      %dma_wait3A = arith.constant 0 : i32
      %dma_wait3A_79 = arith.constant 0 : i32
      %dma_wait3A_80 = tpu.memref_slice %arg4[%arg1, %dma_wait3A, %dma_wait3A_79] : memref<16x80x128xi32, #tpu.memory_space<hbm>> -> memref<1x40x128xi32, #tpu.memory_space<hbm>>
      %dma_wait3A_81 = tpu.memref_squeeze %dma_wait3A_80 : memref<1x40x128xi32, #tpu.memory_space<hbm>> -> memref<40x128xi32, #tpu.memory_space<hbm>>
      %dma_wait3A_82 = arith.constant 0 : i32
      %dma_wait3A_83 = arith.constant 0 : i32
      %dma_wait3A_84 = tpu.memref_slice %arg4[%arg1, %dma_wait3A_82, %dma_wait3A_83] : memref<16x80x128xi32, #tpu.memory_space<hbm>> -> memref<1x40x128xi32, #tpu.memory_space<hbm>>
      %dma_wait3A_85 = tpu.memref_squeeze %dma_wait3A_84 : memref<1x40x128xi32, #tpu.memory_space<hbm>> -> memref<40x128xi32, #tpu.memory_space<hbm>>
      tpu.wait_dma2 semaphore(%run_scoped3A : memref<!tpu.dma_semaphore, #tpu.memory_space<semaphore_mem>>) src(%dma_wait3A_85 : memref<40x128xi32, #tpu.memory_space<hbm>>) dst(%arg7 : memref<40x128xi32, #tpu.memory_space<vmem>>)
      tpu.yield
    }) : () -> ()
    %dma_start3A = arith.constant 0 : i32
    %dma_start3A_0 = arith.constant 0 : i32
    %dma_start3A_1 = tpu.memref_slice %arg6[%dma_start3A, %dma_start3A_0] : memref<40x128xi32, #tpu.memory_space<vmem>> -> memref<1x128xi32, #tpu.memory_space<vmem>>
    %dma_start3A_2 = tpu.memref_squeeze %dma_start3A_1 : memref<1x128xi32, #tpu.memory_space<vmem>> -> memref<128xi32, #tpu.memory_space<vmem>>
    %dma_start3A_3 = arith.constant 0 : i32
    %dma_start3A_4 = arith.constant 0 : i32
    %dma_start3A_5 = tpu.memref_slice %arg2[%dma_start3A_3, %dma_start3A_4] : memref<20480x128xf32, #tpu.memory_space<hbm>> -> memref<20480x128xf32, #tpu.memory_space<hbm>>
    tpu.enqueue_indirect_dma source(%dma_start3A_5 : memref<20480x128xf32, #tpu.memory_space<hbm>>) target(%arg8 : memref<128x128xf32, #tpu.memory_space<vmem>>) offsets(%dma_start3A_2 : memref<128xi32, #tpu.memory_space<vmem>>) semaphore(%arg11 : memref<!tpu.dma_semaphore, #tpu.memory_space<semaphore_mem>>)
    %broadcast_in_dim3A = arith.constant 0.000000e+00 : f32
    %broadcast_in_dim3A_6 = vector.broadcast %broadcast_in_dim3A : f32 to vector<16xf32>
    %scan3A = arith.constant 0 : i32
    %scan3A_7 = arith.constant 0 : i32
    %scan3A_8 = arith.constant 1024 : i32
    %scan3A_9 = arith.addi %scan3A_7, %scan3A_8 : i32
    %scan3A_10 = arith.constant 1 : i32
    %scan3A_11 = scf.for %scan3A_71 = %scan3A_7 to %scan3A_9 step %scan3A_10 iter_args(%scan3A_72 = %scan3A) -> (i32)  : i32 {
      %jit3A = arith.constant 8 : i32
      %div3A = arith.divsi %scan3A_71, %jit3A : i32
      %sign3A = arith.constant 0 : i32
      %sign3A_73 = arith.cmpi sgt, %scan3A_71, %sign3A : i32
      %sign3A_74 = arith.extui %sign3A_73 : i1 to i32
      %sign3A_75 = arith.constant 0 : i32
      %sign3A_76 = arith.cmpi slt, %scan3A_71, %sign3A_75 : i32
      %sign3A_77 = arith.extui %sign3A_76 : i1 to i32
      %sign3A_78 = arith.subi %sign3A_74, %sign3A_77 : i32
      %sign3A_79 = arith.constant 0 : i32
      %sign3A_80 = arith.cmpi sgt, %jit3A, %sign3A_79 : i32
      %sign3A_81 = arith.extui %sign3A_80 : i1 to i32
      %sign3A_82 = arith.constant 0 : i32
      %sign3A_83 = arith.cmpi slt, %jit3A, %sign3A_82 : i32
      %sign3A_84 = arith.extui %sign3A_83 : i1 to i32
      %sign3A_85 = arith.subi %sign3A_81, %sign3A_84 : i32
      %ne3A = arith.cmpi ne, %sign3A_78, %sign3A_85 : i32
      %rem3A = arith.remsi %scan3A_71, %jit3A : i32
      %ne3A_86 = arith.constant 0 : i32
      %ne3A_87 = arith.cmpi ne, %rem3A, %ne3A_86 : i32
      %and3A = arith.andi %ne3A, %ne3A_87 : i1
      %sub3A = arith.constant 1 : i32
      %sub3A_88 = arith.subi %div3A, %sub3A : i32
      %select_n3A = arith.select %and3A, %sub3A_88, %div3A : i32
      %jit3A_89 = arith.constant 8 : i32
      %eq3A = arith.constant 0 : i32
      %eq3A_90 = arith.cmpi eq, %jit3A_89, %eq3A : i32
      %jit3A_91 = arith.constant 1 : i32
      %select_n3A_92 = arith.select %eq3A_90, %jit3A_91, %jit3A_89 : i32
      %rem3A_93 = arith.remsi %scan3A_71, %select_n3A_92 : i32
      %ne3A_94 = arith.constant 0 : i32
      %ne3A_95 = arith.cmpi ne, %rem3A_93, %ne3A_94 : i32
      %lt3A = arith.constant 0 : i32
      %lt3A_96 = arith.cmpi slt, %rem3A_93, %lt3A : i32
      %lt3A_97 = arith.constant 0 : i32
      %lt3A_98 = arith.cmpi slt, %select_n3A_92, %lt3A_97 : i32
      %ne3A_99 = arith.xori %lt3A_96, %lt3A_98 : i1
      %and3A_100 = arith.andi %ne3A_99, %ne3A_95 : i1
      %add3A_101 = arith.addi %rem3A_93, %select_n3A_92 : i32
      %select_n3A_102 = arith.select %and3A_100, %add3A_101, %rem3A_93 : i32
      %mul3A_103 = arith.constant 16 : i32
      %mul3A_104 = arith.muli %select_n3A_102, %mul3A_103 : i32
      %swap3A = arith.index_cast %select_n3A : i32 to index
      %swap3A_105 = arith.index_cast %mul3A_104 : i32 to index
      %swap3A_106 = tpu.vector_load %arg9[%swap3A, %swap3A_105] {strides = array<i32>} : memref<128x128xf32, #tpu.memory_space<vmem>>, vector<1x16xf32>,
      %swap3A_107 = vector.shape_cast %swap3A_106 : vector<1x16xf32> to vector<16xf32>
      %swap3A_108 = vector.shape_cast %broadcast_in_dim3A_6 : vector<16xf32> to vector<1x16xf32>
      tpu.vector_store %arg9[%swap3A, %swap3A_105], %swap3A_108 {strides = array<i32>} : memref<128x128xf32, #tpu.memory_space<vmem>>, vector<1x16xf32>,
      %scan3A_109 = arith.constant 0 : i32
      scf.yield %scan3A_109 : i32
    }
    %scan3A_12 = arith.constant 1024 : i32
    %mul3A = arith.constant 640 : i32
    %mul3A_13 = arith.muli %arg1, %mul3A : i32
    %add3A = arith.constant 0 : i32
    %add3A_14 = arith.addi %mul3A_13, %add3A : i32
    "tpu.region"() ({
      %run_scoped3A = tpu.sem_alloc : memref<!tpu.dma_semaphore, #tpu.memory_space<semaphore_mem>>
      %dma_start3A_71 = arith.constant 0 : i32
      %dma_start3A_72 = tpu.memref_slice %arg10[%add3A_14, %dma_start3A_71] : memref<10240x128xf32, #tpu.memory_space<vmem_shared>> -> memref<128x128xf32, #tpu.memory_space<vmem_shared>>
      %dma_start3A_73 = arith.constant 0 : i32
      %dma_start3A_74 = tpu.memref_slice %arg10[%add3A_14, %dma_start3A_73] : memref<10240x128xf32, #tpu.memory_space<vmem_shared>> -> memref<128x128xf32, #tpu.memory_space<vmem_shared>>
      tpu.enqueue_dma source(%arg9 : memref<128x128xf32, #tpu.memory_space<vmem>>) target(%dma_start3A_74 : memref<128x128xf32, #tpu.memory_space<vmem_shared>>) target_semaphore(%run_scoped3A : memref<!tpu.dma_semaphore, #tpu.memory_space<semaphore_mem>>)
      %dma_wait3A = arith.constant 0 : i32
      %dma_wait3A_75 = tpu.memref_slice %arg10[%add3A_14, %dma_wait3A] : memref<10240x128xf32, #tpu.memory_space<vmem_shared>> -> memref<128x128xf32, #tpu.memory_space<vmem_shared>>
      %dma_wait3A_76 = arith.constant 0 : i32
      %dma_wait3A_77 = tpu.memref_slice %arg10[%add3A_14, %dma_wait3A_76] : memref<10240x128xf32, #tpu.memory_space<vmem_shared>> -> memref<128x128xf32, #tpu.memory_space<vmem_shared>>
      tpu.wait_dma2 semaphore(%run_scoped3A : memref<!tpu.dma_semaphore, #tpu.memory_space<semaphore_mem>>) src(%arg9 : memref<128x128xf32, #tpu.memory_space<vmem>>) dst(%dma_wait3A_77 : memref<128x128xf32, #tpu.memory_space<vmem_shared>>)
      tpu.yield
    }) : () -> ()
    %mul3A_15 = arith.constant 640 : i32
    %mul3A_16 = arith.muli %arg1, %mul3A_15 : i32
    %add3A_17 = arith.constant 128 : i32
    %add3A_18 = arith.addi %mul3A_16, %add3A_17 : i32
    "tpu.region"() ({
      %run_scoped3A = tpu.sem_alloc : memref<!tpu.dma_semaphore, #tpu.memory_space<semaphore_mem>>
      %dma_start3A_71 = arith.constant 0 : i32
      %dma_start3A_72 = tpu.memref_slice %arg10[%add3A_18, %dma_start3A_71] : memref<10240x128xf32, #tpu.memory_space<vmem_shared>> -> memref<128x128xf32, #tpu.memory_space<vmem_shared>>
      %dma_start3A_73 = arith.constant 0 : i32
      %dma_start3A_74 = tpu.memref_slice %arg10[%add3A_18, %dma_start3A_73] : memref<10240x128xf32, #tpu.memory_space<vmem_shared>> -> memref<128x128xf32, #tpu.memory_space<vmem_shared>>
      tpu.enqueue_dma source(%arg9 : memref<128x128xf32, #tpu.memory_space<vmem>>) target(%dma_start3A_74 : memref<128x128xf32, #tpu.memory_space<vmem_shared>>) target_semaphore(%run_scoped3A : memref<!tpu.dma_semaphore, #tpu.memory_space<semaphore_mem>>)
      %dma_wait3A = arith.constant 0 : i32
      %dma_wait3A_75 = tpu.memref_slice %arg10[%add3A_18, %dma_wait3A] : memref<10240x128xf32, #tpu.memory_space<vmem_shared>> -> memref<128x128xf32, #tpu.memory_space<vmem_shared>>
      %dma_wait3A_76 = arith.constant 0 : i32
      %dma_wait3A_77 = tpu.memref_slice %arg10[%add3A_18, %dma_wait3A_76] : memref<10240x128xf32, #tpu.memory_space<vmem_shared>> -> memref<128x128xf32, #tpu.memory_space<vmem_shared>>
      tpu.wait_dma2 semaphore(%run_scoped3A : memref<!tpu.dma_semaphore, #tpu.memory_space<semaphore_mem>>) src(%arg9 : memref<128x128xf32, #tpu.memory_space<vmem>>) dst(%dma_wait3A_77 : memref<128x128xf32, #tpu.memory_space<vmem_shared>>)
      tpu.yield
    }) : () -> ()
    %mul3A_19 = arith.constant 640 : i32
    %mul3A_20 = arith.muli %arg1, %mul3A_19 : i32
    %add3A_21 = arith.constant 256 : i32
    %add3A_22 = arith.addi %mul3A_20, %add3A_21 : i32
    "tpu.region"() ({
      %run_scoped3A = tpu.sem_alloc : memref<!tpu.dma_semaphore, #tpu.memory_space<semaphore_mem>>
      %dma_start3A_71 = arith.constant 0 : i32
      %dma_start3A_72 = tpu.memref_slice %arg10[%add3A_22, %dma_start3A_71] : memref<10240x128xf32, #tpu.memory_space<vmem_shared>> -> memref<128x128xf32, #tpu.memory_space<vmem_shared>>
      %dma_start3A_73 = arith.constant 0 : i32
      %dma_start3A_74 = tpu.memref_slice %arg10[%add3A_22, %dma_start3A_73] : memref<10240x128xf32, #tpu.memory_space<vmem_shared>> -> memref<128x128xf32, #tpu.memory_space<vmem_shared>>
      tpu.enqueue_dma source(%arg9 : memref<128x128xf32, #tpu.memory_space<vmem>>) target(%dma_start3A_74 : memref<128x128xf32, #tpu.memory_space<vmem_shared>>) target_semaphore(%run_scoped3A : memref<!tpu.dma_semaphore, #tpu.memory_space<semaphore_mem>>)
      %dma_wait3A = arith.constant 0 : i32
      %dma_wait3A_75 = tpu.memref_slice %arg10[%add3A_22, %dma_wait3A] : memref<10240x128xf32, #tpu.memory_space<vmem_shared>> -> memref<128x128xf32, #tpu.memory_space<vmem_shared>>
      %dma_wait3A_76 = arith.constant 0 : i32
      %dma_wait3A_77 = tpu.memref_slice %arg10[%add3A_22, %dma_wait3A_76] : memref<10240x128xf32, #tpu.memory_space<vmem_shared>> -> memref<128x128xf32, #tpu.memory_space<vmem_shared>>
      tpu.wait_dma2 semaphore(%run_scoped3A : memref<!tpu.dma_semaphore, #tpu.memory_space<semaphore_mem>>) src(%arg9 : memref<128x128xf32, #tpu.memory_space<vmem>>) dst(%dma_wait3A_77 : memref<128x128xf32, #tpu.memory_space<vmem_shared>>)
      tpu.yield
    }) : () -> ()
    %mul3A_23 = arith.constant 640 : i32
    %mul3A_24 = arith.muli %arg1, %mul3A_23 : i32
    %add3A_25 = arith.constant 384 : i32
    %add3A_26 = arith.addi %mul3A_24, %add3A_25 : i32
    "tpu.region"() ({
      %run_scoped3A = tpu.sem_alloc : memref<!tpu.dma_semaphore, #tpu.memory_space<semaphore_mem>>
      %dma_start3A_71 = arith.constant 0 : i32
      %dma_start3A_72 = tpu.memref_slice %arg10[%add3A_26, %dma_start3A_71] : memref<10240x128xf32, #tpu.memory_space<vmem_shared>> -> memref<128x128xf32, #tpu.memory_space<vmem_shared>>
      %dma_start3A_73 = arith.constant 0 : i32
      %dma_start3A_74 = tpu.memref_slice %arg10[%add3A_26, %dma_start3A_73] : memref<10240x128xf32, #tpu.memory_space<vmem_shared>> -> memref<128x128xf32, #tpu.memory_space<vmem_shared>>
      tpu.enqueue_dma source(%arg9 : memref<128x128xf32, #tpu.memory_space<vmem>>) target(%dma_start3A_74 : memref<128x128xf32, #tpu.memory_space<vmem_shared>>) target_semaphore(%run_scoped3A : memref<!tpu.dma_semaphore, #tpu.memory_space<semaphore_mem>>)
      %dma_wait3A = arith.constant 0 : i32
      %dma_wait3A_75 = tpu.memref_slice %arg10[%add3A_26, %dma_wait3A] : memref<10240x128xf32, #tpu.memory_space<vmem_shared>> -> memref<128x128xf32, #tpu.memory_space<vmem_shared>>
      %dma_wait3A_76 = arith.constant 0 : i32
      %dma_wait3A_77 = tpu.memref_slice %arg10[%add3A_26, %dma_wait3A_76] : memref<10240x128xf32, #tpu.memory_space<vmem_shared>> -> memref<128x128xf32, #tpu.memory_space<vmem_shared>>
      tpu.wait_dma2 semaphore(%run_scoped3A : memref<!tpu.dma_semaphore, #tpu.memory_space<semaphore_mem>>) src(%arg9 : memref<128x128xf32, #tpu.memory_space<vmem>>) dst(%dma_wait3A_77 : memref<128x128xf32, #tpu.memory_space<vmem_shared>>)
      tpu.yield
    }) : () -> ()
    %mul3A_27 = arith.constant 640 : i32
    %mul3A_28 = arith.muli %arg1, %mul3A_27 : i32
    %add3A_29 = arith.constant 512 : i32
    %add3A_30 = arith.addi %mul3A_28, %add3A_29 : i32
    "tpu.region"() ({
      %run_scoped3A = tpu.sem_alloc : memref<!tpu.dma_semaphore, #tpu.memory_space<semaphore_mem>>
      %dma_start3A_71 = arith.constant 0 : i32
      %dma_start3A_72 = tpu.memref_slice %arg10[%add3A_30, %dma_start3A_71] : memref<10240x128xf32, #tpu.memory_space<vmem_shared>> -> memref<128x128xf32, #tpu.memory_space<vmem_shared>>
      %dma_start3A_73 = arith.constant 0 : i32
      %dma_start3A_74 = tpu.memref_slice %arg10[%add3A_30, %dma_start3A_73] : memref<10240x128xf32, #tpu.memory_space<vmem_shared>> -> memref<128x128xf32, #tpu.memory_space<vmem_shared>>
      tpu.enqueue_dma source(%arg9 : memref<128x128xf32, #tpu.memory_space<vmem>>) target(%dma_start3A_74 : memref<128x128xf32, #tpu.memory_space<vmem_shared>>) target_semaphore(%run_scoped3A : memref<!tpu.dma_semaphore, #tpu.memory_space<semaphore_mem>>)
      %dma_wait3A = arith.constant 0 : i32
      %dma_wait3A_75 = tpu.memref_slice %arg10[%add3A_30, %dma_wait3A] : memref<10240x128xf32, #tpu.memory_space<vmem_shared>> -> memref<128x128xf32, #tpu.memory_space<vmem_shared>>
      %dma_wait3A_76 = arith.constant 0 : i32
      %dma_wait3A_77 = tpu.memref_slice %arg10[%add3A_30, %dma_wait3A_76] : memref<10240x128xf32, #tpu.memory_space<vmem_shared>> -> memref<128x128xf32, #tpu.memory_space<vmem_shared>>
      tpu.wait_dma2 semaphore(%run_scoped3A : memref<!tpu.dma_semaphore, #tpu.memory_space<semaphore_mem>>) src(%arg9 : memref<128x128xf32, #tpu.memory_space<vmem>>) dst(%dma_wait3A_77 : memref<128x128xf32, #tpu.memory_space<vmem_shared>>)
      tpu.yield
    }) : () -> ()
    %dma_start3A_31 = arith.constant 1 : i32
    %dma_start3A_32 = arith.constant 0 : i32
    %dma_start3A_33 = tpu.memref_slice %arg6[%dma_start3A_31, %dma_start3A_32] : memref<40x128xi32, #tpu.memory_space<vmem>> -> memref<1x128xi32, #tpu.memory_space<vmem>>
    %dma_start3A_34 = tpu.memref_squeeze %dma_start3A_33 : memref<1x128xi32, #tpu.memory_space<vmem>> -> memref<128xi32, #tpu.memory_space<vmem>>
    %dma_start3A_35 = arith.constant 0 : i32
    %dma_start3A_36 = arith.constant 0 : i32
    %dma_start3A_37 = tpu.memref_slice %arg2[%dma_start3A_35, %dma_start3A_36] : memref<20480x128xf32, #tpu.memory_space<hbm>> -> memref<20480x128xf32, #tpu.memory_space<hbm>>
    tpu.enqueue_indirect_dma source(%dma_start3A_37 : memref<20480x128xf32, #tpu.memory_space<hbm>>) target(%arg9 : memref<128x128xf32, #tpu.memory_space<vmem>>) offsets(%dma_start3A_34 : memref<128xi32, #tpu.memory_space<vmem>>) semaphore(%arg12 : memref<!tpu.dma_semaphore, #tpu.memory_space<semaphore_mem>>)
    %barrier3A = arith.constant 0 : index
    tpu.barrier barrier_id(%barrier3A)
    %scan3A_38 = arith.constant 0 : i32
    %scan3A_39 = arith.constant 0 : i32
    %scan3A_40 = arith.constant 20 : i32
    %scan3A_41 = arith.addi %scan3A_39, %scan3A_40 : i32
    %scan3A_42 = arith.constant 1 : i32
    %scan3A_43 = scf.for %scan3A_71 = %scan3A_39 to %scan3A_41 step %scan3A_42 iter_args(%scan3A_72 = %scan3A_38) -> (i32)  : i32 {
      %mul3A_73 = arith.constant 2 : i32
      %mul3A_74 = arith.muli %scan3A_71, %mul3A_73 : i32
      %add3A_75 = arith.constant 0 : i32
      %add3A_76 = arith.addi %mul3A_74, %add3A_75 : i32
      %dma_wait3A = arith.constant 0 : i32
      %dma_wait3A_77 = tpu.memref_slice %arg6[%add3A_76, %dma_wait3A] : memref<40x128xi32, #tpu.memory_space<vmem>> -> memref<1x128xi32, #tpu.memory_space<vmem>>
      %dma_wait3A_78 = tpu.memref_squeeze %dma_wait3A_77 : memref<1x128xi32, #tpu.memory_space<vmem>> -> memref<128xi32, #tpu.memory_space<vmem>>
      %dma_wait3A_79 = arith.constant 0 : i32
      %dma_wait3A_80 = arith.constant 0 : i32
      %dma_wait3A_81 = tpu.memref_slice %arg2[%dma_wait3A_79, %dma_wait3A_80] : memref<20480x128xf32, #tpu.memory_space<hbm>> -> memref<20480x128xf32, #tpu.memory_space<hbm>>
      tpu.wait_indirect_dma semaphore(%arg11 : memref<!tpu.dma_semaphore, #tpu.memory_space<semaphore_mem>>) src(%dma_wait3A_81 : memref<20480x128xf32, #tpu.memory_space<hbm>>) dst(%arg8 : memref<128x128xf32, #tpu.memory_space<vmem>>)
      "tpu.region"() ({
        %run_scoped3A = tpu.sem_alloc : memref<!tpu.dma_semaphore, #tpu.memory_space<semaphore_mem>>
        %dma_start3A_104 = arith.constant 0 : i32
        %dma_start3A_105 = tpu.memref_slice %arg7[%add3A_76, %dma_start3A_104] : memref<40x128xi32, #tpu.memory_space<vmem>> -> memref<1x128xi32, #tpu.memory_space<vmem>>
        %dma_start3A_106 = tpu.memref_squeeze %dma_start3A_105 : memref<1x128xi32, #tpu.memory_space<vmem>> -> memref<128xi32, #tpu.memory_space<vmem>>
        %dma_start3A_107 = arith.constant 0 : i32
        %dma_start3A_108 = arith.constant 0 : i32
        %dma_start3A_109 = tpu.memref_slice %arg10[%dma_start3A_107, %dma_start3A_108] : memref<10240x128xf32, #tpu.memory_space<vmem_shared>> -> memref<10240x128xf32, #tpu.memory_space<vmem_shared>>
        tpu.enqueue_indirect_dma source(%arg8 : memref<128x128xf32, #tpu.memory_space<vmem>>) target(%dma_start3A_109 : memref<10240x128xf32, #tpu.memory_space<vmem_shared>>) offsets(%dma_start3A_106 : memref<128xi32, #tpu.memory_space<vmem>>) semaphore(%run_scoped3A : memref<!tpu.dma_semaphore, #tpu.memory_space<semaphore_mem>>) {add = true}
        %dma_wait3A_110 = arith.constant 0 : i32
        %dma_wait3A_111 = tpu.memref_slice %arg7[%add3A_76, %dma_wait3A_110] : memref<40x128xi32, #tpu.memory_space<vmem>> -> memref<1x128xi32, #tpu.memory_space<vmem>>
        %dma_wait3A_112 = tpu.memref_squeeze %dma_wait3A_111 : memref<1x128xi32, #tpu.memory_space<vmem>> -> memref<128xi32, #tpu.memory_space<vmem>>
        %dma_wait3A_113 = arith.constant 0 : i32
        %dma_wait3A_114 = arith.constant 0 : i32
        %dma_wait3A_115 = tpu.memref_slice %arg10[%dma_wait3A_113, %dma_wait3A_114] : memref<10240x128xf32, #tpu.memory_space<vmem_shared>> -> memref<10240x128xf32, #tpu.memory_space<vmem_shared>>
        tpu.wait_indirect_dma semaphore(%run_scoped3A : memref<!tpu.dma_semaphore, #tpu.memory_space<semaphore_mem>>) src(%arg8 : memref<128x128xf32, #tpu.memory_space<vmem>>) dst(%dma_wait3A_115 : memref<10240x128xf32, #tpu.memory_space<vmem_shared>>)
        tpu.yield
      }) : () -> ()
      %add3A_82 = arith.constant 2 : i32
      %add3A_83 = arith.addi %add3A_76, %add3A_82 : i32
      %lt3A = arith.constant 40 : i32
      %lt3A_84 = arith.cmpi slt, %add3A_83, %lt3A : i32
      %convert_element_type3A = arith.extui %lt3A_84 : i1 to i32
      %cond3A = arith.constant 0 : i32
      %cond3A_85 = arith.cmpi ne, %convert_element_type3A, %cond3A : i32
      scf.if %cond3A_85 {
        %add3A_104 = arith.constant 2 : i32
        %add3A_105 = arith.addi %add3A_76, %add3A_104 : i32
        %dma_start3A_106 = arith.constant 0 : i32
        %dma_start3A_107 = tpu.memref_slice %arg6[%add3A_105, %dma_start3A_106] : memref<40x128xi32, #tpu.memory_space<vmem>> -> memref<1x128xi32, #tpu.memory_space<vmem>>
        %dma_start3A_108 = tpu.memref_squeeze %dma_start3A_107 : memref<1x128xi32, #tpu.memory_space<vmem>> -> memref<128xi32, #tpu.memory_space<vmem>>
        %dma_start3A_109 = arith.constant 0 : i32
        %dma_start3A_110 = arith.constant 0 : i32
        %dma_start3A_111 = tpu.memref_slice %arg2[%dma_start3A_109, %dma_start3A_110] : memref<20480x128xf32, #tpu.memory_space<hbm>> -> memref<20480x128xf32, #tpu.memory_space<hbm>>
        tpu.enqueue_indirect_dma source(%dma_start3A_111 : memref<20480x128xf32, #tpu.memory_space<hbm>>) target(%arg8 : memref<128x128xf32, #tpu.memory_space<vmem>>) offsets(%dma_start3A_108 : memref<128xi32, #tpu.memory_space<vmem>>) semaphore(%arg11 : memref<!tpu.dma_semaphore, #tpu.memory_space<semaphore_mem>>)
      } else {
      }
      %mul3A_86 = arith.constant 2 : i32
      %mul3A_87 = arith.muli %scan3A_71, %mul3A_86 : i32
      %add3A_88 = arith.constant 1 : i32
      %add3A_89 = arith.addi %mul3A_87, %add3A_88 : i32
      %dma_wait3A_90 = arith.constant 0 : i32
      %dma_wait3A_91 = tpu.memref_slice %arg6[%add3A_89, %dma_wait3A_90] : memref<40x128xi32, #tpu.memory_space<vmem>> -> memref<1x128xi32, #tpu.memory_space<vmem>>
      %dma_wait3A_92 = tpu.memref_squeeze %dma_wait3A_91 : memref<1x128xi32, #tpu.memory_space<vmem>> -> memref<128xi32, #tpu.memory_space<vmem>>
      %dma_wait3A_93 = arith.constant 0 : i32
      %dma_wait3A_94 = arith.constant 0 : i32
      %dma_wait3A_95 = tpu.memref_slice %arg2[%dma_wait3A_93, %dma_wait3A_94] : memref<20480x128xf32, #tpu.memory_space<hbm>> -> memref<20480x128xf32, #tpu.memory_space<hbm>>
      tpu.wait_indirect_dma semaphore(%arg12 : memref<!tpu.dma_semaphore, #tpu.memory_space<semaphore_mem>>) src(%dma_wait3A_95 : memref<20480x128xf32, #tpu.memory_space<hbm>>) dst(%arg9 : memref<128x128xf32, #tpu.memory_space<vmem>>)
      "tpu.region"() ({
        %run_scoped3A = tpu.sem_alloc : memref<!tpu.dma_semaphore, #tpu.memory_space<semaphore_mem>>
        %dma_start3A_104 = arith.constant 0 : i32
        %dma_start3A_105 = tpu.memref_slice %arg7[%add3A_89, %dma_start3A_104] : memref<40x128xi32, #tpu.memory_space<vmem>> -> memref<1x128xi32, #tpu.memory_space<vmem>>
        %dma_start3A_106 = tpu.memref_squeeze %dma_start3A_105 : memref<1x128xi32, #tpu.memory_space<vmem>> -> memref<128xi32, #tpu.memory_space<vmem>>
        %dma_start3A_107 = arith.constant 0 : i32
        %dma_start3A_108 = arith.constant 0 : i32
        %dma_start3A_109 = tpu.memref_slice %arg10[%dma_start3A_107, %dma_start3A_108] : memref<10240x128xf32, #tpu.memory_space<vmem_shared>> -> memref<10240x128xf32, #tpu.memory_space<vmem_shared>>
        tpu.enqueue_indirect_dma source(%arg9 : memref<128x128xf32, #tpu.memory_space<vmem>>) target(%dma_start3A_109 : memref<10240x128xf32, #tpu.memory_space<vmem_shared>>) offsets(%dma_start3A_106 : memref<128xi32, #tpu.memory_space<vmem>>) semaphore(%run_scoped3A : memref<!tpu.dma_semaphore, #tpu.memory_space<semaphore_mem>>) {add = true}
        %dma_wait3A_110 = arith.constant 0 : i32
        %dma_wait3A_111 = tpu.memref_slice %arg7[%add3A_89, %dma_wait3A_110] : memref<40x128xi32, #tpu.memory_space<vmem>> -> memref<1x128xi32, #tpu.memory_space<vmem>>
        %dma_wait3A_112 = tpu.memref_squeeze %dma_wait3A_111 : memref<1x128xi32, #tpu.memory_space<vmem>> -> memref<128xi32, #tpu.memory_space<vmem>>
        %dma_wait3A_113 = arith.constant 0 : i32
        %dma_wait3A_114 = arith.constant 0 : i32
        %dma_wait3A_115 = tpu.memref_slice %arg10[%dma_wait3A_113, %dma_wait3A_114] : memref<10240x128xf32, #tpu.memory_space<vmem_shared>> -> memref<10240x128xf32, #tpu.memory_space<vmem_shared>>
        tpu.wait_indirect_dma semaphore(%run_scoped3A : memref<!tpu.dma_semaphore, #tpu.memory_space<semaphore_mem>>) src(%arg9 : memref<128x128xf32, #tpu.memory_space<vmem>>) dst(%dma_wait3A_115 : memref<10240x128xf32, #tpu.memory_space<vmem_shared>>)
        tpu.yield
      }) : () -> ()
      %add3A_96 = arith.constant 2 : i32
      %add3A_97 = arith.addi %add3A_89, %add3A_96 : i32
      %lt3A_98 = arith.constant 40 : i32
      %lt3A_99 = arith.cmpi slt, %add3A_97, %lt3A_98 : i32
      %convert_element_type3A_100 = arith.extui %lt3A_99 : i1 to i32
      %cond3A_101 = arith.constant 0 : i32
      %cond3A_102 = arith.cmpi ne, %convert_element_type3A_100, %cond3A_101 : i32
      scf.if %cond3A_102 {
        %add3A_104 = arith.constant 2 : i32
        %add3A_105 = arith.addi %add3A_89, %add3A_104 : i32
        %dma_start3A_106 = arith.constant 0 : i32
        %dma_start3A_107 = tpu.memref_slice %arg6[%add3A_105, %dma_start3A_106] : memref<40x128xi32, #tpu.memory_space<vmem>> -> memref<1x128xi32, #tpu.memory_space<vmem>>
        %dma_start3A_108 = tpu.memref_squeeze %dma_start3A_107 : memref<1x128xi32, #tpu.memory_space<vmem>> -> memref<128xi32, #tpu.memory_space<vmem>>
        %dma_start3A_109 = arith.constant 0 : i32
        %dma_start3A_110 = arith.constant 0 : i32
        %dma_start3A_111 = tpu.memref_slice %arg2[%dma_start3A_109, %dma_start3A_110] : memref<20480x128xf32, #tpu.memory_space<hbm>> -> memref<20480x128xf32, #tpu.memory_space<hbm>>
        tpu.enqueue_indirect_dma source(%dma_start3A_111 : memref<20480x128xf32, #tpu.memory_space<hbm>>) target(%arg9 : memref<128x128xf32, #tpu.memory_space<vmem>>) offsets(%dma_start3A_108 : memref<128xi32, #tpu.memory_space<vmem>>) semaphore(%arg12 : memref<!tpu.dma_semaphore, #tpu.memory_space<semaphore_mem>>)
      } else {
      }
      %scan3A_103 = arith.constant 0 : i32
      scf.yield %scan3A_103 : i32
    }
    %scan3A_44 = arith.constant 20 : i32
    "tpu.region"() ({
      %run_scoped3A = tpu.sem_alloc : memref<!tpu.dma_semaphore, #tpu.memory_space<semaphore_mem>>
      %dma_start3A_71 = arith.constant 40 : i32
      %dma_start3A_72 = arith.constant 0 : i32
      %dma_start3A_73 = tpu.memref_slice %arg3[%arg0, %arg1, %dma_start3A_71, %dma_start3A_72] : memref<2x16x80x128xi32, #tpu.memory_space<hbm>> -> memref<1x1x40x128xi32, #tpu.memory_space<hbm>>
      %dma_start3A_74 = tpu.memref_squeeze %dma_start3A_73 : memref<1x1x40x128xi32, #tpu.memory_space<hbm>> -> memref<40x128xi32, #tpu.memory_space<hbm>>
      %dma_start3A_75 = arith.constant 40 : i32
      %dma_start3A_76 = arith.constant 0 : i32
      %dma_start3A_77 = tpu.memref_slice %arg3[%arg0, %arg1, %dma_start3A_75, %dma_start3A_76] : memref<2x16x80x128xi32, #tpu.memory_space<hbm>> -> memref<1x1x40x128xi32, #tpu.memory_space<hbm>>
      %dma_start3A_78 = tpu.memref_squeeze %dma_start3A_77 : memref<1x1x40x128xi32, #tpu.memory_space<hbm>> -> memref<40x128xi32, #tpu.memory_space<hbm>>
      tpu.enqueue_dma source(%dma_start3A_78 : memref<40x128xi32, #tpu.memory_space<hbm>>) target(%arg6 : memref<40x128xi32, #tpu.memory_space<vmem>>) target_semaphore(%run_scoped3A : memref<!tpu.dma_semaphore, #tpu.memory_space<semaphore_mem>>)
      %dma_wait3A = arith.constant 40 : i32
      %dma_wait3A_79 = arith.constant 0 : i32
      %dma_wait3A_80 = tpu.memref_slice %arg3[%arg0, %arg1, %dma_wait3A, %dma_wait3A_79] : memref<2x16x80x128xi32, #tpu.memory_space<hbm>> -> memref<1x1x40x128xi32, #tpu.memory_space<hbm>>
      %dma_wait3A_81 = tpu.memref_squeeze %dma_wait3A_80 : memref<1x1x40x128xi32, #tpu.memory_space<hbm>> -> memref<40x128xi32, #tpu.memory_space<hbm>>
      %dma_wait3A_82 = arith.constant 40 : i32
      %dma_wait3A_83 = arith.constant 0 : i32
      %dma_wait3A_84 = tpu.memref_slice %arg3[%arg0, %arg1, %dma_wait3A_82, %dma_wait3A_83] : memref<2x16x80x128xi32, #tpu.memory_space<hbm>> -> memref<1x1x40x128xi32, #tpu.memory_space<hbm>>
      %dma_wait3A_85 = tpu.memref_squeeze %dma_wait3A_84 : memref<1x1x40x128xi32, #tpu.memory_space<hbm>> -> memref<40x128xi32, #tpu.memory_space<hbm>>
      tpu.wait_dma2 semaphore(%run_scoped3A : memref<!tpu.dma_semaphore, #tpu.memory_space<semaphore_mem>>) src(%dma_wait3A_85 : memref<40x128xi32, #tpu.memory_space<hbm>>) dst(%arg6 : memref<40x128xi32, #tpu.memory_space<vmem>>)
      tpu.yield
    }) : () -> ()
    "tpu.region"() ({
      %run_scoped3A = tpu.sem_alloc : memref<!tpu.dma_semaphore, #tpu.memory_space<semaphore_mem>>
      %dma_start3A_71 = arith.constant 40 : i32
      %dma_start3A_72 = arith.constant 0 : i32
      %dma_start3A_73 = tpu.memref_slice %arg4[%arg1, %dma_start3A_71, %dma_start3A_72] : memref<16x80x128xi32, #tpu.memory_space<hbm>> -> memref<1x40x128xi32, #tpu.memory_space<hbm>>
      %dma_start3A_74 = tpu.memref_squeeze %dma_start3A_73 : memref<1x40x128xi32, #tpu.memory_space<hbm>> -> memref<40x128xi32, #tpu.memory_space<hbm>>
      %dma_start3A_75 = arith.constant 40 : i32
      %dma_start3A_76 = arith.constant 0 : i32
      %dma_start3A_77 = tpu.memref_slice %arg4[%arg1, %dma_start3A_75, %dma_start3A_76] : memref<16x80x128xi32, #tpu.memory_space<hbm>> -> memref<1x40x128xi32, #tpu.memory_space<hbm>>
      %dma_start3A_78 = tpu.memref_squeeze %dma_start3A_77 : memref<1x40x128xi32, #tpu.memory_space<hbm>> -> memref<40x128xi32, #tpu.memory_space<hbm>>
      tpu.enqueue_dma source(%dma_start3A_78 : memref<40x128xi32, #tpu.memory_space<hbm>>) target(%arg7 : memref<40x128xi32, #tpu.memory_space<vmem>>) target_semaphore(%run_scoped3A : memref<!tpu.dma_semaphore, #tpu.memory_space<semaphore_mem>>)
      %dma_wait3A = arith.constant 40 : i32
      %dma_wait3A_79 = arith.constant 0 : i32
      %dma_wait3A_80 = tpu.memref_slice %arg4[%arg1, %dma_wait3A, %dma_wait3A_79] : memref<16x80x128xi32, #tpu.memory_space<hbm>> -> memref<1x40x128xi32, #tpu.memory_space<hbm>>
      %dma_wait3A_81 = tpu.memref_squeeze %dma_wait3A_80 : memref<1x40x128xi32, #tpu.memory_space<hbm>> -> memref<40x128xi32, #tpu.memory_space<hbm>>
      %dma_wait3A_82 = arith.constant 40 : i32
      %dma_wait3A_83 = arith.constant 0 : i32
      %dma_wait3A_84 = tpu.memref_slice %arg4[%arg1, %dma_wait3A_82, %dma_wait3A_83] : memref<16x80x128xi32, #tpu.memory_space<hbm>> -> memref<1x40x128xi32, #tpu.memory_space<hbm>>
      %dma_wait3A_85 = tpu.memref_squeeze %dma_wait3A_84 : memref<1x40x128xi32, #tpu.memory_space<hbm>> -> memref<40x128xi32, #tpu.memory_space<hbm>>
      tpu.wait_dma2 semaphore(%run_scoped3A : memref<!tpu.dma_semaphore, #tpu.memory_space<semaphore_mem>>) src(%dma_wait3A_85 : memref<40x128xi32, #tpu.memory_space<hbm>>) dst(%arg7 : memref<40x128xi32, #tpu.memory_space<vmem>>)
      tpu.yield
    }) : () -> ()
    %dma_start3A_45 = arith.constant 0 : i32
    %dma_start3A_46 = arith.constant 0 : i32
    %dma_start3A_47 = tpu.memref_slice %arg6[%dma_start3A_45, %dma_start3A_46] : memref<40x128xi32, #tpu.memory_space<vmem>> -> memref<1x128xi32, #tpu.memory_space<vmem>>
    %dma_start3A_48 = tpu.memref_squeeze %dma_start3A_47 : memref<1x128xi32, #tpu.memory_space<vmem>> -> memref<128xi32, #tpu.memory_space<vmem>>
    %dma_start3A_49 = arith.constant 0 : i32
    %dma_start3A_50 = arith.constant 0 : i32
    %dma_start3A_51 = tpu.memref_slice %arg2[%dma_start3A_49, %dma_start3A_50] : memref<20480x128xf32, #tpu.memory_space<hbm>> -> memref<20480x128xf32, #tpu.memory_space<hbm>>
    tpu.enqueue_indirect_dma source(%dma_start3A_51 : memref<20480x128xf32, #tpu.memory_space<hbm>>) target(%arg8 : memref<128x128xf32, #tpu.memory_space<vmem>>) offsets(%dma_start3A_48 : memref<128xi32, #tpu.memory_space<vmem>>) semaphore(%arg11 : memref<!tpu.dma_semaphore, #tpu.memory_space<semaphore_mem>>)
    %dma_start3A_52 = arith.constant 1 : i32
    %dma_start3A_53 = arith.constant 0 : i32
    %dma_start3A_54 = tpu.memref_slice %arg6[%dma_start3A_52, %dma_start3A_53] : memref<40x128xi32, #tpu.memory_space<vmem>> -> memref<1x128xi32, #tpu.memory_space<vmem>>
    %dma_start3A_55 = tpu.memref_squeeze %dma_start3A_54 : memref<1x128xi32, #tpu.memory_space<vmem>> -> memref<128xi32, #tpu.memory_space<vmem>>
    %dma_start3A_56 = arith.constant 0 : i32
    %dma_start3A_57 = arith.constant 0 : i32
    %dma_start3A_58 = tpu.memref_slice %arg2[%dma_start3A_56, %dma_start3A_57] : memref<20480x128xf32, #tpu.memory_space<hbm>> -> memref<20480x128xf32, #tpu.memory_space<hbm>>
    tpu.enqueue_indirect_dma source(%dma_start3A_58 : memref<20480x128xf32, #tpu.memory_space<hbm>>) target(%arg9 : memref<128x128xf32, #tpu.memory_space<vmem>>) offsets(%dma_start3A_55 : memref<128xi32, #tpu.memory_space<vmem>>) semaphore(%arg12 : memref<!tpu.dma_semaphore, #tpu.memory_space<semaphore_mem>>)
    %scan3A_59 = arith.constant 0 : i32
    %scan3A_60 = arith.constant 0 : i32
    %scan3A_61 = arith.constant 20 : i32
    %scan3A_62 = arith.addi %scan3A_60, %scan3A_61 : i32
    %scan3A_63 = arith.constant 1 : i32
    %scan3A_64 = scf.for %scan3A_71 = %scan3A_60 to %scan3A_62 step %scan3A_63 iter_args(%scan3A_72 = %scan3A_59) -> (i32)  : i32 {
      %mul3A_73 = arith.constant 2 : i32
      %mul3A_74 = arith.muli %scan3A_71, %mul3A_73 : i32
      %add3A_75 = arith.constant 0 : i32
      %add3A_76 = arith.addi %mul3A_74, %add3A_75 : i32
      %dma_wait3A = arith.constant 0 : i32
      %dma_wait3A_77 = tpu.memref_slice %arg6[%add3A_76, %dma_wait3A] : memref<40x128xi32, #tpu.memory_space<vmem>> -> memref<1x128xi32, #tpu.memory_space<vmem>>
      %dma_wait3A_78 = tpu.memref_squeeze %dma_wait3A_77 : memref<1x128xi32, #tpu.memory_space<vmem>> -> memref<128xi32, #tpu.memory_space<vmem>>
      %dma_wait3A_79 = arith.constant 0 : i32
      %dma_wait3A_80 = arith.constant 0 : i32
      %dma_wait3A_81 = tpu.memref_slice %arg2[%dma_wait3A_79, %dma_wait3A_80] : memref<20480x128xf32, #tpu.memory_space<hbm>> -> memref<20480x128xf32, #tpu.memory_space<hbm>>
      tpu.wait_indirect_dma semaphore(%arg11 : memref<!tpu.dma_semaphore, #tpu.memory_space<semaphore_mem>>) src(%dma_wait3A_81 : memref<20480x128xf32, #tpu.memory_space<hbm>>) dst(%arg8 : memref<128x128xf32, #tpu.memory_space<vmem>>)
      "tpu.region"() ({
        %run_scoped3A = tpu.sem_alloc : memref<!tpu.dma_semaphore, #tpu.memory_space<semaphore_mem>>
        %dma_start3A_104 = arith.constant 0 : i32
        %dma_start3A_105 = tpu.memref_slice %arg7[%add3A_76, %dma_start3A_104] : memref<40x128xi32, #tpu.memory_space<vmem>> -> memref<1x128xi32, #tpu.memory_space<vmem>>
        %dma_start3A_106 = tpu.memref_squeeze %dma_start3A_105 : memref<1x128xi32, #tpu.memory_space<vmem>> -> memref<128xi32, #tpu.memory_space<vmem>>
        %dma_start3A_107 = arith.constant 0 : i32
        %dma_start3A_108 = arith.constant 0 : i32
        %dma_start3A_109 = tpu.memref_slice %arg10[%dma_start3A_107, %dma_start3A_108] : memref<10240x128xf32, #tpu.memory_space<vmem_shared>> -> memref<10240x128xf32, #tpu.memory_space<vmem_shared>>
        tpu.enqueue_indirect_dma source(%arg8 : memref<128x128xf32, #tpu.memory_space<vmem>>) target(%dma_start3A_109 : memref<10240x128xf32, #tpu.memory_space<vmem_shared>>) offsets(%dma_start3A_106 : memref<128xi32, #tpu.memory_space<vmem>>) semaphore(%run_scoped3A : memref<!tpu.dma_semaphore, #tpu.memory_space<semaphore_mem>>) {add = true}
        %dma_wait3A_110 = arith.constant 0 : i32
        %dma_wait3A_111 = tpu.memref_slice %arg7[%add3A_76, %dma_wait3A_110] : memref<40x128xi32, #tpu.memory_space<vmem>> -> memref<1x128xi32, #tpu.memory_space<vmem>>
        %dma_wait3A_112 = tpu.memref_squeeze %dma_wait3A_111 : memref<1x128xi32, #tpu.memory_space<vmem>> -> memref<128xi32, #tpu.memory_space<vmem>>
        %dma_wait3A_113 = arith.constant 0 : i32
        %dma_wait3A_114 = arith.constant 0 : i32
        %dma_wait3A_115 = tpu.memref_slice %arg10[%dma_wait3A_113, %dma_wait3A_114] : memref<10240x128xf32, #tpu.memory_space<vmem_shared>> -> memref<10240x128xf32, #tpu.memory_space<vmem_shared>>
        tpu.wait_indirect_dma semaphore(%run_scoped3A : memref<!tpu.dma_semaphore, #tpu.memory_space<semaphore_mem>>) src(%arg8 : memref<128x128xf32, #tpu.memory_space<vmem>>) dst(%dma_wait3A_115 : memref<10240x128xf32, #tpu.memory_space<vmem_shared>>)
        tpu.yield
      }) : () -> ()
      %add3A_82 = arith.constant 2 : i32
      %add3A_83 = arith.addi %add3A_76, %add3A_82 : i32
      %lt3A = arith.constant 40 : i32
      %lt3A_84 = arith.cmpi slt, %add3A_83, %lt3A : i32
      %convert_element_type3A = arith.extui %lt3A_84 : i1 to i32
      %cond3A = arith.constant 0 : i32
      %cond3A_85 = arith.cmpi ne, %convert_element_type3A, %cond3A : i32
      scf.if %cond3A_85 {
        %add3A_104 = arith.constant 2 : i32
        %add3A_105 = arith.addi %add3A_76, %add3A_104 : i32
        %dma_start3A_106 = arith.constant 0 : i32
        %dma_start3A_107 = tpu.memref_slice %arg6[%add3A_105, %dma_start3A_106] : memref<40x128xi32, #tpu.memory_space<vmem>> -> memref<1x128xi32, #tpu.memory_space<vmem>>
        %dma_start3A_108 = tpu.memref_squeeze %dma_start3A_107 : memref<1x128xi32, #tpu.memory_space<vmem>> -> memref<128xi32, #tpu.memory_space<vmem>>
        %dma_start3A_109 = arith.constant 0 : i32
        %dma_start3A_110 = arith.constant 0 : i32
        %dma_start3A_111 = tpu.memref_slice %arg2[%dma_start3A_109, %dma_start3A_110] : memref<20480x128xf32, #tpu.memory_space<hbm>> -> memref<20480x128xf32, #tpu.memory_space<hbm>>
        tpu.enqueue_indirect_dma source(%dma_start3A_111 : memref<20480x128xf32, #tpu.memory_space<hbm>>) target(%arg8 : memref<128x128xf32, #tpu.memory_space<vmem>>) offsets(%dma_start3A_108 : memref<128xi32, #tpu.memory_space<vmem>>) semaphore(%arg11 : memref<!tpu.dma_semaphore, #tpu.memory_space<semaphore_mem>>)
      } else {
      }
      %mul3A_86 = arith.constant 2 : i32
      %mul3A_87 = arith.muli %scan3A_71, %mul3A_86 : i32
      %add3A_88 = arith.constant 1 : i32
      %add3A_89 = arith.addi %mul3A_87, %add3A_88 : i32
      %dma_wait3A_90 = arith.constant 0 : i32
      %dma_wait3A_91 = tpu.memref_slice %arg6[%add3A_89, %dma_wait3A_90] : memref<40x128xi32, #tpu.memory_space<vmem>> -> memref<1x128xi32, #tpu.memory_space<vmem>>
      %dma_wait3A_92 = tpu.memref_squeeze %dma_wait3A_91 : memref<1x128xi32, #tpu.memory_space<vmem>> -> memref<128xi32, #tpu.memory_space<vmem>>
      %dma_wait3A_93 = arith.constant 0 : i32
      %dma_wait3A_94 = arith.constant 0 : i32
      %dma_wait3A_95 = tpu.memref_slice %arg2[%dma_wait3A_93, %dma_wait3A_94] : memref<20480x128xf32, #tpu.memory_space<hbm>> -> memref<20480x128xf32, #tpu.memory_space<hbm>>
      tpu.wait_indirect_dma semaphore(%arg12 : memref<!tpu.dma_semaphore, #tpu.memory_space<semaphore_mem>>) src(%dma_wait3A_95 : memref<20480x128xf32, #tpu.memory_space<hbm>>) dst(%arg9 : memref<128x128xf32, #tpu.memory_space<vmem>>)
      "tpu.region"() ({
        %run_scoped3A = tpu.sem_alloc : memref<!tpu.dma_semaphore, #tpu.memory_space<semaphore_mem>>
        %dma_start3A_104 = arith.constant 0 : i32
        %dma_start3A_105 = tpu.memref_slice %arg7[%add3A_89, %dma_start3A_104] : memref<40x128xi32, #tpu.memory_space<vmem>> -> memref<1x128xi32, #tpu.memory_space<vmem>>
        %dma_start3A_106 = tpu.memref_squeeze %dma_start3A_105 : memref<1x128xi32, #tpu.memory_space<vmem>> -> memref<128xi32, #tpu.memory_space<vmem>>
        %dma_start3A_107 = arith.constant 0 : i32
        %dma_start3A_108 = arith.constant 0 : i32
        %dma_start3A_109 = tpu.memref_slice %arg10[%dma_start3A_107, %dma_start3A_108] : memref<10240x128xf32, #tpu.memory_space<vmem_shared>> -> memref<10240x128xf32, #tpu.memory_space<vmem_shared>>
        tpu.enqueue_indirect_dma source(%arg9 : memref<128x128xf32, #tpu.memory_space<vmem>>) target(%dma_start3A_109 : memref<10240x128xf32, #tpu.memory_space<vmem_shared>>) offsets(%dma_start3A_106 : memref<128xi32, #tpu.memory_space<vmem>>) semaphore(%run_scoped3A : memref<!tpu.dma_semaphore, #tpu.memory_space<semaphore_mem>>) {add = true}
        %dma_wait3A_110 = arith.constant 0 : i32
        %dma_wait3A_111 = tpu.memref_slice %arg7[%add3A_89, %dma_wait3A_110] : memref<40x128xi32, #tpu.memory_space<vmem>> -> memref<1x128xi32, #tpu.memory_space<vmem>>
        %dma_wait3A_112 = tpu.memref_squeeze %dma_wait3A_111 : memref<1x128xi32, #tpu.memory_space<vmem>> -> memref<128xi32, #tpu.memory_space<vmem>>
        %dma_wait3A_113 = arith.constant 0 : i32
        %dma_wait3A_114 = arith.constant 0 : i32
        %dma_wait3A_115 = tpu.memref_slice %arg10[%dma_wait3A_113, %dma_wait3A_114] : memref<10240x128xf32, #tpu.memory_space<vmem_shared>> -> memref<10240x128xf32, #tpu.memory_space<vmem_shared>>
        tpu.wait_indirect_dma semaphore(%run_scoped3A : memref<!tpu.dma_semaphore, #tpu.memory_space<semaphore_mem>>) src(%arg9 : memref<128x128xf32, #tpu.memory_space<vmem>>) dst(%dma_wait3A_115 : memref<10240x128xf32, #tpu.memory_space<vmem_shared>>)
        tpu.yield
      }) : () -> ()
      %add3A_96 = arith.constant 2 : i32
      %add3A_97 = arith.addi %add3A_89, %add3A_96 : i32
      %lt3A_98 = arith.constant 40 : i32
      %lt3A_99 = arith.cmpi slt, %add3A_97, %lt3A_98 : i32
      %convert_element_type3A_100 = arith.extui %lt3A_99 : i1 to i32
      %cond3A_101 = arith.constant 0 : i32
      %cond3A_102 = arith.cmpi ne, %convert_element_type3A_100, %cond3A_101 : i32
      scf.if %cond3A_102 {
        %add3A_104 = arith.constant 2 : i32
        %add3A_105 = arith.addi %add3A_89, %add3A_104 : i32
        %dma_start3A_106 = arith.constant 0 : i32
        %dma_start3A_107 = tpu.memref_slice %arg6[%add3A_105, %dma_start3A_106] : memref<40x128xi32, #tpu.memory_space<vmem>> -> memref<1x128xi32, #tpu.memory_space<vmem>>
        %dma_start3A_108 = tpu.memref_squeeze %dma_start3A_107 : memref<1x128xi32, #tpu.memory_space<vmem>> -> memref<128xi32, #tpu.memory_space<vmem>>
        %dma_start3A_109 = arith.constant 0 : i32
        %dma_start3A_110 = arith.constant 0 : i32
        %dma_start3A_111 = tpu.memref_slice %arg2[%dma_start3A_109, %dma_start3A_110] : memref<20480x128xf32, #tpu.memory_space<hbm>> -> memref<20480x128xf32, #tpu.memory_space<hbm>>
        tpu.enqueue_indirect_dma source(%dma_start3A_111 : memref<20480x128xf32, #tpu.memory_space<hbm>>) target(%arg9 : memref<128x128xf32, #tpu.memory_space<vmem>>) offsets(%dma_start3A_108 : memref<128xi32, #tpu.memory_space<vmem>>) semaphore(%arg12 : memref<!tpu.dma_semaphore, #tpu.memory_space<semaphore_mem>>)
      } else {
      }
      %scan3A_103 = arith.constant 0 : i32
      scf.yield %scan3A_103 : i32
    }
    %scan3A_65 = arith.constant 20 : i32
    %barrier3A_66 = arith.constant 0 : index
    tpu.barrier barrier_id(%barrier3A_66)
    %mul3A_67 = arith.constant 640 : i32
    %mul3A_68 = arith.muli %arg1, %mul3A_67 : i32
    %mul3A_69 = arith.constant 640 : i32
    %mul3A_70 = arith.muli %arg1, %mul3A_69 : i32
    "tpu.region"() ({
      %run_scoped3A = tpu.sem_alloc : memref<!tpu.dma_semaphore, #tpu.memory_space<semaphore_mem>>
      %dma_start3A_71 = arith.constant 0 : i32
      %dma_start3A_72 = tpu.memref_slice %arg5[%arg0, %mul3A_70, %dma_start3A_71] : memref<2x10240x128xf32, #tpu.memory_space<hbm>> -> memref<1x640x128xf32, #tpu.memory_space<hbm>>
      %dma_start3A_73 = tpu.memref_squeeze %dma_start3A_72 : memref<1x640x128xf32, #tpu.memory_space<hbm>> -> memref<640x128xf32, #tpu.memory_space<hbm>>
      %dma_start3A_74 = arith.constant 0 : i32
      %dma_start3A_75 = tpu.memref_slice %arg10[%mul3A_68, %dma_start3A_74] : memref<10240x128xf32, #tpu.memory_space<vmem_shared>> -> memref<640x128xf32, #tpu.memory_space<vmem_shared>>
      tpu.enqueue_dma source(%dma_start3A_75 : memref<640x128xf32, #tpu.memory_space<vmem_shared>>) target(%dma_start3A_73 : memref<640x128xf32, #tpu.memory_space<hbm>>) target_semaphore(%run_scoped3A : memref<!tpu.dma_semaphore, #tpu.memory_space<semaphore_mem>>)
      %dma_wait3A = arith.constant 0 : i32
      %dma_wait3A_76 = tpu.memref_slice %arg5[%arg0, %mul3A_70, %dma_wait3A] : memref<2x10240x128xf32, #tpu.memory_space<hbm>> -> memref<1x640x128xf32, #tpu.memory_space<hbm>>
      %dma_wait3A_77 = tpu.memref_squeeze %dma_wait3A_76 : memref<1x640x128xf32, #tpu.memory_space<hbm>> -> memref<640x128xf32, #tpu.memory_space<hbm>>
      %dma_wait3A_78 = arith.constant 0 : i32
      %dma_wait3A_79 = tpu.memref_slice %arg10[%mul3A_68, %dma_wait3A_78] : memref<10240x128xf32, #tpu.memory_space<vmem_shared>> -> memref<640x128xf32, #tpu.memory_space<vmem_shared>>
      tpu.wait_dma2 semaphore(%run_scoped3A : memref<!tpu.dma_semaphore, #tpu.memory_space<semaphore_mem>>) src(%dma_wait3A_79 : memref<640x128xf32, #tpu.memory_space<vmem_shared>>) dst(%dma_wait3A_77 : memref<640x128xf32, #tpu.memory_space<hbm>>)
      tpu.yield
    }) : () -> ()
    return
  }
}

module attributes {stable_mosaic.version = 14 : i64} {
  func.func @_layer_body(%arg0: i32, %arg1: memref<1x1000x128xf32, #tpu.memory_space<vmem>>, %arg2: memref<1x1000x128xf32, #tpu.memory_space<vmem>>, %arg3: memref<1x1000x128xf32, #tpu.memory_space<vmem>>, %arg4: memref<1x1000x128xf32, #tpu.memory_space<vmem>>, %arg5: memref<256x256xf32, #tpu.memory_space<vmem>>, %arg6: memref<1x256xf32, #tpu.memory_space<vmem>>, %arg7: memref<2x1000x128xf32, #tpu.memory_space<vmem>>) attributes {dimension_semantics = [#tpu.dimension_semantics<arbitrary>], iteration_bounds = array<i64: 10>, scalar_prefetch = 0 : i64, scratch_operands = 0 : i64, tpu.core_type = #tpu.core_type<tc>, window_params = [{transform_indices = @transform_0, window_bounds = array<i64: 1, 1000, 128>}, {transform_indices = @transform_1, window_bounds = array<i64: 1, 1000, 128>}, {transform_indices = @transform_2, window_bounds = array<i64: 1, 1000, 128>}, {transform_indices = @transform_3, window_bounds = array<i64: 1, 1000, 128>}, {pipeline_mode = #tpu.pipeline_mode<synchronous>, transform_indices = @transform_4, window_bounds = array<i64: 256, 256>}, {pipeline_mode = #tpu.pipeline_mode<synchronous>, transform_indices = @transform_5, window_bounds = array<i64: 1, 256>}, {transform_indices = @transform_6, window_bounds = array<i64: 2, 1000, 128>}]} {
    %get3A = arith.constant 0 : index
    %get3A_0 = arith.constant 0 : index
    %get3A_1 = arith.constant 0 : index
    %get3A_2 = vector.load %arg3[%get3A, %get3A_0, %get3A_1] : memref<1x1000x128xf32, #tpu.memory_space<vmem>>, vector<1x1000x128xf32>
    %get3A_3 = vector.shape_cast %get3A_2 : vector<1x1000x128xf32> to vector<1000x128xf32>
    %slice3A = vector.extract_strided_slice %get3A_3 {offsets = [0, 0], sizes = [1000, 1], strides = [1, 1]} : vector<1000x128xf32> to vector<1000x1xf32>
    %max3A = arith.constant 1.000000e+00 : f32
    %max3A_4 = vector.broadcast %max3A : f32 to vector<1000x1xf32>
    %max3A_5 = arith.maximumf %slice3A, %max3A_4 : vector<1000x1xf32>
    %rsqrt3A = math.rsqrt %max3A_5 : vector<1000x1xf32>
    %get3A_6 = arith.constant 0 : index
    %get3A_7 = arith.constant 0 : index
    %get3A_8 = arith.constant 0 : index
    %get3A_9 = vector.load %arg4[%get3A_6, %get3A_7, %get3A_8] : memref<1x1000x128xf32, #tpu.memory_space<vmem>>, vector<1x1000x128xf32>
    %get3A_10 = vector.shape_cast %get3A_9 : vector<1x1000x128xf32> to vector<1000x128xf32>
    %slice3A_11 = vector.extract_strided_slice %get3A_10 {offsets = [0, 0], sizes = [1000, 1], strides = [1, 1]} : vector<1000x128xf32> to vector<1000x1xf32>
    %max3A_12 = arith.constant 1.000000e+00 : f32
    %max3A_13 = vector.broadcast %max3A_12 : f32 to vector<1000x1xf32>
    %max3A_14 = arith.maximumf %slice3A_11, %max3A_13 : vector<1000x1xf32>
    %rsqrt3A_15 = math.rsqrt %max3A_14 : vector<1000x1xf32>
    %get3A_16 = arith.constant 0 : index
    %get3A_17 = arith.constant 0 : index
    %get3A_18 = arith.constant 0 : index
    %get3A_19 = vector.load %arg1[%get3A_16, %get3A_17, %get3A_18] : memref<1x1000x128xf32, #tpu.memory_space<vmem>>, vector<1x1000x128xf32>
    %get3A_20 = vector.shape_cast %get3A_19 : vector<1x1000x128xf32> to vector<1000x128xf32>
    %mul3A = vector.broadcast %rsqrt3A : vector<1000x1xf32> to vector<1000x128xf32>
    %mul3A_21 = arith.mulf %get3A_20, %mul3A : vector<1000x128xf32>
    %get3A_22 = arith.constant 0 : index
    %get3A_23 = arith.constant 0 : index
    %get3A_24 = arith.constant 0 : index
    %get3A_25 = vector.load %arg2[%get3A_22, %get3A_23, %get3A_24] : memref<1x1000x128xf32, #tpu.memory_space<vmem>>, vector<1x1000x128xf32>
    %get3A_26 = vector.shape_cast %get3A_25 : vector<1x1000x128xf32> to vector<1000x128xf32>
    %mul3A_27 = vector.broadcast %rsqrt3A : vector<1000x1xf32> to vector<1000x128xf32>
    %mul3A_28 = arith.mulf %get3A_26, %mul3A_27 : vector<1000x128xf32>
    %get3A_29 = arith.constant 0 : index
    %get3A_30 = arith.constant 0 : index
    %get3A_31 = vector.load %arg5[%get3A_29, %get3A_30] : memref<256x256xf32, #tpu.memory_space<vmem>>, vector<128x256xf32>
    %dot_general3A = arith.constant dense<0.000000e+00> : vector<1000x256xf32>
    %dot_general3A_32 = tpu.matmul %mul3A_21, %get3A_31, %dot_general3A {dimension_numbers = #tpu.dot_dimension_numbers<[1], [0], [0], [1], [0, 0, 1, 1], [], []>, transpose_lhs_hint = false} : vector<1000x128xf32>, vector<128x256xf32>, vector<1000x256xf32> -> vector<1000x256xf32>
    %get3A_33 = arith.constant 128 : index
    %get3A_34 = arith.constant 0 : index
    %get3A_35 = vector.load %arg5[%get3A_33, %get3A_34] : memref<256x256xf32, #tpu.memory_space<vmem>>, vector<128x256xf32>
    %dot_general3A_36 = arith.constant dense<0.000000e+00> : vector<1000x256xf32>
    %dot_general3A_37 = tpu.matmul %mul3A_28, %get3A_35, %dot_general3A_36 {dimension_numbers = #tpu.dot_dimension_numbers<[1], [0], [0], [1], [0, 0, 1, 1], [], []>, transpose_lhs_hint = false} : vector<1000x128xf32>, vector<128x256xf32>, vector<1000x256xf32> -> vector<1000x256xf32>
    %add3A = arith.addf %dot_general3A_32, %dot_general3A_37 : vector<1000x256xf32>
    %get3A_38 = arith.constant 0 : index
    %get3A_39 = arith.constant 0 : index
    %get3A_40 = vector.load %arg6[%get3A_38, %get3A_39] : memref<1x256xf32, #tpu.memory_space<vmem>>, vector<1x256xf32>
    %add3A_41 = vector.broadcast %get3A_40 : vector<1x256xf32> to vector<1000x256xf32>
    %add3A_42 = arith.addf %add3A, %add3A_41 : vector<1000x256xf32>
    %max3A_43 = arith.constant 0.000000e+00 : f32
    %max3A_44 = vector.broadcast %max3A_43 : f32 to vector<1000x256xf32>
    %max3A_45 = arith.maximumf %add3A_42, %max3A_44 : vector<1000x256xf32>
    %mul3A_46 = vector.broadcast %rsqrt3A_15 : vector<1000x1xf32> to vector<1000x256xf32>
    %mul3A_47 = arith.mulf %max3A_45, %mul3A_46 : vector<1000x256xf32>
    %slice3A_48 = vector.extract_strided_slice %mul3A_47 {offsets = [0, 0], sizes = [1000, 128], strides = [1, 1]} : vector<1000x256xf32> to vector<1000x128xf32>
    %swap3A = arith.constant 0 : index
    %swap3A_49 = arith.constant 0 : index
    %swap3A_50 = arith.constant 0 : index
    %swap3A_51 = vector.load %arg7[%swap3A, %swap3A_49, %swap3A_50] : memref<2x1000x128xf32, #tpu.memory_space<vmem>>, vector<1x1000x128xf32>
    %swap3A_52 = vector.shape_cast %swap3A_51 : vector<1x1000x128xf32> to vector<1000x128xf32>
    %swap3A_53 = vector.shape_cast %slice3A_48 : vector<1000x128xf32> to vector<1x1000x128xf32>
    tpu.vector_store %arg7[%swap3A, %swap3A_49, %swap3A_50], %swap3A_53 {strides = array<i32>} : memref<2x1000x128xf32, #tpu.memory_space<vmem>>, vector<1x1000x128xf32>,
    %slice3A_54 = vector.extract_strided_slice %mul3A_47 {offsets = [0, 128], sizes = [1000, 128], strides = [1, 1]} : vector<1000x256xf32> to vector<1000x128xf32>
    %swap3A_55 = arith.constant 1 : index
    %swap3A_56 = arith.constant 0 : index
    %swap3A_57 = arith.constant 0 : index
    %swap3A_58 = vector.load %arg7[%swap3A_55, %swap3A_56, %swap3A_57] : memref<2x1000x128xf32, #tpu.memory_space<vmem>>, vector<1x1000x128xf32>
    %swap3A_59 = vector.shape_cast %swap3A_58 : vector<1x1000x128xf32> to vector<1000x128xf32>
    %swap3A_60 = vector.shape_cast %slice3A_54 : vector<1000x128xf32> to vector<1x1000x128xf32>
    tpu.vector_store %arg7[%swap3A_55, %swap3A_56, %swap3A_57], %swap3A_60 {strides = array<i32>} : memref<2x1000x128xf32, #tpu.memory_space<vmem>>, vector<1x1000x128xf32>,
    return
  }
  func.func @transform_0(%arg0: i32) -> (i32, i32, i32) {
    %c0_i32 = arith.constant 0 : i32
    %c0_i32_0 = arith.constant 0 : i32
    %c0_i32_1 = arith.constant 0 : i32
    return %c0_i32, %arg0, %c0_i32_0 : i32, i32, i32
  }
  func.func @transform_1(%arg0: i32) -> (i32, i32, i32) {
    %c1_i32 = arith.constant 1 : i32
    %c0_i32 = arith.constant 0 : i32
    %c0_i32_0 = arith.constant 0 : i32
    return %c1_i32, %arg0, %c0_i32 : i32, i32, i32
  }
  func.func @transform_2(%arg0: i32) -> (i32, i32, i32) {
    %c1_i32 = arith.constant 1 : i32
    %c0_i32 = arith.constant 0 : i32
    %c0_i32_0 = arith.constant 0 : i32
    return %c1_i32, %arg0, %c0_i32 : i32, i32, i32
  }
  func.func @transform_3(%arg0: i32) -> (i32, i32, i32) {
    %c0_i32 = arith.constant 0 : i32
    %c0_i32_0 = arith.constant 0 : i32
    %c0_i32_1 = arith.constant 0 : i32
    return %c0_i32, %arg0, %c0_i32_0 : i32, i32, i32
  }
  func.func @transform_4(%arg0: i32) -> (i32, i32) {
    %c0_i32 = arith.constant 0 : i32
    %c0_i32_0 = arith.constant 0 : i32
    %c0_i32_1 = arith.constant 0 : i32
    return %c0_i32, %c0_i32_0 : i32, i32
  }
  func.func @transform_5(%arg0: i32) -> (i32, i32) {
    %c0_i32 = arith.constant 0 : i32
    %c0_i32_0 = arith.constant 0 : i32
    %c0_i32_1 = arith.constant 0 : i32
    return %c0_i32, %c0_i32_0 : i32, i32
  }
  func.func @transform_6(%arg0: i32) -> (i32, i32, i32) {
    %c0_i32 = arith.constant 0 : i32
    %c0_i32_0 = arith.constant 0 : i32
    %c0_i32_1 = arith.constant 0 : i32
    return %c0_i32, %arg0, %c0_i32_0 : i32, i32, i32
  }
}

module attributes {stable_mosaic.version = 14 : i64} {
  func.func @_proj_body(%arg0: i32, %arg1: memref<1000x768xf32, #tpu.memory_space<vmem>>, %arg2: memref<768x256xf32, #tpu.memory_space<vmem>>, %arg3: memref<1x256xf32, #tpu.memory_space<vmem>>, %arg4: memref<1x1000x128xf32, #tpu.memory_space<vmem>>, %arg5: memref<2x1000x128xf32, #tpu.memory_space<vmem>>) attributes {dimension_semantics = [#tpu.dimension_semantics<arbitrary>], iteration_bounds = array<i64: 10>, scalar_prefetch = 0 : i64, scratch_operands = 0 : i64, tpu.core_type = #tpu.core_type<tc>, window_params = [{transform_indices = @transform_0, window_bounds = array<i64: 1000, 768>}, {pipeline_mode = #tpu.pipeline_mode<synchronous>, transform_indices = @transform_1, window_bounds = array<i64: 768, 256>}, {pipeline_mode = #tpu.pipeline_mode<synchronous>, transform_indices = @transform_2, window_bounds = array<i64: 1, 256>}, {transform_indices = @transform_3, window_bounds = array<i64: 1, 1000, 128>}, {transform_indices = @transform_4, window_bounds = array<i64: 2, 1000, 128>}]} {
    %get3A = arith.constant 0 : index
    %get3A_0 = arith.constant 0 : index
    %get3A_1 = arith.constant 0 : index
    %get3A_2 = vector.load %arg4[%get3A, %get3A_0, %get3A_1] : memref<1x1000x128xf32, #tpu.memory_space<vmem>>, vector<1x1000x128xf32>
    %get3A_3 = vector.shape_cast %get3A_2 : vector<1x1000x128xf32> to vector<1000x128xf32>
    %slice3A = vector.extract_strided_slice %get3A_3 {offsets = [0, 0], sizes = [1000, 1], strides = [1, 1]} : vector<1000x128xf32> to vector<1000x1xf32>
    %max3A = arith.constant 1.000000e+00 : f32
    %max3A_4 = vector.broadcast %max3A : f32 to vector<1000x1xf32>
    %max3A_5 = arith.maximumf %slice3A, %max3A_4 : vector<1000x1xf32>
    %rsqrt3A = math.rsqrt %max3A_5 : vector<1000x1xf32>
    %get3A_6 = arith.constant 0 : index
    %get3A_7 = arith.constant 0 : index
    %get3A_8 = vector.load %arg1[%get3A_6, %get3A_7] : memref<1000x768xf32, #tpu.memory_space<vmem>>, vector<1000x768xf32>
    %get3A_9 = arith.constant 0 : index
    %get3A_10 = arith.constant 0 : index
    %get3A_11 = vector.load %arg2[%get3A_9, %get3A_10] : memref<768x256xf32, #tpu.memory_space<vmem>>, vector<768x256xf32>
    %dot_general3A = arith.constant dense<0.000000e+00> : vector<1000x256xf32>
    %dot_general3A_12 = tpu.matmul %get3A_8, %get3A_11, %dot_general3A {dimension_numbers = #tpu.dot_dimension_numbers<[1], [0], [0], [1], [0, 0, 1, 1], [], []>, transpose_lhs_hint = false} : vector<1000x768xf32>, vector<768x256xf32>, vector<1000x256xf32> -> vector<1000x256xf32>
    %get3A_13 = arith.constant 0 : index
    %get3A_14 = arith.constant 0 : index
    %get3A_15 = vector.load %arg3[%get3A_13, %get3A_14] : memref<1x256xf32, #tpu.memory_space<vmem>>, vector<1x256xf32>
    %add3A = vector.broadcast %get3A_15 : vector<1x256xf32> to vector<1000x256xf32>
    %add3A_16 = arith.addf %dot_general3A_12, %add3A : vector<1000x256xf32>
    %mul3A = vector.broadcast %rsqrt3A : vector<1000x1xf32> to vector<1000x256xf32>
    %mul3A_17 = arith.mulf %add3A_16, %mul3A : vector<1000x256xf32>
    %slice3A_18 = vector.extract_strided_slice %mul3A_17 {offsets = [0, 0], sizes = [1000, 128], strides = [1, 1]} : vector<1000x256xf32> to vector<1000x128xf32>
    %swap3A = arith.constant 0 : index
    %swap3A_19 = arith.constant 0 : index
    %swap3A_20 = arith.constant 0 : index
    %swap3A_21 = vector.load %arg5[%swap3A, %swap3A_19, %swap3A_20] : memref<2x1000x128xf32, #tpu.memory_space<vmem>>, vector<1x1000x128xf32>
    %swap3A_22 = vector.shape_cast %swap3A_21 : vector<1x1000x128xf32> to vector<1000x128xf32>
    %swap3A_23 = vector.shape_cast %slice3A_18 : vector<1000x128xf32> to vector<1x1000x128xf32>
    tpu.vector_store %arg5[%swap3A, %swap3A_19, %swap3A_20], %swap3A_23 {strides = array<i32>} : memref<2x1000x128xf32, #tpu.memory_space<vmem>>, vector<1x1000x128xf32>,
    %slice3A_24 = vector.extract_strided_slice %mul3A_17 {offsets = [0, 128], sizes = [1000, 128], strides = [1, 1]} : vector<1000x256xf32> to vector<1000x128xf32>
    %swap3A_25 = arith.constant 1 : index
    %swap3A_26 = arith.constant 0 : index
    %swap3A_27 = arith.constant 0 : index
    %swap3A_28 = vector.load %arg5[%swap3A_25, %swap3A_26, %swap3A_27] : memref<2x1000x128xf32, #tpu.memory_space<vmem>>, vector<1x1000x128xf32>
    %swap3A_29 = vector.shape_cast %swap3A_28 : vector<1x1000x128xf32> to vector<1000x128xf32>
    %swap3A_30 = vector.shape_cast %slice3A_24 : vector<1000x128xf32> to vector<1x1000x128xf32>
    tpu.vector_store %arg5[%swap3A_25, %swap3A_26, %swap3A_27], %swap3A_30 {strides = array<i32>} : memref<2x1000x128xf32, #tpu.memory_space<vmem>>, vector<1x1000x128xf32>,
    return
  }
  func.func @transform_0(%arg0: i32) -> (i32, i32) {
    %c0_i32 = arith.constant 0 : i32
    %c0_i32_0 = arith.constant 0 : i32
    return %arg0, %c0_i32 : i32, i32
  }
  func.func @transform_1(%arg0: i32) -> (i32, i32) {
    %c0_i32 = arith.constant 0 : i32
    %c0_i32_0 = arith.constant 0 : i32
    %c0_i32_1 = arith.constant 0 : i32
    return %c0_i32, %c0_i32_0 : i32, i32
  }
  func.func @transform_2(%arg0: i32) -> (i32, i32) {
    %c0_i32 = arith.constant 0 : i32
    %c0_i32_0 = arith.constant 0 : i32
    %c0_i32_1 = arith.constant 0 : i32
    return %c0_i32, %c0_i32_0 : i32, i32
  }
  func.func @transform_3(%arg0: i32) -> (i32, i32, i32) {
    %c0_i32 = arith.constant 0 : i32
    %c0_i32_0 = arith.constant 0 : i32
    %c0_i32_1 = arith.constant 0 : i32
    return %c0_i32, %arg0, %c0_i32_0 : i32, i32, i32
  }
  func.func @transform_4(%arg0: i32) -> (i32, i32, i32) {
    %c0_i32 = arith.constant 0 : i32
    %c0_i32_0 = arith.constant 0 : i32
    %c0_i32_1 = arith.constant 0 : i32
    return %c0_i32, %arg0, %c0_i32_0 : i32, i32, i32
  }
}

module attributes {stable_mosaic.version = 14 : i64} {
  func.func @_head_body(%arg0: i32, %arg1: memref<1x1xi32, #tpu.memory_space<smem>>, %arg2: memref<2x10000x128xf32, #tpu.memory_space<vmem>>, %arg3: memref<1x10000x128xf32, #tpu.memory_space<vmem>>, %arg4: memref<256x256xf32, #tpu.memory_space<vmem>>, %arg5: memref<1x256xf32, #tpu.memory_space<vmem>>, %arg6: memref<256x128xf32, #tpu.memory_space<vmem>>, %arg7: memref<1x128xf32, #tpu.memory_space<vmem>>, %arg8: memref<128x3xf32, #tpu.memory_space<vmem>>, %arg9: memref<1x3xf32, #tpu.memory_space<vmem>>, %arg10: memref<1x3xf32, #tpu.memory_space<vmem>>) attributes {dimension_semantics = [#tpu.dimension_semantics<arbitrary>], iteration_bounds = array<i64: 1>, scalar_prefetch = 0 : i64, scratch_operands = 0 : i64, tpu.core_type = #tpu.core_type<tc>, window_params = [{transform_indices = @transform_0, window_bounds = array<i64: 1, 1>}, {transform_indices = @transform_1, window_bounds = array<i64: 2, 10000, 128>}, {transform_indices = @transform_2, window_bounds = array<i64: 1, 10000, 128>}, {pipeline_mode = #tpu.pipeline_mode<synchronous>, transform_indices = @transform_3, window_bounds = array<i64: 256, 256>}, {pipeline_mode = #tpu.pipeline_mode<synchronous>, transform_indices = @transform_4, window_bounds = array<i64: 1, 256>}, {pipeline_mode = #tpu.pipeline_mode<synchronous>, transform_indices = @transform_5, window_bounds = array<i64: 256, 128>}, {pipeline_mode = #tpu.pipeline_mode<synchronous>, transform_indices = @transform_6, window_bounds = array<i64: 1, 128>}, {pipeline_mode = #tpu.pipeline_mode<synchronous>, transform_indices = @transform_7, window_bounds = array<i64: 128, 3>}, {pipeline_mode = #tpu.pipeline_mode<synchronous>, transform_indices = @transform_8, window_bounds = array<i64: 1, 3>}, {pipeline_mode = #tpu.pipeline_mode<synchronous>, transform_indices = @transform_9, window_bounds = array<i64: 1, 3>}]} {
    %get3A = arith.constant 0 : index
    %get3A_0 = arith.constant 0 : index
    %get3A_1 = memref.load %arg1[%get3A, %get3A_0] : memref<1x1xi32, #tpu.memory_space<smem>>
    %iota3A = tpu.iota {dimensions = array<i32: 0>} : vector<10000x1xi32>
    %eq3A = vector.broadcast %get3A_1 : i32 to vector<10000x1xi32>
    %eq3A_2 = arith.cmpi eq, %iota3A, %eq3A : vector<10000x1xi32>
    %convert_element_type3A = arith.extui %eq3A_2 : vector<10000x1xi1> to vector<10000x1xi32>
    %convert_element_type3A_3 = arith.sitofp %convert_element_type3A : vector<10000x1xi32> to vector<10000x1xf32>
    %get3A_4 = arith.constant 0 : index
    %get3A_5 = arith.constant 0 : index
    %get3A_6 = arith.constant 0 : index
    %get3A_7 = vector.load %arg2[%get3A_4, %get3A_5, %get3A_6] : memref<2x10000x128xf32, #tpu.memory_space<vmem>>, vector<1x10000x128xf32>
    %get3A_8 = vector.shape_cast %get3A_7 : vector<1x10000x128xf32> to vector<10000x128xf32>
    %mul3A = vector.broadcast %convert_element_type3A_3 : vector<10000x1xf32> to vector<10000x128xf32>
    %mul3A_9 = arith.mulf %get3A_8, %mul3A : vector<10000x128xf32>
    %reduce_sum3A = arith.constant dense<0.000000e+00> : vector<128xf32>
    %reduce_sum3A_10 = vector.multi_reduction <add>, %mul3A_9, %reduce_sum3A [0] : vector<10000x128xf32> to vector<128xf32>
    %broadcast_in_dim3A = vector.shape_cast %reduce_sum3A_10 : vector<128xf32> to vector<1x128xf32>
    %get3A_11 = arith.constant 1 : index
    %get3A_12 = arith.constant 0 : index
    %get3A_13 = arith.constant 0 : index
    %get3A_14 = vector.load %arg2[%get3A_11, %get3A_12, %get3A_13] : memref<2x10000x128xf32, #tpu.memory_space<vmem>>, vector<1x10000x128xf32>
    %get3A_15 = vector.shape_cast %get3A_14 : vector<1x10000x128xf32> to vector<10000x128xf32>
    %mul3A_16 = vector.broadcast %convert_element_type3A_3 : vector<10000x1xf32> to vector<10000x128xf32>
    %mul3A_17 = arith.mulf %get3A_15, %mul3A_16 : vector<10000x128xf32>
    %reduce_sum3A_18 = arith.constant dense<0.000000e+00> : vector<128xf32>
    %reduce_sum3A_19 = vector.multi_reduction <add>, %mul3A_17, %reduce_sum3A_18 [0] : vector<10000x128xf32> to vector<128xf32>
    %broadcast_in_dim3A_20 = vector.shape_cast %reduce_sum3A_19 : vector<128xf32> to vector<1x128xf32>
    %get3A_21 = arith.constant 0 : index
    %get3A_22 = arith.constant 0 : index
    %get3A_23 = arith.constant 0 : index
    %get3A_24 = vector.load %arg3[%get3A_21, %get3A_22, %get3A_23] : memref<1x10000x128xf32, #tpu.memory_space<vmem>>, vector<1x10000x128xf32>
    %get3A_25 = vector.shape_cast %get3A_24 : vector<1x10000x128xf32> to vector<10000x128xf32>
    %slice3A = vector.extract_strided_slice %get3A_25 {offsets = [0, 0], sizes = [10000, 1], strides = [1, 1]} : vector<10000x128xf32> to vector<10000x1xf32>
    %mul3A_26 = arith.mulf %slice3A, %convert_element_type3A_3 : vector<10000x1xf32>
    %reduce_sum3A_27 = arith.constant dense<0.000000e+00> : vector<1xf32>
    %reduce_sum3A_28 = vector.multi_reduction <add>, %mul3A_26, %reduce_sum3A_27 [0] : vector<10000x1xf32> to vector<1xf32>
    %broadcast_in_dim3A_29 = vector.shape_cast %reduce_sum3A_28 : vector<1xf32> to vector<1x1xf32>
    %max3A = arith.constant 1.000000e+00 : f32
    %max3A_30 = vector.broadcast %max3A : f32 to vector<1x1xf32>
    %max3A_31 = arith.maximumf %broadcast_in_dim3A_29, %max3A_30 : vector<1x1xf32>
    %rsqrt3A = math.rsqrt %max3A_31 : vector<1x1xf32>
    %get3A_32 = arith.constant 0 : index
    %get3A_33 = arith.constant 0 : index
    %get3A_34 = vector.load %arg4[%get3A_32, %get3A_33] : memref<256x256xf32, #tpu.memory_space<vmem>>, vector<128x256xf32>
    %dot_general3A = arith.constant dense<0.000000e+00> : vector<1x256xf32>
    %dot_general3A_35 = tpu.matmul %broadcast_in_dim3A, %get3A_34, %dot_general3A {dimension_numbers = #tpu.dot_dimension_numbers<[1], [0], [0], [1], [0, 0, 1, 1], [], []>, transpose_lhs_hint = false} : vector<1x128xf32>, vector<128x256xf32>, vector<1x256xf32> -> vector<1x256xf32>
    %get3A_36 = arith.constant 128 : index
    %get3A_37 = arith.constant 0 : index
    %get3A_38 = vector.load %arg4[%get3A_36, %get3A_37] : memref<256x256xf32, #tpu.memory_space<vmem>>, vector<128x256xf32>
    %dot_general3A_39 = arith.constant dense<0.000000e+00> : vector<1x256xf32>
    %dot_general3A_40 = tpu.matmul %broadcast_in_dim3A_20, %get3A_38, %dot_general3A_39 {dimension_numbers = #tpu.dot_dimension_numbers<[1], [0], [0], [1], [0, 0, 1, 1], [], []>, transpose_lhs_hint = false} : vector<1x128xf32>, vector<128x256xf32>, vector<1x256xf32> -> vector<1x256xf32>
    %add3A = arith.addf %dot_general3A_35, %dot_general3A_40 : vector<1x256xf32>
    %mul3A_41 = vector.broadcast %rsqrt3A : vector<1x1xf32> to vector<1x256xf32>
    %mul3A_42 = arith.mulf %add3A, %mul3A_41 : vector<1x256xf32>
    %get3A_43 = arith.constant 0 : index
    %get3A_44 = arith.constant 0 : index
    %get3A_45 = vector.load %arg5[%get3A_43, %get3A_44] : memref<1x256xf32, #tpu.memory_space<vmem>>, vector<1x256xf32>
    %add3A_46 = arith.addf %mul3A_42, %get3A_45 : vector<1x256xf32>
    %max3A_47 = arith.constant 0.000000e+00 : f32
    %max3A_48 = vector.broadcast %max3A_47 : f32 to vector<1x256xf32>
    %max3A_49 = arith.maximumf %add3A_46, %max3A_48 : vector<1x256xf32>
    %get3A_50 = arith.constant 0 : index
    %get3A_51 = arith.constant 0 : index
    %get3A_52 = vector.load %arg6[%get3A_50, %get3A_51] : memref<256x128xf32, #tpu.memory_space<vmem>>, vector<256x128xf32>
    %dot_general3A_53 = arith.constant dense<0.000000e+00> : vector<1x128xf32>
    %dot_general3A_54 = tpu.matmul %max3A_49, %get3A_52, %dot_general3A_53 {dimension_numbers = #tpu.dot_dimension_numbers<[1], [0], [0], [1], [0, 0, 1, 1], [], []>, transpose_lhs_hint = false} : vector<1x256xf32>, vector<256x128xf32>, vector<1x128xf32> -> vector<1x128xf32>
    %get3A_55 = arith.constant 0 : index
    %get3A_56 = arith.constant 0 : index
    %get3A_57 = vector.load %arg7[%get3A_55, %get3A_56] : memref<1x128xf32, #tpu.memory_space<vmem>>, vector<1x128xf32>
    %add3A_58 = arith.addf %dot_general3A_54, %get3A_57 : vector<1x128xf32>
    %max3A_59 = arith.constant 0.000000e+00 : f32
    %max3A_60 = vector.broadcast %max3A_59 : f32 to vector<1x128xf32>
    %max3A_61 = arith.maximumf %add3A_58, %max3A_60 : vector<1x128xf32>
    %get3A_62 = arith.constant 0 : index
    %get3A_63 = arith.constant 0 : index
    %get3A_64 = vector.load %arg8[%get3A_62, %get3A_63] : memref<128x3xf32, #tpu.memory_space<vmem>>, vector<128x3xf32>
    %dot_general3A_65 = arith.constant dense<0.000000e+00> : vector<1x3xf32>
    %dot_general3A_66 = tpu.matmul %max3A_61, %get3A_64, %dot_general3A_65 {dimension_numbers = #tpu.dot_dimension_numbers<[1], [0], [0], [1], [0, 0, 1, 1], [], []>, transpose_lhs_hint = false} : vector<1x128xf32>, vector<128x3xf32>, vector<1x3xf32> -> vector<1x3xf32>
    %get3A_67 = arith.constant 0 : index
    %get3A_68 = arith.constant 0 : index
    %get3A_69 = vector.load %arg9[%get3A_67, %get3A_68] : memref<1x3xf32, #tpu.memory_space<vmem>>, vector<1x3xf32>
    %add3A_70 = arith.addf %dot_general3A_66, %get3A_69 : vector<1x3xf32>
    %swap3A = arith.constant 0 : index
    %swap3A_71 = arith.constant 0 : index
    %swap3A_72 = vector.load %arg10[%swap3A, %swap3A_71] : memref<1x3xf32, #tpu.memory_space<vmem>>, vector<1x3xf32>
    tpu.vector_store %arg10[%swap3A, %swap3A_71], %add3A_70 {strides = array<i32>} : memref<1x3xf32, #tpu.memory_space<vmem>>, vector<1x3xf32>,
    return
  }
  func.func @transform_0(%arg0: i32) -> (i32, i32) {
    %c0_i32 = arith.constant 0 : i32
    %c0_i32_0 = arith.constant 0 : i32
    %c0_i32_1 = arith.constant 0 : i32
    return %c0_i32, %c0_i32_0 : i32, i32
  }
  func.func @transform_1(%arg0: i32) -> (i32, i32, i32) {
    %c0_i32 = arith.constant 0 : i32
    %c0_i32_0 = arith.constant 0 : i32
    %c0_i32_1 = arith.constant 0 : i32
    %c0_i32_2 = arith.constant 0 : i32
    return %c0_i32, %c0_i32_0, %c0_i32_1 : i32, i32, i32
  }
  func.func @transform_2(%arg0: i32) -> (i32, i32, i32) {
    %c1_i32 = arith.constant 1 : i32
    %c0_i32 = arith.constant 0 : i32
    %c0_i32_0 = arith.constant 0 : i32
    %c0_i32_1 = arith.constant 0 : i32
    return %c1_i32, %c0_i32, %c0_i32_0 : i32, i32, i32
  }
  func.func @transform_3(%arg0: i32) -> (i32, i32) {
    %c0_i32 = arith.constant 0 : i32
    %c0_i32_0 = arith.constant 0 : i32
    %c0_i32_1 = arith.constant 0 : i32
    return %c0_i32, %c0_i32_0 : i32, i32
  }
  func.func @transform_4(%arg0: i32) -> (i32, i32) {
    %c0_i32 = arith.constant 0 : i32
    %c0_i32_0 = arith.constant 0 : i32
    %c0_i32_1 = arith.constant 0 : i32
    return %c0_i32, %c0_i32_0 : i32, i32
  }
  func.func @transform_5(%arg0: i32) -> (i32, i32) {
    %c0_i32 = arith.constant 0 : i32
    %c0_i32_0 = arith.constant 0 : i32
    %c0_i32_1 = arith.constant 0 : i32
    return %c0_i32, %c0_i32_0 : i32, i32
  }
  func.func @transform_6(%arg0: i32) -> (i32, i32) {
    %c0_i32 = arith.constant 0 : i32
    %c0_i32_0 = arith.constant 0 : i32
    %c0_i32_1 = arith.constant 0 : i32
    return %c0_i32, %c0_i32_0 : i32, i32
  }
  func.func @transform_7(%arg0: i32) -> (i32, i32) {
    %c0_i32 = arith.constant 0 : i32
    %c0_i32_0 = arith.constant 0 : i32
    %c0_i32_1 = arith.constant 0 : i32
    return %c0_i32, %c0_i32_0 : i32, i32
  }
  func.func @transform_8(%arg0: i32) -> (i32, i32) {
    %c0_i32 = arith.constant 0 : i32
    %c0_i32_0 = arith.constant 0 : i32
    %c0_i32_1 = arith.constant 0 : i32
    return %c0_i32, %c0_i32_0 : i32, i32
  }
  func.func @transform_9(%arg0: i32) -> (i32, i32) {
    %c0_i32 = arith.constant 0 : i32
    %c0_i32_0 = arith.constant 0 : i32
    %c0_i32_1 = arith.constant 0 : i32
    return %c0_i32, %c0_i32_0 : i32, i32
  }
}

</mosaic_0001>

<sc_bundles>
// kernel: kernel.10.cloned.1.call-start
scs
__scs_entry_jumppad:
0x0: {  	(pc) =	sbr.rel $0x88, $3  }
0x1: {  	(tag) =	ssettag $0x0;
	lr =	simm.s32 $0x1  }
0x2: {  	[smem:$0x3F92] =	sst lr;
	_ =	strace $0xD0000000  }
0x3: {  	_ = 	snop  }
0x4: {  	_ = 	snop  }
0x5: {  	_ = 	snop  }
0x6: {  	_ = 	snop  }
0x7: {  	_ = 	snop  }
__scs_overlays_trampoline_lowered:
0x8: {  	[smem:$0x3FA1] =	sst s0  }
0x9: {  	[smem:$0x3FA2] =	sst s1  }
0xa: {  	[smem:$0x3FA3] =	sst s2  }
0xb: {  	[smem:$0x3FA4] =	sst s3  }
0xc: {  	[smem:$0x3FA5] =	sst s4  }
0xd: {  	[smem:$0x3FA6] =	sst s5  }
0xe: {  	[smem:$0x3FA7] =	sst s6  }
0xf: {  	[smem:$0x3FA8] =	sst s7  }
0x10: {  	[smem:$0x3FA9] =	sst s8  }
0x11: {  	[smem:$0x3FAA] =	sst s9;
	s0 =	simm.s32 @!p0 $0x0  }
0x12: {  	s1 =	sld [smem:$0x3F90];
	s0 =	simm.s32 @p0 $0x1  }
0x13: {  	[smem:$0x3FAB] =	sst s0;
	s0 =	simm.s32 @!p1 $0x0  }
0x14: {  	s2 =	sld [smem:$0x3F8F];
	s0 =	simm.s32 @p1 $0x1  }
0x15: {  	[smem:$0x3FAC] =	sst s0;
	s0 =	simm.s32 @!p2 $0x0  }
0x16: {  	s3 =	sld [smem:$0x3FDB];
	s0 =	simm.s32 @p2 $0x1  }
0x17: {  	s4 =	simm.s32 $0x1BF5;
	[smem:$0x3FAE] =	sst s0  }
0x18: {  	s0 =	sld [smem:$0x3F91];
	_ =	swait.ge [sflag:s4], $0x0  }
0x19: {  	s7 =	sld [smem:$0x3F92]  }
0x1a: {  	s8 =	sadd.s32 $0xFFFFE003, lr  }
0x1b: {  	s9 =	sadd.s32 $0xFFFFFEF7, lr;
	s5 =	simm.s32 $0xFFFFFFFF;
	p2 =	slt.u32 s8, $0xFFFFF086  }
0x1c: {  	p1 =	slt.u32 s9, $0xF7A;
	s5 =	simm.s32 @!p2 $0x0  }
0x1d: {  	s5 =	simm.s32 @p1 $0x1;
	p0 =	seq.s32 s7, s2  }
0x1e: {  	s7 =	smul.u32 @!p0 $0xF7A, s2;
	p2 =	seq.s32 @!p0 s5, $0x0  }
0x1f: {  	s9 =	smul.u32 $0xF7A, s1;
	s8 =	simm.s32 @!p0 $0x1BF5;
	p2 =	por !p2, p0  }
0x20: {  	[sflag:s8] =	ssyncset.s32 @!p0 $0xFFFFF086;
	s6 =	sadd.s32 @!p0 s3, s7;
	s7 =	simm.s32 @!p0 $0x108  }
0x21: {  	s3 =	sadd.s32 s3, s9;
	s6 =	sadd.s32 @!p0 $0x88, s6;
	s7 =	simm.s32 @p2 $0x1082  }
0x22: {  	[simem:s7], [sflag:s8] =	dma.local @!p0 [hbm:s6], $0xF7A  }
0x23: {  	s9 =	sor.u32 $0xD0000000, s2;
	s6 =	simm.s32 $0x108;
	_ =	swait.ge @!p0 [sflag:s8], $0x0  }
0x24: {  	s3 =	sadd.s32 $0x88, s3;
	s6 =	simm.s32 @!p1 $0x1082;
	[sflag:s4] =	ssyncset.s32 $0xFFFFF086  }
0x25: {  	[simem:s6], [sflag:s4] =	dma.local [hbm:s3], $0xF7A  }
0x26: {  	[smem:$0x3F92] =	sst s1;
	(tag) =	ssettag s2;
	_ =	strace s9  }
0x27: {  	s1 =	sld [smem:$0x3FA2]  }
0x28: {  	s2 =	sld [smem:$0x3FA3]  }
0x29: {  	s4 =	sld [smem:$0x3FA5]  }
0x2a: {  	p0 =	seq.s32 s5, $0x0;
	s5 =	sld [smem:$0x3FA6]  }
0x2b: {  	s6 =	sld [smem:$0x3FA7]  }
0x2c: {  	s7 =	sld [smem:$0x3FA8]  }
0x2d: {  	s3 =	simm.s32 $0x108;
	s8 =	sld [smem:$0x3FA9]  }
0x2e: {  	s3 =	simm.s32 @!p0 $0x1082;
	s9 =	sld [smem:$0x3FAA]  }
0x2f: {  	lr =	sadd.s32 s0, s3;
	s0 =	sld [smem:$0x3FA1]  }
0x30: {  	s3 =	sld [smem:$0x3FA4]  }
0x31: {  	[smem:$0x3FAD] =	sst s10  }
0x32: {  	s10 =	sld [smem:$0x3FAB];
	_ =	sdelay $0x3  }
0x33: {  	p0 =	seq.s32 s10, $0x1;
	s10 =	sld [smem:$0x3FAD];
	_ =	sdelay $0x3  }
0x34: {  	[smem:$0x3FAD] =	sst s10  }
0x35: {  	s10 =	sld [smem:$0x3FAC];
	_ =	sdelay $0x3  }
0x36: {  	p1 =	seq.s32 s10, $0x1;
	s10 =	sld [smem:$0x3FAD];
	_ =	sdelay $0x3  }
0x37: {  	[smem:$0x3FAD] =	sst s10  }
0x38: {  	s10 =	sld [smem:$0x3FAE]  }
0x39: {  	_ = 	snop;
	(pc) =	sbr.ind lr, $3  }
0x3a: {  	_ = 	snop  }
0x3b: {  	_ = 	snop  }
0x3c: {  	p2 =	seq.s32 s10, $0x1;
	s10 =	sld [smem:$0x3FAD]  }
0x3d: {  	_ =	shalt  }
0x3e: {  	_ =	shalt  }
0x3f: {  	_ =	shalt  }
0x40: {  	_ =	shalt  }
0x41: {  	_ =	shalt  }
0x42: {  	_ =	shalt  }
0x43: {  	_ =	shalt  }
0x44: {  	_ =	shalt  }
0x45: {  	_ =	shalt  }
0x46: {  	_ =	shalt  }
0x47: {  	_ =	shalt  }
0x48: {  	_ =	shalt  }
0x49: {  	_ =	shalt  }
0x4a: {  	_ =	shalt  }
0x4b: {  	_ =	shalt  }
0x4c: {  	_ =	shalt  }
0x4d: {  	_ =	shalt  }
0x4e: {  	_ =	shalt  }
0x4f: {  	_ =	shalt  }
0x50: {  	_ =	shalt  }
0x51: {  	_ =	shalt  }
0x52: {  	_ =	shalt  }
0x53: {  	_ =	shalt  }
0x54: {  	_ =	shalt  }
0x55: {  	_ =	shalt  }
0x56: {  	_ =	shalt  }
0x57: {  	_ =	shalt  }
0x58: {  	_ =	shalt  }
0x59: {  	_ =	shalt  }
0x5a: {  	_ =	shalt  }
0x5b: {  	_ =	shalt  }
0x5c: {  	_ =	shalt  }
0x5d: {  	_ =	shalt  }
0x5e: {  	_ =	shalt  }
0x5f: {  	_ =	shalt  }
0x60: {  	_ =	shalt  }
0x61: {  	_ =	shalt  }
0x62: {  	_ =	shalt  }
0x63: {  	_ =	shalt  }
0x64: {  	_ =	shalt  }
0x65: {  	_ =	shalt  }
0x66: {  	_ =	shalt  }
0x67: {  	_ =	shalt  }
0x68: {  	_ =	shalt  }
0x69: {  	_ =	shalt  }
0x6a: {  	_ =	shalt  }
0x6b: {  	_ =	shalt  }
0x6c: {  	_ =	shalt  }
0x6d: {  	_ =	shalt  }
0x6e: {  	_ =	shalt  }
0x6f: {  	_ =	shalt  }
0x70: {  	_ =	shalt  }
0x71: {  	_ =	shalt  }
0x72: {  	_ =	shalt  }
0x73: {  	_ =	shalt  }
0x74: {  	_ =	shalt  }
0x75: {  	_ =	shalt  }
0x76: {  	_ =	shalt  }
0x77: {  	_ =	shalt  }
0x78: {  	_ =	shalt  }
0x79: {  	_ =	shalt  }
0x7a: {  	_ =	shalt  }
0x7b: {  	_ =	shalt  }
0x7c: {  	_ =	shalt  }
0x7d: {  	_ =	shalt  }
0x7e: {  	_ =	shalt  }
0x7f: {  	_ =	shalt  }
0x80: {  	_ =	shalt  }
0x81: {  	_ =	shalt  }
0x82: {  	_ =	shalt  }
0x83: {  	_ =	shalt  }
0x84: {  	_ =	shalt  }
0x85: {  	_ =	shalt  }
0x86: {  	_ =	shalt  }
0x87: {  	_ =	shalt  }
.Lfunc_end0:
.L_simem_size_0:
called_computation_lowered:
.L_overlay_start_0:
0x88: {  	s2 =	sld [smem:$0x3FD9]  }
0x89: {  	s3 =	sld [smem:$0x3FFE];
	_ =	sdelay $0x1  }
0x8a: {  	s1 =	srdreg.scid  }
0x8b: {  	s0 =	sand.u32 $0x1, s1  }
0x8c: {  	s16 =	sshll.u32 s0, $0xA;
	s2 =	sadd.s32 s3, s2  }
0x8d: {  	s2 =	sadd.s32 s2, s16  }
0x8e: {  	[smem:$0x3FB9] =	sst s2  }
0x8f: {  	_ = 	snop  }
0x90: {  	(tm) =	ssettm $0x1  }
0x91: {  	s17 =	sld [smem:$0x3FFB];
	_ =	sdelay $0x3  }
0x92: {  	_ =	strace s17  }
0x93: {  	s2 =	sld [smem:$0x3FFC];
	_ =	sdelay $0x3  }
0x94: {  	_ =	strace s2  }
0x95: {  	s2 =	sld [smem:$0x3FFD];
	_ =	sdelay $0x3  }
0x96: {  	_ =	strace s2  }
0x97: {  	_ =	strace $0x8FFFFFFF  }
0x98: {  	s18 =	sld [smem:$0x3FDB];
	_ =	sdelay $0x1  }
0x99: {  	s19 =	simm.s32 $_scs_section_size  }
0x9a: {  	s4 =	simm.s32 $_size__tile_overlayer_lowered;
	s5 =	simm.s32 $_tile_overlayer_lowered  }
0x9b: {  	s22 =	simm.s32 $0x1BFF;
	s21 =	sshll.u32 s5, $0x1;
	s2 =	sadd.s32 s19, s18  }
0x9c: {  	s6 =	simm.s32 $0x0;
	s20 =	sshll.u32 s4, $0x1;
	s4 =	sadd.s32 s21, s2  }
0x9d: {  	[timem:s6], [sflag:s22] =	dma.local [hbm:s4], s20  }
0x9e: {  	_ =	swait.ge [sflag:s22], s20  }
0x9f: {  	s3 =	ssub.s32 $0x0, s20;
	[sflag:s22] =	ssyncset.done $0x0  }
0xa0: {  	[sflag:s22] =	ssyncadd.s32 s3;
	_ =	sdelay $0x1  }
0xa1: {  	s23 =	simm.s32 $0x1B8B  }
0xa2: {  	_ =	swait.ge [sflag:s23], $0x1  }
0xa3: {  	[sflag:s23] =	ssyncset.done $0x0  }
0xa4: {  	s25 =	simm.s32 $0x1B8E;
	s24 =	sld [smem:$0x3FFE];
	[sflag:s23] =	ssyncadd.s32 $0xFFFFFFFF  }
0xa5: {  	s26 =	simm.s32 $execute0_lowered;
	[smem:$0x3FD2] =	sst s25  }
0xa6: {  	s4 =	sshll.u32 s26, $0x1;
	_ =	strace $0x80000046;
	[dreg:$0x1] =	wrdreg $0xFFFFFFFF  }
0xa7: {  	s28 =	simm.s32 $_size_execute0_lowered;
	s2 =	sadd.s32 s2, s4;
	[dreg:$0x0] =	wrdreg $0x0  }
0xa8: {  	s4 =	sshll.u32 s28, $0x1;
	[dreg:$0x2] =	wrdreg s2  }
0xa9: {  	[dreg:$0x3] =	wrdreg s4  }
0xaa: {  	[dreg:$0x4] =	wrdreg $0xC0  }
0xab: {  	_ =	task [dreg:s6], $0x5FFFF  }
0xac: {  	[dreg:$0x1] =	wrdreg $0xFFFFFFFF  }
0xad: {  	[dreg:$0x0] =	wrdreg $0x60  }
0xae: {  	[dreg:$0x2] =	wrdreg s24  }
0xaf: {  	[dreg:$0x3] =	wrdreg $0x68000  }
0xb0: {  	[dreg:$0x4] =	wrdreg $0x9  }
0xb1: {  	_ =	task.clear_ibuf [dreg:s6], $0x5FFFF;
	_ =	strace $0x90000046  }
0xb2: {  	s29 =	simm.s32 $0x9;
	_ =	strace $0x80000048  }
0xb3: {  	_ =	swait.ge [sflag:s29], $0x1  }
0xb4: {  	[sflag:s29] =	ssyncadd.s32 $0xFFFFFFFF  }
0xb5: {  	_ =	strace $0x90000048  }
0xb6: {  	_ =	sfence  }
0xb7: {  	s30 =	sld [smem:$0x0];
	_ =	sdelay $0x2  }
0xb8: {  	s31 =	sshll.u32 s1, $0xD;
	s1 =	sshrl.u32 s1, $0x2  }
0xb9: {  	s3 =	sand.u32 $0x4000, s31;
	s1 =	sadd.s32 s1, s30  }
0xba: {  	s0 =	sor.u32 s3, s0;
	s1 =	sshll.u32 s1, $0x11  }
0xbb: {  	s0 =	sor.u32 s1, s0  }
0xbc: {  	s0 =	sadd.s32 $0x8F2B, s0  }
0xbd: {  	[sflag:s0] =	ssyncadd.remote.s32 $0x1  }
0xbe: {  	_ =	sfence.sel $0xFFFF  }
0xbf: {  	[dreg:$0x0] =	wrdreg $0xFFFFFFFF;
	(pc) =	sbr.abs _section_cstart, $3  }
0xc0: {  	[dreg:$0x1] =	wrdreg $0xFFFFFFFF  }
0xc1: {  	_ =	task.clear_ibuf [dreg:s6], $0x2FFFF;
	_ =	strace $0x9FFFFFFF  }
0xc2: {  	(tm) =	ssettm $0x7FFFFFFF  }
0xc3: {  	_ =	shalt  }
tec
execute0_lowered:
.L_overlay_start_1:
0x0: {  	(tag) =	ssettag $0x1  }
0x1: {  	s0 =	srdreg.scid;
	s4 =	rddreg [dreg:$0x0]  }
0x2: {  	s2 =	rddreg [dreg:$0x1];
	s5 =	sand.u32 $0x1, s0  }
0x3: {  	s0 =	stileid.u32;
	s6 =	smul.u32 $0x28000, s5  }
0x4: {  	s1 =	rddreg [dreg:$0x2];
	s3 =	simm.s32 $0x0;
	s7 =	smul.u32 $0x2800, s0  }
0x5: {  	s12 =	simm.s32 $0x1;
	s13 =	simm.s32 $0x2800;
	s8 =	smul.u32 $0x140000, s5  }
0x6: {  	s14 =	simm.s32 $0x80;
	s17 =	simm.s32 $0x0;
	s29 =	smul.u32 $0x14000, s0  }
0x7: {  	[smem:$0x7FF] =	sst s3;
	s9 =	smul.u32 $0x50000, s0;
	s5 =	ssub.s32 $0x2, s5  }
0x8: {  	_ =	strace $0x80000047;
	s15 =	sshll.u32 s0, $0x6;
	s31 =	sshrl.u32 s5, $0x1  }
0x9: {  	s15 =	sor.u32 $0x1C01, s15;
	s6 =	sadd.s32 s7, s6;
	s7 =	sadd.s32 s29, s8  }
0xa: {  	s30 =	sshrl.u32 s9, $0x2;
	s11 =	ssub.s32 s5, s31;
	s6 =	sshrl.u32 s6, $0x3  }
0xb: {  	s7 =	sshrl.u32 s7, $0x3;
	s11 =	smax.u32 s11, $0x1;
	s6 =	sadd.s32 s6, s4  }
0xc: {  	s10 =	sadd.s32 s7, s4;
	s4 =	sadd.s32 s30, s2;
	s5 =	sadd.s32 $0x9000, s6  }
0xd: {  	s6 =	sadd.s32 $0x4000, s4;
	s7 =	sadd.s32 $0x8000, s4;
	s8 =	sadd.s32 $0xC000, s4  }
0xe: {  	v0 =	vimm.f32 $0.0e+00;
	v1 =	vimm.f32 $1.000000000e+00;
	s9 =	sadd.s32 $0x10000, s4;
	s10 =	sadd.s32 $0x1D000, s10;
	s16 =	sshrl.u32 s4, $0x3  }
.LBB2_1:
0xf: {  	[tilespmem:s3], [sflag:$0x1] =	stream.linear.gather [hbm4b:s5+s3], $0x2800, $0x38;
	[tilespmem:$0x1A800] =	vst v63  }
0x10: {  	s18 =	sand.u32 $0xFE00, s3;
	s19 =	sand.u32 $0x70, s3;
	_ =	swait.ge [sflag:s12], $0x2800  }
0x11: {  	s20 =	sshrl.u32 s18, $0x2;
	s18 =	simm.s32 $0x40;
	[sflag:s12] =	ssyncset.done $0x0  }
0x12: {  	s20 =	sor.u32 s19, s20;
	s19 =	simm.s32 $0x0;
	[sflag:s12] =	ssyncadd.s32 $0xFFFFD800  }
.LBB2_2:
0x13: {  	p0 =	sne.s32 s18, $0xFFC0  }
0x14: {  	[tilespmem:s20+$0x2800] =	vst v0;
	s19 =	sadd.s32 $0x10, s19;
	s20 =	smov.u32 s18;
	s18 =	sadd.s32 $0x40, s18  }
.Ltmp0:
0x15: {  	(pc) =	sbr.rel @p0 .LBB2_2-.Ltmp0, $4  }
0x16: {  	_ = 	snop  }
0x17: {  	s20 =	sand.u32 $0xFE00, s20  }
0x18: {  	s21 =	sand.u32 $0x70, s19;
	s20 =	sshrl.u32 s20, $0x2  }
0x19: {  	s20 =	sor.u32 s21, s20  }
0x1a: {  	[tilespmem:s20+$0x2800] =	vst v0  }
0x1b: {  	[spmem:s4] =	stream.linear.scatter [tilespmem:s13], [sflag:$0x1], $0x4000, $0x38;
	[tilespmem:$0x1A800] =	vst v63  }
0x1c: {  	_ =	swait.ge [sflag:s12], $0x4000  }
0x1d: {  	[sflag:s12] =	ssyncset.done $0x0  }
0x1e: {  	[sflag:s12] =	ssyncadd.s32 $0xFFFFC000  }
0x1f: {  	[spmem:s6] =	stream.linear.scatter [tilespmem:s13], [sflag:$0x1], $0x4000, $0x38;
	[tilespmem:$0x1A800] =	vst v63  }
0x20: {  	_ =	swait.ge [sflag:s12], $0x4000  }
0x21: {  	[sflag:s12] =	ssyncset.done $0x0  }
0x22: {  	[sflag:s12] =	ssyncadd.s32 $0xFFFFC000  }
0x23: {  	[spmem:s7] =	stream.linear.scatter [tilespmem:s13], [sflag:$0x1], $0x4000, $0x38;
	[tilespmem:$0x1A800] =	vst v63  }
0x24: {  	_ =	swait.ge [sflag:s12], $0x4000  }
0x25: {  	[sflag:s12] =	ssyncset.done $0x0  }
0x26: {  	[sflag:s12] =	ssyncadd.s32 $0xFFFFC000  }
0x27: {  	[spmem:s8] =	stream.linear.scatter [tilespmem:s13], [sflag:$0x1], $0x4000, $0x38;
	[tilespmem:$0x1A800] =	vst v63  }
0x28: {  	_ =	swait.ge [sflag:s12], $0x4000  }
0x29: {  	[sflag:s12] =	ssyncset.done $0x0  }
0x2a: {  	s18 =	simm.s32 $0x0;
	[sflag:s12] =	ssyncadd.s32 $0xFFFFC000  }
0x2b: {  	[spmem:s9] =	stream.linear.scatter [tilespmem:s13], [sflag:$0x1], $0x4000, $0x38;
	[tilespmem:$0x1A800] =	vst v63  }
0x2c: {  	s19 =	sand.u32 $0xFE00, s18;
	_ =	swait.ge [sflag:s12], $0x4000  }
0x2d: {  	s31 =	sand.u32 $0x70, s18;
	s21 =	sshrl.u32 s19, $0x2;
	[sflag:s12] =	ssyncset.done $0x0  }
0x2e: {  	s19 =	simm.s32 $0x40;
	s20 =	sor.u32 s31, s21;
	[sflag:s12] =	ssyncadd.s32 $0xFFFFC000  }
.LBB2_4:
0x2f: {  	p0 =	sne.s32 s19, $0xFFC0  }
0x30: {  	[tilespmem:s20+$0x2800] =	vst v1;
	s18 =	sadd.s32 $0x10, s18;
	s20 =	smov.u32 s19;
	s19 =	sadd.s32 $0x40, s19  }
.Ltmp1:
0x31: {  	(pc) =	sbr.rel @p0 .LBB2_4-.Ltmp1, $4  }
0x32: {  	_ = 	snop  }
0x33: {  	s20 =	sand.u32 $0xFE00, s20  }
0x34: {  	s21 =	sand.u32 $0x70, s18;
	s20 =	sshrl.u32 s20, $0x2  }
0x35: {  	s20 =	sor.u32 s21, s20  }
0x36: {  	[tilespmem:s20+$0x2800] =	vst v1  }
0x37: {  	s18 =	simm.s32 $0x0;
	[bflag:$0x0] =	sbarrier.arrive $0xFFFF  }
0x38: {  	[spmem:s2] =	stream.indirect.scatter.add.f32 [tilespmem:s13], [sflag:$0x1], $0x80, s18, s14, $0xb8;
	[tilespmem:$0x1A800] =	vst v63  }
0x39: {  	_ =	swait.ge [sflag:s12], $0x4000  }
0x3a: {  	s18 =	simm.s32 $0x200;
	[sflag:s12] =	ssyncset.done $0x0  }
.LBB2_6:
0x3b: {  	s19 =	sshra.s32 s18, $0x2;
	[sflag:s12] =	ssyncadd.s32 $0xFFFFC000;
	p0 =	sne.s32 s18, $0x9E00  }
0x3c: {  	[spmem:s2] =	stream.indirect.scatter.add.f32 [tilespmem:s13], [sflag:$0x1], $0x80, s19, s14, $0xb8;
	[tilespmem:$0x1A800] =	vst v63  }
.Ltmp2:
0x3d: {  	_ = 	snop;
	(pc) =	sbr.rel @p0 .LBB2_6-.Ltmp2, $4  }
0x3e: {  	_ = 	snop  }
0x3f: {  	s18 =	sadd.s32 $0x200, s18  }
0x40: {  	_ =	swait.ge [sflag:s12], $0x4000  }
0x41: {  	[sflag:s12] =	ssyncset.done $0x0  }
0x42: {  	s17 =	sadd.s32 $0x1, s17  }
0x43: {  	[sflag:s12] =	ssyncadd.s32 $0xFFFFC000;
	p0 =	sne.s32 s17, s11  }
.Ltmp3:
0x44: {  	[bflag:$0x0] =	sbarrier.arrive $0xFFFF;
	(pc) =	sbr.rel @p0 .LBB2_1-.Ltmp3, $4  }
0x45: {  	[hbm:s10], [sflag:s15] =	dma.local [spmem:s16], $0x2800  }
0x46: {  	_ =	swait.ge [sflag:s12], $0x2800  }
0x47: {  	[sflag:s12] =	ssyncset.done $0x0  }
0x48: {  	[sflag:s12] =	ssyncadd.s32 $0xFFFFD800  }
0x49: {  	_ =	sfence.sel $0x180000  }
0x4a: {  	[bflag:$0x0] =	sbarrier.arrive $0xFFFF  }
0x4b: {  	p0 =	sne.s32 s0, $0x0;
	_ =	strace $0x90000047  }
0x4c: {  	s0 =	sadd.s32 @!p0 $0x100000, s1;
	[bflag:$0x2] =	sbarrier.arrive $0xFFFF  }
0x4d: {  	[sflag:s0] =	ssyncadd.tile.s32 @!p0 $0x1;
	_ =	shalt  }
.Lfunc_end2:
_tile_overlayer_lowered:
.L_overlay_start_2:
0x4e: {  	(tag) =	ssettag $0x2  }
0x4f: {  	s0 =	rddreg [dreg:$0x0];
	s2 =	stileid.u32  }
0x50: {  	s1 =	rddreg [dreg:$0x1];
	p0 =	sne.s32 s2, $0x0  }
0x51: {  	s3 =	rddreg [dreg:$0x2];
	[bflag:$0x3] =	sbarrier.arrive $0xFFFF;
	s2 =	simm.s32 @!p0 $0x1C01  }
0x52: {  	[timem:s3], [sflag:s2] =	dma.local @!p0 [hbm:s0], s1  }
0x53: {  	s0 =	simm.s32 @!p0 $0x1  }
0x54: {  	_ =	swait.ge @!p0 [sflag:s0], s1  }
0x55: {  	s1 =	ssub.s32 @!p0 $0x0, s1;
	[sflag:s0] =	ssyncset.done @!p0 $0x0  }
0x56: {  	[sflag:s0] =	ssyncadd.s32 @!p0 s1  }
0x57: {  	[bflag:$0x3] =	sbarrier.arrive $0xFFFF  }
0x58: {  	_ =	shalt  }

// kernel: kernel.13.cloned.1.call-start
scs
__scs_entry_jumppad:
0x0: {  	(pc) =	sbr.rel $0x88, $3  }
0x1: {  	(tag) =	ssettag $0x0;
	lr =	simm.s32 $0x1  }
0x2: {  	[smem:$0x3F92] =	sst lr;
	_ =	strace $0xD0000000  }
0x3: {  	_ = 	snop  }
0x4: {  	_ = 	snop  }
0x5: {  	_ = 	snop  }
0x6: {  	_ = 	snop  }
0x7: {  	_ = 	snop  }
__scs_overlays_trampoline_lowered:
0x8: {  	[smem:$0x3FA1] =	sst s0  }
0x9: {  	[smem:$0x3FA2] =	sst s1  }
0xa: {  	[smem:$0x3FA3] =	sst s2  }
0xb: {  	[smem:$0x3FA4] =	sst s3  }
0xc: {  	[smem:$0x3FA5] =	sst s4  }
0xd: {  	[smem:$0x3FA6] =	sst s5  }
0xe: {  	[smem:$0x3FA7] =	sst s6  }
0xf: {  	[smem:$0x3FA8] =	sst s7  }
0x10: {  	[smem:$0x3FA9] =	sst s8  }
0x11: {  	[smem:$0x3FAA] =	sst s9;
	s0 =	simm.s32 @!p0 $0x0  }
0x12: {  	s1 =	sld [smem:$0x3F90];
	s0 =	simm.s32 @p0 $0x1  }
0x13: {  	[smem:$0x3FAB] =	sst s0;
	s0 =	simm.s32 @!p1 $0x0  }
0x14: {  	s2 =	sld [smem:$0x3F8F];
	s0 =	simm.s32 @p1 $0x1  }
0x15: {  	[smem:$0x3FAC] =	sst s0;
	s0 =	simm.s32 @!p2 $0x0  }
0x16: {  	s3 =	sld [smem:$0x3FDB];
	s0 =	simm.s32 @p2 $0x1  }
0x17: {  	s4 =	simm.s32 $0x1BF5;
	[smem:$0x3FAE] =	sst s0  }
0x18: {  	s0 =	sld [smem:$0x3F91];
	_ =	swait.ge [sflag:s4], $0x0  }
0x19: {  	s7 =	sld [smem:$0x3F92]  }
0x1a: {  	s8 =	sadd.s32 $0xFFFFE003, lr  }
0x1b: {  	s9 =	sadd.s32 $0xFFFFFEF7, lr;
	s5 =	simm.s32 $0xFFFFFFFF;
	p2 =	slt.u32 s8, $0xFFFFF086  }
0x1c: {  	p1 =	slt.u32 s9, $0xF7A;
	s5 =	simm.s32 @!p2 $0x0  }
0x1d: {  	s5 =	simm.s32 @p1 $0x1;
	p0 =	seq.s32 s7, s2  }
0x1e: {  	s7 =	smul.u32 @!p0 $0xF7A, s2;
	p2 =	seq.s32 @!p0 s5, $0x0  }
0x1f: {  	s9 =	smul.u32 $0xF7A, s1;
	s8 =	simm.s32 @!p0 $0x1BF5;
	p2 =	por !p2, p0  }
0x20: {  	[sflag:s8] =	ssyncset.s32 @!p0 $0xFFFFF086;
	s6 =	sadd.s32 @!p0 s3, s7;
	s7 =	simm.s32 @!p0 $0x108  }
0x21: {  	s3 =	sadd.s32 s3, s9;
	s6 =	sadd.s32 @!p0 $0x88, s6;
	s7 =	simm.s32 @p2 $0x1082  }
0x22: {  	[simem:s7], [sflag:s8] =	dma.local @!p0 [hbm:s6], $0xF7A  }
0x23: {  	s9 =	sor.u32 $0xD0000000, s2;
	s6 =	simm.s32 $0x108;
	_ =	swait.ge @!p0 [sflag:s8], $0x0  }
0x24: {  	s3 =	sadd.s32 $0x88, s3;
	s6 =	simm.s32 @!p1 $0x1082;
	[sflag:s4] =	ssyncset.s32 $0xFFFFF086  }
0x25: {  	[simem:s6], [sflag:s4] =	dma.local [hbm:s3], $0xF7A  }
0x26: {  	[smem:$0x3F92] =	sst s1;
	(tag) =	ssettag s2;
	_ =	strace s9  }
0x27: {  	s1 =	sld [smem:$0x3FA2]  }
0x28: {  	s2 =	sld [smem:$0x3FA3]  }
0x29: {  	s4 =	sld [smem:$0x3FA5]  }
0x2a: {  	p0 =	seq.s32 s5, $0x0;
	s5 =	sld [smem:$0x3FA6]  }
0x2b: {  	s6 =	sld [smem:$0x3FA7]  }
0x2c: {  	s7 =	sld [smem:$0x3FA8]  }
0x2d: {  	s3 =	simm.s32 $0x108;
	s8 =	sld [smem:$0x3FA9]  }
0x2e: {  	s3 =	simm.s32 @!p0 $0x1082;
	s9 =	sld [smem:$0x3FAA]  }
0x2f: {  	lr =	sadd.s32 s0, s3;
	s0 =	sld [smem:$0x3FA1]  }
0x30: {  	s3 =	sld [smem:$0x3FA4]  }
0x31: {  	[smem:$0x3FAD] =	sst s10  }
0x32: {  	s10 =	sld [smem:$0x3FAB];
	_ =	sdelay $0x3  }
0x33: {  	p0 =	seq.s32 s10, $0x1;
	s10 =	sld [smem:$0x3FAD];
	_ =	sdelay $0x3  }
0x34: {  	[smem:$0x3FAD] =	sst s10  }
0x35: {  	s10 =	sld [smem:$0x3FAC];
	_ =	sdelay $0x3  }
0x36: {  	p1 =	seq.s32 s10, $0x1;
	s10 =	sld [smem:$0x3FAD];
	_ =	sdelay $0x3  }
0x37: {  	[smem:$0x3FAD] =	sst s10  }
0x38: {  	s10 =	sld [smem:$0x3FAE]  }
0x39: {  	_ = 	snop;
	(pc) =	sbr.ind lr, $3  }
0x3a: {  	_ = 	snop  }
0x3b: {  	_ = 	snop  }
0x3c: {  	p2 =	seq.s32 s10, $0x1;
	s10 =	sld [smem:$0x3FAD]  }
0x3d: {  	_ =	shalt  }
0x3e: {  	_ =	shalt  }
0x3f: {  	_ =	shalt  }
0x40: {  	_ =	shalt  }
0x41: {  	_ =	shalt  }
0x42: {  	_ =	shalt  }
0x43: {  	_ =	shalt  }
0x44: {  	_ =	shalt  }
0x45: {  	_ =	shalt  }
0x46: {  	_ =	shalt  }
0x47: {  	_ =	shalt  }
0x48: {  	_ =	shalt  }
0x49: {  	_ =	shalt  }
0x4a: {  	_ =	shalt  }
0x4b: {  	_ =	shalt  }
0x4c: {  	_ =	shalt  }
0x4d: {  	_ =	shalt  }
0x4e: {  	_ =	shalt  }
0x4f: {  	_ =	shalt  }
0x50: {  	_ =	shalt  }
0x51: {  	_ =	shalt  }
0x52: {  	_ =	shalt  }
0x53: {  	_ =	shalt  }
0x54: {  	_ =	shalt  }
0x55: {  	_ =	shalt  }
0x56: {  	_ =	shalt  }
0x57: {  	_ =	shalt  }
0x58: {  	_ =	shalt  }
0x59: {  	_ =	shalt  }
0x5a: {  	_ =	shalt  }
0x5b: {  	_ =	shalt  }
0x5c: {  	_ =	shalt  }
0x5d: {  	_ =	shalt  }
0x5e: {  	_ =	shalt  }
0x5f: {  	_ =	shalt  }
0x60: {  	_ =	shalt  }
0x61: {  	_ =	shalt  }
0x62: {  	_ =	shalt  }
0x63: {  	_ =	shalt  }
0x64: {  	_ =	shalt  }
0x65: {  	_ =	shalt  }
0x66: {  	_ =	shalt  }
0x67: {  	_ =	shalt  }
0x68: {  	_ =	shalt  }
0x69: {  	_ =	shalt  }
0x6a: {  	_ =	shalt  }
0x6b: {  	_ =	shalt  }
0x6c: {  	_ =	shalt  }
0x6d: {  	_ =	shalt  }
0x6e: {  	_ =	shalt  }
0x6f: {  	_ =	shalt  }
0x70: {  	_ =	shalt  }
0x71: {  	_ =	shalt  }
0x72: {  	_ =	shalt  }
0x73: {  	_ =	shalt  }
0x74: {  	_ =	shalt  }
0x75: {  	_ =	shalt  }
0x76: {  	_ =	shalt  }
0x77: {  	_ =	shalt  }
0x78: {  	_ =	shalt  }
0x79: {  	_ =	shalt  }
0x7a: {  	_ =	shalt  }
0x7b: {  	_ =	shalt  }
0x7c: {  	_ =	shalt  }
0x7d: {  	_ =	shalt  }
0x7e: {  	_ =	shalt  }
0x7f: {  	_ =	shalt  }
0x80: {  	_ =	shalt  }
0x81: {  	_ =	shalt  }
0x82: {  	_ =	shalt  }
0x83: {  	_ =	shalt  }
0x84: {  	_ =	shalt  }
0x85: {  	_ =	shalt  }
0x86: {  	_ =	shalt  }
0x87: {  	_ =	shalt  }
.Lfunc_end0:
.L_simem_size_0:
called_computation.1_lowered:
.L_overlay_start_0:
0x88: {  	s2 =	sld [smem:$0x3FD9]  }
0x89: {  	s3 =	sld [smem:$0x3FFE];
	_ =	sdelay $0x1  }
0x8a: {  	s1 =	srdreg.scid  }
0x8b: {  	s0 =	sand.u32 $0x1, s1  }
0x8c: {  	s16 =	sshll.u32 s0, $0xA;
	s2 =	sadd.s32 s3, s2  }
0x8d: {  	s2 =	sadd.s32 s2, s16  }
0x8e: {  	[smem:$0x3FB9] =	sst s2  }
0x8f: {  	_ = 	snop  }
0x90: {  	(tm) =	ssettm $0x1  }
0x91: {  	s17 =	sld [smem:$0x3FFB];
	_ =	sdelay $0x3  }
0x92: {  	_ =	strace s17  }
0x93: {  	s2 =	sld [smem:$0x3FFC];
	_ =	sdelay $0x3  }
0x94: {  	_ =	strace s2  }
0x95: {  	s2 =	sld [smem:$0x3FFD];
	_ =	sdelay $0x3  }
0x96: {  	_ =	strace s2  }
0x97: {  	_ =	strace $0x8FFFFFFF  }
0x98: {  	s18 =	sld [smem:$0x3FDB];
	_ =	sdelay $0x1  }
0x99: {  	s19 =	simm.s32 $_scs_section_size  }
0x9a: {  	s4 =	simm.s32 $_size__tile_overlayer_lowered;
	s5 =	simm.s32 $_tile_overlayer_lowered  }
0x9b: {  	s22 =	simm.s32 $0x1BFF;
	s21 =	sshll.u32 s5, $0x1;
	s2 =	sadd.s32 s19, s18  }
0x9c: {  	s6 =	simm.s32 $0x0;
	s20 =	sshll.u32 s4, $0x1;
	s4 =	sadd.s32 s21, s2  }
0x9d: {  	[timem:s6], [sflag:s22] =	dma.local [hbm:s4], s20  }
0x9e: {  	_ =	swait.ge [sflag:s22], s20  }
0x9f: {  	s3 =	ssub.s32 $0x0, s20;
	[sflag:s22] =	ssyncset.done $0x0  }
0xa0: {  	[sflag:s22] =	ssyncadd.s32 s3;
	_ =	sdelay $0x1  }
0xa1: {  	s23 =	simm.s32 $0x1B8B  }
0xa2: {  	_ =	swait.ge [sflag:s23], $0x1  }
0xa3: {  	[sflag:s23] =	ssyncset.done $0x0  }
0xa4: {  	s25 =	simm.s32 $0x1B8E;
	s24 =	sld [smem:$0x3FFE];
	[sflag:s23] =	ssyncadd.s32 $0xFFFFFFFF  }
0xa5: {  	s26 =	simm.s32 $execute0_lowered;
	[smem:$0x3FD2] =	sst s25  }
0xa6: {  	s4 =	sshll.u32 s26, $0x1;
	_ =	strace $0x80000049;
	[dreg:$0x1] =	wrdreg $0xFFFFFFFF  }
0xa7: {  	s28 =	simm.s32 $_size_execute0_lowered;
	s2 =	sadd.s32 s2, s4;
	[dreg:$0x0] =	wrdreg $0x0  }
0xa8: {  	s4 =	sshll.u32 s28, $0x1;
	[dreg:$0x2] =	wrdreg s2  }
0xa9: {  	[dreg:$0x3] =	wrdreg s4  }
0xaa: {  	[dreg:$0x4] =	wrdreg $0xC0  }
0xab: {  	_ =	task [dreg:s6], $0x5FFFF  }
0xac: {  	[dreg:$0x1] =	wrdreg $0xFFFFFFFF  }
0xad: {  	[dreg:$0x0] =	wrdreg $0x60  }
0xae: {  	[dreg:$0x2] =	wrdreg s24  }
0xaf: {  	[dreg:$0x3] =	wrdreg $0xA8000  }
0xb0: {  	[dreg:$0x4] =	wrdreg $0x9  }
0xb1: {  	_ =	task.clear_ibuf [dreg:s6], $0x5FFFF;
	_ =	strace $0x90000049  }
0xb2: {  	s29 =	simm.s32 $0x9;
	_ =	strace $0x8000004B  }
0xb3: {  	_ =	swait.ge [sflag:s29], $0x1  }
0xb4: {  	[sflag:s29] =	ssyncadd.s32 $0xFFFFFFFF  }
0xb5: {  	_ =	strace $0x9000004B  }
0xb6: {  	_ =	sfence  }
0xb7: {  	s30 =	sld [smem:$0x0];
	_ =	sdelay $0x2  }
0xb8: {  	s31 =	sshll.u32 s1, $0xD;
	s1 =	sshrl.u32 s1, $0x2  }
0xb9: {  	s3 =	sand.u32 $0x4000, s31;
	s1 =	sadd.s32 s1, s30  }
0xba: {  	s0 =	sor.u32 s3, s0;
	s1 =	sshll.u32 s1, $0x11  }
0xbb: {  	s0 =	sor.u32 s1, s0  }
0xbc: {  	s0 =	sadd.s32 $0x8F2B, s0  }
0xbd: {  	[sflag:s0] =	ssyncadd.remote.s32 $0x1  }
0xbe: {  	_ =	sfence.sel $0xFFFF  }
0xbf: {  	[dreg:$0x0] =	wrdreg $0xFFFFFFFF;
	(pc) =	sbr.abs _section_cstart, $3  }
0xc0: {  	[dreg:$0x1] =	wrdreg $0xFFFFFFFF  }
0xc1: {  	_ =	task.clear_ibuf [dreg:s6], $0x2FFFF;
	_ =	strace $0x9FFFFFFF  }
0xc2: {  	(tm) =	ssettm $0x7FFFFFFF  }
0xc3: {  	_ =	shalt  }
tec
execute0_lowered:
.L_overlay_start_1:
0x0: {  	(tag) =	ssettag $0x1  }
0x1: {  	s5 =	rddreg [dreg:$0x0]  }
0x2: {  	s0 =	srdreg.scid;
	s2 =	rddreg [dreg:$0x1]  }
0x3: {  	s1 =	rddreg [dreg:$0x2];
	s3 =	simm.s32 $0x0;
	s16 =	simm.s32 $0x3  }
0x4: {  	s17 =	simm.s32 $0x1400;
	s18 =	simm.s32 $0x80;
	s19 =	simm.s32 $0x2800  }
0x5: {  	s20 =	simm.s32 $0x6800;
	s21 =	simm.s32 $0x1;
	s6 =	sand.u32 $0x1, s0  }
0x6: {  	s22 =	simm.s32 $0x2;
	s0 =	stileid.u32;
	s4 =	smul.u32 $0x28000, s6  }
0x7: {  	s23 =	simm.s32 $0x2700;
	s24 =	simm.s32 $0x2780;
	s7 =	smul.u32 $0x2800, s0  }
0x8: {  	s25 =	simm.s32 $0x0;
	[smem:$0x7FF] =	sst s3;
	s8 =	smul.u32 $0x140000, s6  }
0x9: {  	_ =	strace $0x8000004A;
	s10 =	smul.u32 $0x14000, s0;
	s6 =	ssub.s32 $0x2, s6  }
0xa: {  	s28 =	smul.u32 $0x50000, s0;
	s30 =	sshrl.u32 s6, $0x1;
	s4 =	sadd.s32 s7, s4  }
0xb: {  	s7 =	sshrl.u32 s7, $0x3;
	s8 =	sadd.s32 s10, s8;
	s15 =	ssub.s32 s6, s30  }
0xc: {  	s31 =	sshrl.u32 s28, $0x2;
	s9 =	sshrl.u32 s4, $0x3;
	s4 =	sadd.s32 $0x6D000, s5  }
0xd: {  	s13 =	sadd.s32 s7, s5;
	s29 =	sshrl.u32 s8, $0x3;
	s7 =	sadd.s32 s31, s2  }
0xe: {  	s15 =	smax.u32 s15, $0x1;
	s12 =	sadd.s32 s9, s5;
	s14 =	sadd.s32 s29, s5  }
0xf: {  	s6 =	sadd.s32 $0x4000, s13;
	s8 =	sadd.s32 $0x4000, s7;
	s9 =	sadd.s32 $0x8000, s7  }
0x10: {  	s10 =	sadd.s32 $0xC000, s7;
	s11 =	sadd.s32 $0x10000, s7;
	s13 =	sadd.s32 $0x4280, s13  }
0x11: {  	v0 =	vimm.f32 $0.0e+00;
	s5 =	sadd.s32 $0x13000, s12;
	s12 =	sadd.s32 $0x13280, s12;
	s14 =	sadd.s32 $0xBD000, s14  }
.LBB2_1:
0x12: {  	[tilespmem:s3], [sflag:$0x3] =	stream.linear.gather [hbm4b:s5+s3], $0x1400, $0x38;
	[tilespmem:$0x1E800] =	vst v63  }
0x13: {  	_ =	swait.ge [sflag:s16], $0x1400  }
0x14: {  	[sflag:s16] =	ssyncset.done $0x0  }
0x15: {  	[sflag:s16] =	ssyncadd.s32 $0xFFFFEC00  }
0x16: {  	[tilespmem:s17], [sflag:$0x3] =	stream.linear.gather [hbm4b:s6+s3], $0x1400, $0x38;
	[tilespmem:$0x1E800] =	vst v63  }
0x17: {  	s26 =	sand.u32 $0xFE00, s3;
	s28 =	sand.u32 $0x70, s3;
	_ =	swait.ge [sflag:s16], $0x1400  }
0x18: {  	s29 =	sshrl.u32 s26, $0x2;
	s26 =	simm.s32 $0x40;
	[sflag:s16] =	ssyncset.done $0x0  }
0x19: {  	s29 =	sor.u32 s28, s29;
	s28 =	simm.s32 $0x0;
	[sflag:s16] =	ssyncadd.s32 $0xFFFFEC00  }
0x1a: {  	[tilespmem:s19], [sflag:$0x1] =	stream.indirect.gather [hbm4b:s4+s18], $0x80, s3, s18, $0xb8;
	[tilespmem:$0x1E800] =	vst v63  }
.LBB2_2:
0x1b: {  	p0 =	sne.s32 s26, $0xFFC0  }
0x1c: {  	[tilespmem:s29+$0x6800] =	vst v0;
	s28 =	sadd.s32 $0x10, s28;
	s29 =	smov.u32 s26;
	s26 =	sadd.s32 $0x40, s26  }
.Ltmp0:
0x1d: {  	(pc) =	sbr.rel @p0 .LBB2_2-.Ltmp0, $4  }
0x1e: {  	_ = 	snop  }
0x1f: {  	s29 =	sand.u32 $0xFE00, s29  }
0x20: {  	s30 =	sand.u32 $0x70, s28;
	s29 =	sshrl.u32 s29, $0x2  }
0x21: {  	s29 =	sor.u32 s30, s29  }
0x22: {  	[tilespmem:s29+$0x6800] =	vst v0  }
0x23: {  	[spmem:s7] =	stream.linear.scatter [tilespmem:s20], [sflag:$0x3], $0x4000, $0x38;
	[tilespmem:$0x1E800] =	vst v63  }
0x24: {  	_ =	swait.ge [sflag:s16], $0x4000  }
0x25: {  	[sflag:s16] =	ssyncset.done $0x0  }
0x26: {  	[sflag:s16] =	ssyncadd.s32 $0xFFFFC000  }
0x27: {  	[spmem:s8] =	stream.linear.scatter [tilespmem:s20], [sflag:$0x3], $0x4000, $0x38;
	[tilespmem:$0x1E800] =	vst v63  }
0x28: {  	_ =	swait.ge [sflag:s16], $0x4000  }
0x29: {  	[sflag:s16] =	ssyncset.done $0x0  }
0x2a: {  	[sflag:s16] =	ssyncadd.s32 $0xFFFFC000  }
0x2b: {  	[spmem:s9] =	stream.linear.scatter [tilespmem:s20], [sflag:$0x3], $0x4000, $0x38;
	[tilespmem:$0x1E800] =	vst v63  }
0x2c: {  	_ =	swait.ge [sflag:s16], $0x4000  }
0x2d: {  	[sflag:s16] =	ssyncset.done $0x0  }
0x2e: {  	[sflag:s16] =	ssyncadd.s32 $0xFFFFC000  }
0x2f: {  	[spmem:s10] =	stream.linear.scatter [tilespmem:s20], [sflag:$0x3], $0x4000, $0x38;
	[tilespmem:$0x1E800] =	vst v63  }
0x30: {  	_ =	swait.ge [sflag:s16], $0x4000  }
0x31: {  	[sflag:s16] =	ssyncset.done $0x0  }
0x32: {  	[sflag:s16] =	ssyncadd.s32 $0xFFFFC000  }
0x33: {  	[spmem:s11] =	stream.linear.scatter [tilespmem:s20], [sflag:$0x3], $0x4000, $0x38;
	[tilespmem:$0x1E800] =	vst v63  }
0x34: {  	_ =	swait.ge [sflag:s16], $0x4000  }
0x35: {  	[sflag:s16] =	ssyncset.done $0x0  }
0x36: {  	[sflag:s16] =	ssyncadd.s32 $0xFFFFC000  }
0x37: {  	[tilespmem:s20], [sflag:$0x2] =	stream.indirect.gather [hbm4b:s4+s18], $0x80, s18, s18, $0xb8;
	[tilespmem:$0x1E800] =	vst v63  }
0x38: {  	[bflag:$0x0] =	sbarrier.arrive $0xFFFF  }
0x39: {  	_ =	swait.ge [sflag:s21], $0x4000  }
0x3a: {  	[sflag:s21] =	ssyncset.done $0x0  }
0x3b: {  	s26 =	simm.s32 $0x1400;
	[sflag:s21] =	ssyncadd.s32 $0xFFFFC000  }
0x3c: {  	[spmem:s2] =	stream.indirect.scatter.add.f32 [tilespmem:s19], [sflag:$0x3], $0x80, s26, s18, $0xb8;
	[tilespmem:$0x1E800] =	vst v63  }
0x3d: {  	_ =	swait.ge [sflag:s16], $0x4000  }
0x3e: {  	[sflag:s16] =	ssyncset.done $0x0  }
0x3f: {  	s30 =	simm.s32 $0x100;
	[sflag:s16] =	ssyncadd.s32 $0xFFFFC000  }
0x40: {  	[tilespmem:s19], [sflag:$0x1] =	stream.indirect.gather [hbm4b:s4+s18], $0x80, s30, s18, $0xb8;
	[tilespmem:$0x1E800] =	vst v63  }
0x41: {  	_ =	swait.ge [sflag:s22], $0x4000  }
0x42: {  	[sflag:s22] =	ssyncset.done $0x0  }
0x43: {  	s31 =	simm.s32 $0x1480;
	[sflag:s22] =	ssyncadd.s32 $0xFFFFC000  }
0x44: {  	[spmem:s2] =	stream.indirect.scatter.add.f32 [tilespmem:s20], [sflag:$0x3], $0x80, s31, s18, $0xb8;
	[tilespmem:$0x1E800] =	vst v63  }
0x45: {  	_ =	swait.ge [sflag:s16], $0x4000  }
0x46: {  	[sflag:s16] =	ssyncset.done $0x0  }
0x47: {  	s28 =	simm.s32 $0x180;
	s26 =	simm.s32 $0x400;
	[sflag:s16] =	ssyncadd.s32 $0xFFFFC000  }
.LBB2_4:
0x48: {  	[tilespmem:s20], [sflag:$0x2] =	stream.indirect.gather [hbm4b:s4+s18], $0x80, s28, s18, $0xb8;
	[tilespmem:$0x1E800] =	vst v63  }
0x49: {  	s28 =	smov.u32 s26  }
0x4a: {  	p0 =	sne.s32 s26, $0x4800;
	s26 =	sadd.s32 $0x400, s26;
	_ =	swait.ge [sflag:s21], $0x4000  }
0x4b: {  	s28 =	sshra.s32 s28, $0x2;
	[sflag:s21] =	ssyncset.done $0x0  }
0x4c: {  	s29 =	sadd.s32 $0x1400, s28;
	[sflag:s21] =	ssyncadd.s32 $0xFFFFC000  }
0x4d: {  	[spmem:s2] =	stream.indirect.scatter.add.f32 [tilespmem:s19], [sflag:$0x3], $0x80, s29, s18, $0xb8;
	[tilespmem:$0x1E800] =	vst v63  }
0x4e: {  	_ =	swait.ge [sflag:s16], $0x4000  }
0x4f: {  	[sflag:s16] =	ssyncset.done $0x0  }
0x50: {  	s29 =	sadd.s32 $0x100, s28;
	[sflag:s16] =	ssyncadd.s32 $0xFFFFC000  }
0x51: {  	[tilespmem:s19], [sflag:$0x1] =	stream.indirect.gather [hbm4b:s4+s18], $0x80, s29, s18, $0xb8;
	[tilespmem:$0x1E800] =	vst v63  }
0x52: {  	_ =	swait.ge [sflag:s22], $0x4000  }
0x53: {  	[sflag:s22] =	ssyncset.done $0x0  }
.Ltmp1:
0x54: {  	s29 =	sadd.s32 $0x1480, s28;
	[sflag:s22] =	ssyncadd.s32 $0xFFFFC000;
	(pc) =	sbr.rel @p0 .LBB2_4-.Ltmp1, $4  }
0x55: {  	[spmem:s2] =	stream.indirect.scatter.add.f32 [tilespmem:s20], [sflag:$0x3], $0x80, s29, s18, $0xb8;
	[tilespmem:$0x1E800] =	vst v63  }
0x56: {  	_ =	swait.ge [sflag:s16], $0x4000  }
0x57: {  	[sflag:s16] =	ssyncset.done $0x0  }
0x58: {  	s28 =	sadd.s32 $0x180, s28;
	[sflag:s16] =	ssyncadd.s32 $0xFFFFC000  }
0x59: {  	[tilespmem:s20], [sflag:$0x2] =	stream.indirect.gather [hbm4b:s4+s18], $0x80, s28, s18, $0xb8;
	[tilespmem:$0x1E800] =	vst v63  }
0x5a: {  	_ =	swait.ge [sflag:s21], $0x4000  }
0x5b: {  	[sflag:s21] =	ssyncset.done $0x0  }
0x5c: {  	[sflag:s21] =	ssyncadd.s32 $0xFFFFC000  }
0x5d: {  	[spmem:s2] =	stream.indirect.scatter.add.f32 [tilespmem:s19], [sflag:$0x3], $0x80, s23, s18, $0xb8;
	[tilespmem:$0x1E800] =	vst v63  }
0x5e: {  	_ =	swait.ge [sflag:s16], $0x4000  }
0x5f: {  	[sflag:s16] =	ssyncset.done $0x0  }
0x60: {  	[sflag:s16] =	ssyncadd.s32 $0xFFFFC000  }
0x61: {  	_ =	swait.ge [sflag:s22], $0x4000  }
0x62: {  	[sflag:s22] =	ssyncset.done $0x0  }
0x63: {  	[sflag:s22] =	ssyncadd.s32 $0xFFFFC000  }
0x64: {  	[spmem:s2] =	stream.indirect.scatter.add.f32 [tilespmem:s20], [sflag:$0x3], $0x80, s24, s18, $0xb8;
	[tilespmem:$0x1E800] =	vst v63  }
0x65: {  	_ =	swait.ge [sflag:s16], $0x4000  }
0x66: {  	[sflag:s16] =	ssyncset.done $0x0  }
0x67: {  	s26 =	simm.s32 $0x0;
	[sflag:s16] =	ssyncadd.s32 $0xFFFFC000  }
0x68: {  	[tilespmem:s26], [sflag:$0x3] =	stream.linear.gather [hbm4b:s12+s26], $0x1400, $0x38;
	[tilespmem:$0x1E800] =	vst v63  }
0x69: {  	_ =	swait.ge [sflag:s16], $0x1400  }
0x6a: {  	[sflag:s16] =	ssyncset.done $0x0  }
0x6b: {  	[sflag:s16] =	ssyncadd.s32 $0xFFFFEC00  }
0x6c: {  	[tilespmem:s17], [sflag:$0x3] =	stream.linear.gather [hbm4b:s13+s26], $0x1400, $0x38;
	[tilespmem:$0x1E800] =	vst v63  }
0x6d: {  	_ =	swait.ge [sflag:s16], $0x1400  }
0x6e: {  	[sflag:s16] =	ssyncset.done $0x0  }
0x6f: {  	[sflag:s16] =	ssyncadd.s32 $0xFFFFEC00  }
0x70: {  	[tilespmem:s19], [sflag:$0x1] =	stream.indirect.gather [hbm4b:s4+s18], $0x80, s26, s18, $0xb8;
	[tilespmem:$0x1E800] =	vst v63  }
0x71: {  	_ = 	snop  }
0x72: {  	[tilespmem:s20], [sflag:$0x2] =	stream.indirect.gather [hbm4b:s4+s18], $0x80, s18, s18, $0xb8;
	[tilespmem:$0x1E800] =	vst v63  }
0x73: {  	_ =	swait.ge [sflag:s21], $0x4000  }
0x74: {  	[sflag:s21] =	ssyncset.done $0x0  }
0x75: {  	s29 =	simm.s32 $0x1400;
	[sflag:s21] =	ssyncadd.s32 $0xFFFFC000  }
0x76: {  	[spmem:s2] =	stream.indirect.scatter.add.f32 [tilespmem:s19], [sflag:$0x3], $0x80, s29, s18, $0xb8;
	[tilespmem:$0x1E800] =	vst v63  }
0x77: {  	_ =	swait.ge [sflag:s16], $0x4000  }
0x78: {  	[sflag:s16] =	ssyncset.done $0x0  }
0x79: {  	s30 =	simm.s32 $0x100;
	[sflag:s16] =	ssyncadd.s32 $0xFFFFC000  }
0x7a: {  	[tilespmem:s19], [sflag:$0x1] =	stream.indirect.gather [hbm4b:s4+s18], $0x80, s30, s18, $0xb8;
	[tilespmem:$0x1E800] =	vst v63  }
0x7b: {  	_ =	swait.ge [sflag:s22], $0x4000  }
0x7c: {  	[sflag:s22] =	ssyncset.done $0x0  }
0x7d: {  	s31 =	simm.s32 $0x1480;
	[sflag:s22] =	ssyncadd.s32 $0xFFFFC000  }
0x7e: {  	[spmem:s2] =	stream.indirect.scatter.add.f32 [tilespmem:s20], [sflag:$0x3], $0x80, s31, s18, $0xb8;
	[tilespmem:$0x1E800] =	vst v63  }
0x7f: {  	_ =	swait.ge [sflag:s16], $0x4000  }
0x80: {  	[sflag:s16] =	ssyncset.done $0x0  }
0x81: {  	s28 =	simm.s32 $0x180;
	s26 =	simm.s32 $0x400;
	[sflag:s16] =	ssyncadd.s32 $0xFFFFC000  }
.LBB2_6:
0x82: {  	[tilespmem:s20], [sflag:$0x2] =	stream.indirect.gather [hbm4b:s4+s18], $0x80, s28, s18, $0xb8;
	[tilespmem:$0x1E800] =	vst v63  }
0x83: {  	s28 =	smov.u32 s26  }
0x84: {  	p0 =	sne.s32 s26, $0x4800;
	s26 =	sadd.s32 $0x400, s26;
	_ =	swait.ge [sflag:s21], $0x4000  }
0x85: {  	s28 =	sshra.s32 s28, $0x2;
	[sflag:s21] =	ssyncset.done $0x0  }
0x86: {  	s29 =	sadd.s32 $0x1400, s28;
	[sflag:s21] =	ssyncadd.s32 $0xFFFFC000  }
0x87: {  	[spmem:s2] =	stream.indirect.scatter.add.f32 [tilespmem:s19], [sflag:$0x3], $0x80, s29, s18, $0xb8;
	[tilespmem:$0x1E800] =	vst v63  }
0x88: {  	_ =	swait.ge [sflag:s16], $0x4000  }
0x89: {  	[sflag:s16] =	ssyncset.done $0x0  }
0x8a: {  	s29 =	sadd.s32 $0x100, s28;
	[sflag:s16] =	ssyncadd.s32 $0xFFFFC000  }
0x8b: {  	[tilespmem:s19], [sflag:$0x1] =	stream.indirect.gather [hbm4b:s4+s18], $0x80, s29, s18, $0xb8;
	[tilespmem:$0x1E800] =	vst v63  }
0x8c: {  	_ =	swait.ge [sflag:s22], $0x4000  }
0x8d: {  	[sflag:s22] =	ssyncset.done $0x0  }
.Ltmp2:
0x8e: {  	s29 =	sadd.s32 $0x1480, s28;
	[sflag:s22] =	ssyncadd.s32 $0xFFFFC000;
	(pc) =	sbr.rel @p0 .LBB2_6-.Ltmp2, $4  }
0x8f: {  	[spmem:s2] =	stream.indirect.scatter.add.f32 [tilespmem:s20], [sflag:$0x3], $0x80, s29, s18, $0xb8;
	[tilespmem:$0x1E800] =	vst v63  }
0x90: {  	_ =	swait.ge [sflag:s16], $0x4000  }
0x91: {  	[sflag:s16] =	ssyncset.done $0x0  }
0x92: {  	s28 =	sadd.s32 $0x180, s28;
	[sflag:s16] =	ssyncadd.s32 $0xFFFFC000  }
0x93: {  	[tilespmem:s20], [sflag:$0x2] =	stream.indirect.gather [hbm4b:s4+s18], $0x80, s28, s18, $0xb8;
	[tilespmem:$0x1E800] =	vst v63  }
0x94: {  	_ =	swait.ge [sflag:s21], $0x4000  }
0x95: {  	[sflag:s21] =	ssyncset.done $0x0  }
0x96: {  	[sflag:s21] =	ssyncadd.s32 $0xFFFFC000  }
0x97: {  	[spmem:s2] =	stream.indirect.scatter.add.f32 [tilespmem:s19], [sflag:$0x3], $0x80, s23, s18, $0xb8;
	[tilespmem:$0x1E800] =	vst v63  }
0x98: {  	_ =	swait.ge [sflag:s16], $0x4000  }
0x99: {  	[sflag:s16] =	ssyncset.done $0x0  }
0x9a: {  	[sflag:s16] =	ssyncadd.s32 $0xFFFFC000  }
0x9b: {  	_ =	swait.ge [sflag:s22], $0x4000  }
0x9c: {  	[sflag:s22] =	ssyncset.done $0x0  }
0x9d: {  	[sflag:s22] =	ssyncadd.s32 $0xFFFFC000  }
0x9e: {  	[spmem:s2] =	stream.indirect.scatter.add.f32 [tilespmem:s20], [sflag:$0x3], $0x80, s24, s18, $0xb8;
	[tilespmem:$0x1E800] =	vst v63  }
0x9f: {  	_ =	swait.ge [sflag:s16], $0x4000  }
0xa0: {  	s26 =	sshll.u32 s0, $0x6;
	s25 =	sadd.s32 $0x1, s25;
	[sflag:s16] =	ssyncset.done $0x0  }
0xa1: {  	s31 =	sshrl.u32 s7, $0x3;
	p0 =	sne.s32 s25, s15;
	[sflag:s16] =	ssyncadd.s32 $0xFFFFC000  }
.Ltmp3:
0xa2: {  	s26 =	sor.u32 $0x1C03, s26;
	[bflag:$0x0] =	sbarrier.arrive $0xFFFF;
	(pc) =	sbr.rel @p0 .LBB2_1-.Ltmp3, $4  }
0xa3: {  	[hbm:s14], [sflag:s26] =	dma.local [spmem:s31], $0x2800  }
0xa4: {  	_ =	swait.ge [sflag:s16], $0x2800  }
0xa5: {  	[sflag:s16] =	ssyncset.done $0x0  }
0xa6: {  	[sflag:s16] =	ssyncadd.s32 $0xFFFFD800  }
0xa7: {  	_ =	sfence.sel $0x180000  }
0xa8: {  	[bflag:$0x0] =	sbarrier.arrive $0xFFFF  }
0xa9: {  	p0 =	sne.s32 s0, $0x0;
	_ =	strace $0x9000004A  }
0xaa: {  	s0 =	sadd.s32 @!p0 $0x100000, s1;
	[bflag:$0x2] =	sbarrier.arrive $0xFFFF  }
0xab: {  	[sflag:s0] =	ssyncadd.tile.s32 @!p0 $0x1;
	_ =	shalt  }
.Lfunc_end2:
_tile_overlayer_lowered:
.L_overlay_start_2:
0xac: {  	(tag) =	ssettag $0x2  }
0xad: {  	s0 =	rddreg [dreg:$0x0];
	s2 =	stileid.u32  }
0xae: {  	s1 =	rddreg [dreg:$0x1];
	p0 =	sne.s32 s2, $0x0  }
0xaf: {  	s3 =	rddreg [dreg:$0x2];
	[bflag:$0x3] =	sbarrier.arrive $0xFFFF;
	s2 =	simm.s32 @!p0 $0x1C03  }
0xb0: {  	[timem:s3], [sflag:s2] =	dma.local @!p0 [hbm:s0], s1  }
0xb1: {  	s0 =	simm.s32 @!p0 $0x3  }
0xb2: {  	_ =	swait.ge @!p0 [sflag:s0], s1  }
0xb3: {  	s1 =	ssub.s32 @!p0 $0x0, s1;
	[sflag:s0] =	ssyncset.done @!p0 $0x0  }
0xb4: {  	[sflag:s0] =	ssyncadd.s32 @!p0 s1  }
0xb5: {  	[bflag:$0x3] =	sbarrier.arrive $0xFFFF  }
0xb6: {  	_ =	shalt  }

// kernel: kernel.16.cloned.1.call-start
scs
__scs_entry_jumppad:
0x0: {  	(pc) =	sbr.rel $0x88, $3  }
0x1: {  	(tag) =	ssettag $0x0;
	lr =	simm.s32 $0x1  }
0x2: {  	[smem:$0x3F92] =	sst lr;
	_ =	strace $0xD0000000  }
0x3: {  	_ = 	snop  }
0x4: {  	_ = 	snop  }
0x5: {  	_ = 	snop  }
0x6: {  	_ = 	snop  }
0x7: {  	_ = 	snop  }
__scs_overlays_trampoline_lowered:
0x8: {  	[smem:$0x3FA1] =	sst s0  }
0x9: {  	[smem:$0x3FA2] =	sst s1  }
0xa: {  	[smem:$0x3FA3] =	sst s2  }
0xb: {  	[smem:$0x3FA4] =	sst s3  }
0xc: {  	[smem:$0x3FA5] =	sst s4  }
0xd: {  	[smem:$0x3FA6] =	sst s5  }
0xe: {  	[smem:$0x3FA7] =	sst s6  }
0xf: {  	[smem:$0x3FA8] =	sst s7  }
0x10: {  	[smem:$0x3FA9] =	sst s8  }
0x11: {  	[smem:$0x3FAA] =	sst s9;
	s0 =	simm.s32 @!p0 $0x0  }
0x12: {  	s1 =	sld [smem:$0x3F90];
	s0 =	simm.s32 @p0 $0x1  }
0x13: {  	[smem:$0x3FAB] =	sst s0;
	s0 =	simm.s32 @!p1 $0x0  }
0x14: {  	s2 =	sld [smem:$0x3F8F];
	s0 =	simm.s32 @p1 $0x1  }
0x15: {  	[smem:$0x3FAC] =	sst s0;
	s0 =	simm.s32 @!p2 $0x0  }
0x16: {  	s3 =	sld [smem:$0x3FDB];
	s0 =	simm.s32 @p2 $0x1  }
0x17: {  	s4 =	simm.s32 $0x1BF5;
	[smem:$0x3FAE] =	sst s0  }
0x18: {  	s0 =	sld [smem:$0x3F91];
	_ =	swait.ge [sflag:s4], $0x0  }
0x19: {  	s7 =	sld [smem:$0x3F92]  }
0x1a: {  	s8 =	sadd.s32 $0xFFFFE003, lr  }
0x1b: {  	s9 =	sadd.s32 $0xFFFFFEF7, lr;
	s5 =	simm.s32 $0xFFFFFFFF;
	p2 =	slt.u32 s8, $0xFFFFF086  }
0x1c: {  	p1 =	slt.u32 s9, $0xF7A;
	s5 =	simm.s32 @!p2 $0x0  }
0x1d: {  	s5 =	simm.s32 @p1 $0x1;
	p0 =	seq.s32 s7, s2  }
0x1e: {  	s7 =	smul.u32 @!p0 $0xF7A, s2;
	p2 =	seq.s32 @!p0 s5, $0x0  }
0x1f: {  	s9 =	smul.u32 $0xF7A, s1;
	s8 =	simm.s32 @!p0 $0x1BF5;
	p2 =	por !p2, p0  }
0x20: {  	[sflag:s8] =	ssyncset.s32 @!p0 $0xFFFFF086;
	s6 =	sadd.s32 @!p0 s3, s7;
	s7 =	simm.s32 @!p0 $0x108  }
0x21: {  	s3 =	sadd.s32 s3, s9;
	s6 =	sadd.s32 @!p0 $0x88, s6;
	s7 =	simm.s32 @p2 $0x1082  }
0x22: {  	[simem:s7], [sflag:s8] =	dma.local @!p0 [hbm:s6], $0xF7A  }
0x23: {  	s9 =	sor.u32 $0xD0000000, s2;
	s6 =	simm.s32 $0x108;
	_ =	swait.ge @!p0 [sflag:s8], $0x0  }
0x24: {  	s3 =	sadd.s32 $0x88, s3;
	s6 =	simm.s32 @!p1 $0x1082;
	[sflag:s4] =	ssyncset.s32 $0xFFFFF086  }
0x25: {  	[simem:s6], [sflag:s4] =	dma.local [hbm:s3], $0xF7A  }
0x26: {  	[smem:$0x3F92] =	sst s1;
	(tag) =	ssettag s2;
	_ =	strace s9  }
0x27: {  	s1 =	sld [smem:$0x3FA2]  }
0x28: {  	s2 =	sld [smem:$0x3FA3]  }
0x29: {  	s4 =	sld [smem:$0x3FA5]  }
0x2a: {  	p0 =	seq.s32 s5, $0x0;
	s5 =	sld [smem:$0x3FA6]  }
0x2b: {  	s6 =	sld [smem:$0x3FA7]  }
0x2c: {  	s7 =	sld [smem:$0x3FA8]  }
0x2d: {  	s3 =	simm.s32 $0x108;
	s8 =	sld [smem:$0x3FA9]  }
0x2e: {  	s3 =	simm.s32 @!p0 $0x1082;
	s9 =	sld [smem:$0x3FAA]  }
0x2f: {  	lr =	sadd.s32 s0, s3;
	s0 =	sld [smem:$0x3FA1]  }
0x30: {  	s3 =	sld [smem:$0x3FA4]  }
0x31: {  	[smem:$0x3FAD] =	sst s10  }
0x32: {  	s10 =	sld [smem:$0x3FAB];
	_ =	sdelay $0x3  }
0x33: {  	p0 =	seq.s32 s10, $0x1;
	s10 =	sld [smem:$0x3FAD];
	_ =	sdelay $0x3  }
0x34: {  	[smem:$0x3FAD] =	sst s10  }
0x35: {  	s10 =	sld [smem:$0x3FAC];
	_ =	sdelay $0x3  }
0x36: {  	p1 =	seq.s32 s10, $0x1;
	s10 =	sld [smem:$0x3FAD];
	_ =	sdelay $0x3  }
0x37: {  	[smem:$0x3FAD] =	sst s10  }
0x38: {  	s10 =	sld [smem:$0x3FAE]  }
0x39: {  	_ = 	snop;
	(pc) =	sbr.ind lr, $3  }
0x3a: {  	_ = 	snop  }
0x3b: {  	_ = 	snop  }
0x3c: {  	p2 =	seq.s32 s10, $0x1;
	s10 =	sld [smem:$0x3FAD]  }
0x3d: {  	_ =	shalt  }
0x3e: {  	_ =	shalt  }
0x3f: {  	_ =	shalt  }
0x40: {  	_ =	shalt  }
0x41: {  	_ =	shalt  }
0x42: {  	_ =	shalt  }
0x43: {  	_ =	shalt  }
0x44: {  	_ =	shalt  }
0x45: {  	_ =	shalt  }
0x46: {  	_ =	shalt  }
0x47: {  	_ =	shalt  }
0x48: {  	_ =	shalt  }
0x49: {  	_ =	shalt  }
0x4a: {  	_ =	shalt  }
0x4b: {  	_ =	shalt  }
0x4c: {  	_ =	shalt  }
0x4d: {  	_ =	shalt  }
0x4e: {  	_ =	shalt  }
0x4f: {  	_ =	shalt  }
0x50: {  	_ =	shalt  }
0x51: {  	_ =	shalt  }
0x52: {  	_ =	shalt  }
0x53: {  	_ =	shalt  }
0x54: {  	_ =	shalt  }
0x55: {  	_ =	shalt  }
0x56: {  	_ =	shalt  }
0x57: {  	_ =	shalt  }
0x58: {  	_ =	shalt  }
0x59: {  	_ =	shalt  }
0x5a: {  	_ =	shalt  }
0x5b: {  	_ =	shalt  }
0x5c: {  	_ =	shalt  }
0x5d: {  	_ =	shalt  }
0x5e: {  	_ =	shalt  }
0x5f: {  	_ =	shalt  }
0x60: {  	_ =	shalt  }
0x61: {  	_ =	shalt  }
0x62: {  	_ =	shalt  }
0x63: {  	_ =	shalt  }
0x64: {  	_ =	shalt  }
0x65: {  	_ =	shalt  }
0x66: {  	_ =	shalt  }
0x67: {  	_ =	shalt  }
0x68: {  	_ =	shalt  }
0x69: {  	_ =	shalt  }
0x6a: {  	_ =	shalt  }
0x6b: {  	_ =	shalt  }
0x6c: {  	_ =	shalt  }
0x6d: {  	_ =	shalt  }
0x6e: {  	_ =	shalt  }
0x6f: {  	_ =	shalt  }
0x70: {  	_ =	shalt  }
0x71: {  	_ =	shalt  }
0x72: {  	_ =	shalt  }
0x73: {  	_ =	shalt  }
0x74: {  	_ =	shalt  }
0x75: {  	_ =	shalt  }
0x76: {  	_ =	shalt  }
0x77: {  	_ =	shalt  }
0x78: {  	_ =	shalt  }
0x79: {  	_ =	shalt  }
0x7a: {  	_ =	shalt  }
0x7b: {  	_ =	shalt  }
0x7c: {  	_ =	shalt  }
0x7d: {  	_ =	shalt  }
0x7e: {  	_ =	shalt  }
0x7f: {  	_ =	shalt  }
0x80: {  	_ =	shalt  }
0x81: {  	_ =	shalt  }
0x82: {  	_ =	shalt  }
0x83: {  	_ =	shalt  }
0x84: {  	_ =	shalt  }
0x85: {  	_ =	shalt  }
0x86: {  	_ =	shalt  }
0x87: {  	_ =	shalt  }
.Lfunc_end0:
.L_simem_size_0:
called_computation.2_lowered:
.L_overlay_start_0:
0x88: {  	s2 =	sld [smem:$0x3FD9]  }
0x89: {  	s3 =	sld [smem:$0x3FFE];
	_ =	sdelay $0x1  }
0x8a: {  	s1 =	srdreg.scid  }
0x8b: {  	s0 =	sand.u32 $0x1, s1  }
0x8c: {  	s16 =	sshll.u32 s0, $0xA;
	s2 =	sadd.s32 s3, s2  }
0x8d: {  	s2 =	sadd.s32 s2, s16  }
0x8e: {  	[smem:$0x3FB9] =	sst s2  }
0x8f: {  	_ = 	snop  }
0x90: {  	(tm) =	ssettm $0x1  }
0x91: {  	s17 =	sld [smem:$0x3FFB];
	_ =	sdelay $0x3  }
0x92: {  	_ =	strace s17  }
0x93: {  	s2 =	sld [smem:$0x3FFC];
	_ =	sdelay $0x3  }
0x94: {  	_ =	strace s2  }
0x95: {  	s2 =	sld [smem:$0x3FFD];
	_ =	sdelay $0x3  }
0x96: {  	_ =	strace s2  }
0x97: {  	_ =	strace $0x8FFFFFFF  }
0x98: {  	s18 =	sld [smem:$0x3FDB];
	_ =	sdelay $0x1  }
0x99: {  	s19 =	simm.s32 $_scs_section_size  }
0x9a: {  	s4 =	simm.s32 $_size__tile_overlayer_lowered;
	s5 =	simm.s32 $_tile_overlayer_lowered  }
0x9b: {  	s22 =	simm.s32 $0x1BFF;
	s21 =	sshll.u32 s5, $0x1;
	s2 =	sadd.s32 s19, s18  }
0x9c: {  	s6 =	simm.s32 $0x0;
	s20 =	sshll.u32 s4, $0x1;
	s4 =	sadd.s32 s21, s2  }
0x9d: {  	[timem:s6], [sflag:s22] =	dma.local [hbm:s4], s20  }
0x9e: {  	_ =	swait.ge [sflag:s22], s20  }
0x9f: {  	s3 =	ssub.s32 $0x0, s20;
	[sflag:s22] =	ssyncset.done $0x0  }
0xa0: {  	[sflag:s22] =	ssyncadd.s32 s3;
	_ =	sdelay $0x1  }
0xa1: {  	s23 =	simm.s32 $0x1B8B  }
0xa2: {  	_ =	swait.ge [sflag:s23], $0x1  }
0xa3: {  	[sflag:s23] =	ssyncset.done $0x0  }
0xa4: {  	s25 =	simm.s32 $0x1B8E;
	s24 =	sld [smem:$0x3FFE];
	[sflag:s23] =	ssyncadd.s32 $0xFFFFFFFF  }
0xa5: {  	s26 =	simm.s32 $execute0_lowered;
	[smem:$0x3FD2] =	sst s25  }
0xa6: {  	s4 =	sshll.u32 s26, $0x1;
	_ =	strace $0x8000004C;
	[dreg:$0x1] =	wrdreg $0xFFFFFFFF  }
0xa7: {  	s28 =	simm.s32 $_size_execute0_lowered;
	s2 =	sadd.s32 s2, s4;
	[dreg:$0x0] =	wrdreg $0x0  }
0xa8: {  	s4 =	sshll.u32 s28, $0x1;
	[dreg:$0x2] =	wrdreg s2  }
0xa9: {  	[dreg:$0x3] =	wrdreg s4  }
0xaa: {  	[dreg:$0x4] =	wrdreg $0xC0  }
0xab: {  	_ =	task [dreg:s6], $0x5FFFF  }
0xac: {  	[dreg:$0x1] =	wrdreg $0xFFFFFFFF  }
0xad: {  	[dreg:$0x0] =	wrdreg $0x60  }
0xae: {  	[dreg:$0x2] =	wrdreg s24  }
0xaf: {  	[dreg:$0x3] =	wrdreg $0xA8000  }
0xb0: {  	[dreg:$0x4] =	wrdreg $0x9  }
0xb1: {  	_ =	task.clear_ibuf [dreg:s6], $0x5FFFF;
	_ =	strace $0x9000004C  }
0xb2: {  	s29 =	simm.s32 $0x9;
	_ =	strace $0x8000004E  }
0xb3: {  	_ =	swait.ge [sflag:s29], $0x1  }
0xb4: {  	[sflag:s29] =	ssyncadd.s32 $0xFFFFFFFF  }
0xb5: {  	_ =	strace $0x9000004E  }
0xb6: {  	_ =	sfence  }
0xb7: {  	s30 =	sld [smem:$0x0];
	_ =	sdelay $0x2  }
0xb8: {  	s31 =	sshll.u32 s1, $0xD;
	s1 =	sshrl.u32 s1, $0x2  }
0xb9: {  	s3 =	sand.u32 $0x4000, s31;
	s1 =	sadd.s32 s1, s30  }
0xba: {  	s0 =	sor.u32 s3, s0;
	s1 =	sshll.u32 s1, $0x11  }
0xbb: {  	s0 =	sor.u32 s1, s0  }
0xbc: {  	s0 =	sadd.s32 $0x8F2B, s0  }
0xbd: {  	[sflag:s0] =	ssyncadd.remote.s32 $0x1  }
0xbe: {  	_ =	sfence.sel $0xFFFF  }
0xbf: {  	[dreg:$0x0] =	wrdreg $0xFFFFFFFF;
	(pc) =	sbr.abs _section_cstart, $3  }
0xc0: {  	[dreg:$0x1] =	wrdreg $0xFFFFFFFF  }
0xc1: {  	_ =	task.clear_ibuf [dreg:s6], $0x2FFFF;
	_ =	strace $0x9FFFFFFF  }
0xc2: {  	(tm) =	ssettm $0x7FFFFFFF  }
0xc3: {  	_ =	shalt  }
tec
execute0_lowered:
.L_overlay_start_1:
0x0: {  	(tag) =	ssettag $0x1  }
0x1: {  	s5 =	rddreg [dreg:$0x0]  }
0x2: {  	s0 =	srdreg.scid;
	s2 =	rddreg [dreg:$0x1]  }
0x3: {  	s1 =	rddreg [dreg:$0x2];
	s3 =	simm.s32 $0x0;
	s16 =	simm.s32 $0x3  }
0x4: {  	s17 =	simm.s32 $0x1400;
	s18 =	simm.s32 $0x80;
	s19 =	simm.s32 $0x2800  }
0x5: {  	s20 =	simm.s32 $0x6800;
	s21 =	simm.s32 $0x1;
	s6 =	sand.u32 $0x1, s0  }
0x6: {  	s22 =	simm.s32 $0x2;
	s0 =	stileid.u32;
	s4 =	smul.u32 $0x28000, s6  }
0x7: {  	s23 =	simm.s32 $0x2700;
	s24 =	simm.s32 $0x2780;
	s7 =	smul.u32 $0x2800, s0  }
0x8: {  	s25 =	simm.s32 $0x0;
	[smem:$0x7FF] =	sst s3;
	s8 =	smul.u32 $0x140000, s6  }
0x9: {  	_ =	strace $0x8000004D;
	s10 =	smul.u32 $0x14000, s0;
	s6 =	ssub.s32 $0x2, s6  }
0xa: {  	s28 =	smul.u32 $0x50000, s0;
	s30 =	sshrl.u32 s6, $0x1;
	s4 =	sadd.s32 s7, s4  }
0xb: {  	s7 =	sshrl.u32 s7, $0x3;
	s8 =	sadd.s32 s10, s8;
	s15 =	ssub.s32 s6, s30  }
0xc: {  	s31 =	sshrl.u32 s28, $0x2;
	s9 =	sshrl.u32 s4, $0x3;
	s4 =	sadd.s32 $0x6D000, s5  }
0xd: {  	s13 =	sadd.s32 s7, s5;
	s29 =	sshrl.u32 s8, $0x3;
	s7 =	sadd.s32 s31, s2  }
0xe: {  	s15 =	smax.u32 s15, $0x1;
	s12 =	sadd.s32 s9, s5;
	s14 =	sadd.s32 s29, s5  }
0xf: {  	s6 =	sadd.s32 $0x4000, s13;
	s8 =	sadd.s32 $0x4000, s7;
	s9 =	sadd.s32 $0x8000, s7  }
0x10: {  	s10 =	sadd.s32 $0xC000, s7;
	s11 =	sadd.s32 $0x10000, s7;
	s13 =	sadd.s32 $0x4280, s13  }
0x11: {  	v0 =	vimm.f32 $0.0e+00;
	s5 =	sadd.s32 $0x13000, s12;
	s12 =	sadd.s32 $0x13280, s12;
	s14 =	sadd.s32 $0xBD000, s14  }
.LBB2_1:
0x12: {  	[tilespmem:s3], [sflag:$0x3] =	stream.linear.gather [hbm4b:s5+s3], $0x1400, $0x38;
	[tilespmem:$0x1E800] =	vst v63  }
0x13: {  	_ =	swait.ge [sflag:s16], $0x1400  }
0x14: {  	[sflag:s16] =	ssyncset.done $0x0  }
0x15: {  	[sflag:s16] =	ssyncadd.s32 $0xFFFFEC00  }
0x16: {  	[tilespmem:s17], [sflag:$0x3] =	stream.linear.gather [hbm4b:s6+s3], $0x1400, $0x38;
	[tilespmem:$0x1E800] =	vst v63  }
0x17: {  	s26 =	sand.u32 $0xFE00, s3;
	s28 =	sand.u32 $0x70, s3;
	_ =	swait.ge [sflag:s16], $0x1400  }
0x18: {  	s29 =	sshrl.u32 s26, $0x2;
	s26 =	simm.s32 $0x40;
	[sflag:s16] =	ssyncset.done $0x0  }
0x19: {  	s29 =	sor.u32 s28, s29;
	s28 =	simm.s32 $0x0;
	[sflag:s16] =	ssyncadd.s32 $0xFFFFEC00  }
0x1a: {  	[tilespmem:s19], [sflag:$0x1] =	stream.indirect.gather [hbm4b:s4+s18], $0x80, s3, s18, $0xb8;
	[tilespmem:$0x1E800] =	vst v63  }
.LBB2_2:
0x1b: {  	p0 =	sne.s32 s26, $0xFFC0  }
0x1c: {  	[tilespmem:s29+$0x6800] =	vst v0;
	s28 =	sadd.s32 $0x10, s28;
	s29 =	smov.u32 s26;
	s26 =	sadd.s32 $0x40, s26  }
.Ltmp0:
0x1d: {  	(pc) =	sbr.rel @p0 .LBB2_2-.Ltmp0, $4  }
0x1e: {  	_ = 	snop  }
0x1f: {  	s29 =	sand.u32 $0xFE00, s29  }
0x20: {  	s30 =	sand.u32 $0x70, s28;
	s29 =	sshrl.u32 s29, $0x2  }
0x21: {  	s29 =	sor.u32 s30, s29  }
0x22: {  	[tilespmem:s29+$0x6800] =	vst v0  }
0x23: {  	[spmem:s7] =	stream.linear.scatter [tilespmem:s20], [sflag:$0x3], $0x4000, $0x38;
	[tilespmem:$0x1E800] =	vst v63  }
0x24: {  	_ =	swait.ge [sflag:s16], $0x4000  }
0x25: {  	[sflag:s16] =	ssyncset.done $0x0  }
0x26: {  	[sflag:s16] =	ssyncadd.s32 $0xFFFFC000  }
0x27: {  	[spmem:s8] =	stream.linear.scatter [tilespmem:s20], [sflag:$0x3], $0x4000, $0x38;
	[tilespmem:$0x1E800] =	vst v63  }
0x28: {  	_ =	swait.ge [sflag:s16], $0x4000  }
0x29: {  	[sflag:s16] =	ssyncset.done $0x0  }
0x2a: {  	[sflag:s16] =	ssyncadd.s32 $0xFFFFC000  }
0x2b: {  	[spmem:s9] =	stream.linear.scatter [tilespmem:s20], [sflag:$0x3], $0x4000, $0x38;
	[tilespmem:$0x1E800] =	vst v63  }
0x2c: {  	_ =	swait.ge [sflag:s16], $0x4000  }
0x2d: {  	[sflag:s16] =	ssyncset.done $0x0  }
0x2e: {  	[sflag:s16] =	ssyncadd.s32 $0xFFFFC000  }
0x2f: {  	[spmem:s10] =	stream.linear.scatter [tilespmem:s20], [sflag:$0x3], $0x4000, $0x38;
	[tilespmem:$0x1E800] =	vst v63  }
0x30: {  	_ =	swait.ge [sflag:s16], $0x4000  }
0x31: {  	[sflag:s16] =	ssyncset.done $0x0  }
0x32: {  	[sflag:s16] =	ssyncadd.s32 $0xFFFFC000  }
0x33: {  	[spmem:s11] =	stream.linear.scatter [tilespmem:s20], [sflag:$0x3], $0x4000, $0x38;
	[tilespmem:$0x1E800] =	vst v63  }
0x34: {  	_ =	swait.ge [sflag:s16], $0x4000  }
0x35: {  	[sflag:s16] =	ssyncset.done $0x0  }
0x36: {  	[sflag:s16] =	ssyncadd.s32 $0xFFFFC000  }
0x37: {  	[tilespmem:s20], [sflag:$0x2] =	stream.indirect.gather [hbm4b:s4+s18], $0x80, s18, s18, $0xb8;
	[tilespmem:$0x1E800] =	vst v63  }
0x38: {  	[bflag:$0x0] =	sbarrier.arrive $0xFFFF  }
0x39: {  	_ =	swait.ge [sflag:s21], $0x4000  }
0x3a: {  	[sflag:s21] =	ssyncset.done $0x0  }
0x3b: {  	s26 =	simm.s32 $0x1400;
	[sflag:s21] =	ssyncadd.s32 $0xFFFFC000  }
0x3c: {  	[spmem:s2] =	stream.indirect.scatter.add.f32 [tilespmem:s19], [sflag:$0x3], $0x80, s26, s18, $0xb8;
	[tilespmem:$0x1E800] =	vst v63  }
0x3d: {  	_ =	swait.ge [sflag:s16], $0x4000  }
0x3e: {  	[sflag:s16] =	ssyncset.done $0x0  }
0x3f: {  	s30 =	simm.s32 $0x100;
	[sflag:s16] =	ssyncadd.s32 $0xFFFFC000  }
0x40: {  	[tilespmem:s19], [sflag:$0x1] =	stream.indirect.gather [hbm4b:s4+s18], $0x80, s30, s18, $0xb8;
	[tilespmem:$0x1E800] =	vst v63  }
0x41: {  	_ =	swait.ge [sflag:s22], $0x4000  }
0x42: {  	[sflag:s22] =	ssyncset.done $0x0  }
0x43: {  	s31 =	simm.s32 $0x1480;
	[sflag:s22] =	ssyncadd.s32 $0xFFFFC000  }
0x44: {  	[spmem:s2] =	stream.indirect.scatter.add.f32 [tilespmem:s20], [sflag:$0x3], $0x80, s31, s18, $0xb8;
	[tilespmem:$0x1E800] =	vst v63  }
0x45: {  	_ =	swait.ge [sflag:s16], $0x4000  }
0x46: {  	[sflag:s16] =	ssyncset.done $0x0  }
0x47: {  	s28 =	simm.s32 $0x180;
	s26 =	simm.s32 $0x400;
	[sflag:s16] =	ssyncadd.s32 $0xFFFFC000  }
.LBB2_4:
0x48: {  	[tilespmem:s20], [sflag:$0x2] =	stream.indirect.gather [hbm4b:s4+s18], $0x80, s28, s18, $0xb8;
	[tilespmem:$0x1E800] =	vst v63  }
0x49: {  	s28 =	smov.u32 s26  }
0x4a: {  	p0 =	sne.s32 s26, $0x4800;
	s26 =	sadd.s32 $0x400, s26;
	_ =	swait.ge [sflag:s21], $0x4000  }
0x4b: {  	s28 =	sshra.s32 s28, $0x2;
	[sflag:s21] =	ssyncset.done $0x0  }
0x4c: {  	s29 =	sadd.s32 $0x1400, s28;
	[sflag:s21] =	ssyncadd.s32 $0xFFFFC000  }
0x4d: {  	[spmem:s2] =	stream.indirect.scatter.add.f32 [tilespmem:s19], [sflag:$0x3], $0x80, s29, s18, $0xb8;
	[tilespmem:$0x1E800] =	vst v63  }
0x4e: {  	_ =	swait.ge [sflag:s16], $0x4000  }
0x4f: {  	[sflag:s16] =	ssyncset.done $0x0  }
0x50: {  	s29 =	sadd.s32 $0x100, s28;
	[sflag:s16] =	ssyncadd.s32 $0xFFFFC000  }
0x51: {  	[tilespmem:s19], [sflag:$0x1] =	stream.indirect.gather [hbm4b:s4+s18], $0x80, s29, s18, $0xb8;
	[tilespmem:$0x1E800] =	vst v63  }
0x52: {  	_ =	swait.ge [sflag:s22], $0x4000  }
0x53: {  	[sflag:s22] =	ssyncset.done $0x0  }
.Ltmp1:
0x54: {  	s29 =	sadd.s32 $0x1480, s28;
	[sflag:s22] =	ssyncadd.s32 $0xFFFFC000;
	(pc) =	sbr.rel @p0 .LBB2_4-.Ltmp1, $4  }
0x55: {  	[spmem:s2] =	stream.indirect.scatter.add.f32 [tilespmem:s20], [sflag:$0x3], $0x80, s29, s18, $0xb8;
	[tilespmem:$0x1E800] =	vst v63  }
0x56: {  	_ =	swait.ge [sflag:s16], $0x4000  }
0x57: {  	[sflag:s16] =	ssyncset.done $0x0  }
0x58: {  	s28 =	sadd.s32 $0x180, s28;
	[sflag:s16] =	ssyncadd.s32 $0xFFFFC000  }
0x59: {  	[tilespmem:s20], [sflag:$0x2] =	stream.indirect.gather [hbm4b:s4+s18], $0x80, s28, s18, $0xb8;
	[tilespmem:$0x1E800] =	vst v63  }
0x5a: {  	_ =	swait.ge [sflag:s21], $0x4000  }
0x5b: {  	[sflag:s21] =	ssyncset.done $0x0  }
0x5c: {  	[sflag:s21] =	ssyncadd.s32 $0xFFFFC000  }
0x5d: {  	[spmem:s2] =	stream.indirect.scatter.add.f32 [tilespmem:s19], [sflag:$0x3], $0x80, s23, s18, $0xb8;
	[tilespmem:$0x1E800] =	vst v63  }
0x5e: {  	_ =	swait.ge [sflag:s16], $0x4000  }
0x5f: {  	[sflag:s16] =	ssyncset.done $0x0  }
0x60: {  	[sflag:s16] =	ssyncadd.s32 $0xFFFFC000  }
0x61: {  	_ =	swait.ge [sflag:s22], $0x4000  }
0x62: {  	[sflag:s22] =	ssyncset.done $0x0  }
0x63: {  	[sflag:s22] =	ssyncadd.s32 $0xFFFFC000  }
0x64: {  	[spmem:s2] =	stream.indirect.scatter.add.f32 [tilespmem:s20], [sflag:$0x3], $0x80, s24, s18, $0xb8;
	[tilespmem:$0x1E800] =	vst v63  }
0x65: {  	_ =	swait.ge [sflag:s16], $0x4000  }
0x66: {  	[sflag:s16] =	ssyncset.done $0x0  }
0x67: {  	s26 =	simm.s32 $0x0;
	[sflag:s16] =	ssyncadd.s32 $0xFFFFC000  }
0x68: {  	[tilespmem:s26], [sflag:$0x3] =	stream.linear.gather [hbm4b:s12+s26], $0x1400, $0x38;
	[tilespmem:$0x1E800] =	vst v63  }
0x69: {  	_ =	swait.ge [sflag:s16], $0x1400  }
0x6a: {  	[sflag:s16] =	ssyncset.done $0x0  }
0x6b: {  	[sflag:s16] =	ssyncadd.s32 $0xFFFFEC00  }
0x6c: {  	[tilespmem:s17], [sflag:$0x3] =	stream.linear.gather [hbm4b:s13+s26], $0x1400, $0x38;
	[tilespmem:$0x1E800] =	vst v63  }
0x6d: {  	_ =	swait.ge [sflag:s16], $0x1400  }
0x6e: {  	[sflag:s16] =	ssyncset.done $0x0  }
0x6f: {  	[sflag:s16] =	ssyncadd.s32 $0xFFFFEC00  }
0x70: {  	[tilespmem:s19], [sflag:$0x1] =	stream.indirect.gather [hbm4b:s4+s18], $0x80, s26, s18, $0xb8;
	[tilespmem:$0x1E800] =	vst v63  }
0x71: {  	_ = 	snop  }
0x72: {  	[tilespmem:s20], [sflag:$0x2] =	stream.indirect.gather [hbm4b:s4+s18], $0x80, s18, s18, $0xb8;
	[tilespmem:$0x1E800] =	vst v63  }
0x73: {  	_ =	swait.ge [sflag:s21], $0x4000  }
0x74: {  	[sflag:s21] =	ssyncset.done $0x0  }
0x75: {  	s29 =	simm.s32 $0x1400;
	[sflag:s21] =	ssyncadd.s32 $0xFFFFC000  }
0x76: {  	[spmem:s2] =	stream.indirect.scatter.add.f32 [tilespmem:s19], [sflag:$0x3], $0x80, s29, s18, $0xb8;
	[tilespmem:$0x1E800] =	vst v63  }
0x77: {  	_ =	swait.ge [sflag:s16], $0x4000  }
0x78: {  	[sflag:s16] =	ssyncset.done $0x0  }
0x79: {  	s30 =	simm.s32 $0x100;
	[sflag:s16] =	ssyncadd.s32 $0xFFFFC000  }
0x7a: {  	[tilespmem:s19], [sflag:$0x1] =	stream.indirect.gather [hbm4b:s4+s18], $0x80, s30, s18, $0xb8;
	[tilespmem:$0x1E800] =	vst v63  }
0x7b: {  	_ =	swait.ge [sflag:s22], $0x4000  }
0x7c: {  	[sflag:s22] =	ssyncset.done $0x0  }
0x7d: {  	s31 =	simm.s32 $0x1480;
	[sflag:s22] =	ssyncadd.s32 $0xFFFFC000  }
0x7e: {  	[spmem:s2] =	stream.indirect.scatter.add.f32 [tilespmem:s20], [sflag:$0x3], $0x80, s31, s18, $0xb8;
	[tilespmem:$0x1E800] =	vst v63  }
0x7f: {  	_ =	swait.ge [sflag:s16], $0x4000  }
0x80: {  	[sflag:s16] =	ssyncset.done $0x0  }
0x81: {  	s28 =	simm.s32 $0x180;
	s26 =	simm.s32 $0x400;
	[sflag:s16] =	ssyncadd.s32 $0xFFFFC000  }
.LBB2_6:
0x82: {  	[tilespmem:s20], [sflag:$0x2] =	stream.indirect.gather [hbm4b:s4+s18], $0x80, s28, s18, $0xb8;
	[tilespmem:$0x1E800] =	vst v63  }
0x83: {  	s28 =	smov.u32 s26  }
0x84: {  	p0 =	sne.s32 s26, $0x4800;
	s26 =	sadd.s32 $0x400, s26;
	_ =	swait.ge [sflag:s21], $0x4000  }
0x85: {  	s28 =	sshra.s32 s28, $0x2;
	[sflag:s21] =	ssyncset.done $0x0  }
0x86: {  	s29 =	sadd.s32 $0x1400, s28;
	[sflag:s21] =	ssyncadd.s32 $0xFFFFC000  }
0x87: {  	[spmem:s2] =	stream.indirect.scatter.add.f32 [tilespmem:s19], [sflag:$0x3], $0x80, s29, s18, $0xb8;
	[tilespmem:$0x1E800] =	vst v63  }
0x88: {  	_ =	swait.ge [sflag:s16], $0x4000  }
0x89: {  	[sflag:s16] =	ssyncset.done $0x0  }
0x8a: {  	s29 =	sadd.s32 $0x100, s28;
	[sflag:s16] =	ssyncadd.s32 $0xFFFFC000  }
0x8b: {  	[tilespmem:s19], [sflag:$0x1] =	stream.indirect.gather [hbm4b:s4+s18], $0x80, s29, s18, $0xb8;
	[tilespmem:$0x1E800] =	vst v63  }
0x8c: {  	_ =	swait.ge [sflag:s22], $0x4000  }
0x8d: {  	[sflag:s22] =	ssyncset.done $0x0  }
.Ltmp2:
0x8e: {  	s29 =	sadd.s32 $0x1480, s28;
	[sflag:s22] =	ssyncadd.s32 $0xFFFFC000;
	(pc) =	sbr.rel @p0 .LBB2_6-.Ltmp2, $4  }
0x8f: {  	[spmem:s2] =	stream.indirect.scatter.add.f32 [tilespmem:s20], [sflag:$0x3], $0x80, s29, s18, $0xb8;
	[tilespmem:$0x1E800] =	vst v63  }
0x90: {  	_ =	swait.ge [sflag:s16], $0x4000  }
0x91: {  	[sflag:s16] =	ssyncset.done $0x0  }
0x92: {  	s28 =	sadd.s32 $0x180, s28;
	[sflag:s16] =	ssyncadd.s32 $0xFFFFC000  }
0x93: {  	[tilespmem:s20], [sflag:$0x2] =	stream.indirect.gather [hbm4b:s4+s18], $0x80, s28, s18, $0xb8;
	[tilespmem:$0x1E800] =	vst v63  }
0x94: {  	_ =	swait.ge [sflag:s21], $0x4000  }
0x95: {  	[sflag:s21] =	ssyncset.done $0x0  }
0x96: {  	[sflag:s21] =	ssyncadd.s32 $0xFFFFC000  }
0x97: {  	[spmem:s2] =	stream.indirect.scatter.add.f32 [tilespmem:s19], [sflag:$0x3], $0x80, s23, s18, $0xb8;
	[tilespmem:$0x1E800] =	vst v63  }
0x98: {  	_ =	swait.ge [sflag:s16], $0x4000  }
0x99: {  	[sflag:s16] =	ssyncset.done $0x0  }
0x9a: {  	[sflag:s16] =	ssyncadd.s32 $0xFFFFC000  }
0x9b: {  	_ =	swait.ge [sflag:s22], $0x4000  }
0x9c: {  	[sflag:s22] =	ssyncset.done $0x0  }
0x9d: {  	[sflag:s22] =	ssyncadd.s32 $0xFFFFC000  }
0x9e: {  	[spmem:s2] =	stream.indirect.scatter.add.f32 [tilespmem:s20], [sflag:$0x3], $0x80, s24, s18, $0xb8;
	[tilespmem:$0x1E800] =	vst v63  }
0x9f: {  	_ =	swait.ge [sflag:s16], $0x4000  }
0xa0: {  	s26 =	sshll.u32 s0, $0x6;
	s25 =	sadd.s32 $0x1, s25;
	[sflag:s16] =	ssyncset.done $0x0  }
0xa1: {  	s31 =	sshrl.u32 s7, $0x3;
	p0 =	sne.s32 s25, s15;
	[sflag:s16] =	ssyncadd.s32 $0xFFFFC000  }
.Ltmp3:
0xa2: {  	s26 =	sor.u32 $0x1C03, s26;
	[bflag:$0x0] =	sbarrier.arrive $0xFFFF;
	(pc) =	sbr.rel @p0 .LBB2_1-.Ltmp3, $4  }
0xa3: {  	[hbm:s14], [sflag:s26] =	dma.local [spmem:s31], $0x2800  }
0xa4: {  	_ =	swait.ge [sflag:s16], $0x2800  }
0xa5: {  	[sflag:s16] =	ssyncset.done $0x0  }
0xa6: {  	[sflag:s16] =	ssyncadd.s32 $0xFFFFD800  }
0xa7: {  	_ =	sfence.sel $0x180000  }
0xa8: {  	[bflag:$0x0] =	sbarrier.arrive $0xFFFF  }
0xa9: {  	p0 =	sne.s32 s0, $0x0;
	_ =	strace $0x9000004D  }
0xaa: {  	s0 =	sadd.s32 @!p0 $0x100000, s1;
	[bflag:$0x2] =	sbarrier.arrive $0xFFFF  }
0xab: {  	[sflag:s0] =	ssyncadd.tile.s32 @!p0 $0x1;
	_ =	shalt  }
.Lfunc_end2:
_tile_overlayer_lowered:
.L_overlay_start_2:
0xac: {  	(tag) =	ssettag $0x2  }
0xad: {  	s0 =	rddreg [dreg:$0x0];
	s2 =	stileid.u32  }
0xae: {  	s1 =	rddreg [dreg:$0x1];
	p0 =	sne.s32 s2, $0x0  }
0xaf: {  	s3 =	rddreg [dreg:$0x2];
	[bflag:$0x3] =	sbarrier.arrive $0xFFFF;
	s2 =	simm.s32 @!p0 $0x1C03  }
0xb0: {  	[timem:s3], [sflag:s2] =	dma.local @!p0 [hbm:s0], s1  }
0xb1: {  	s0 =	simm.s32 @!p0 $0x3  }
0xb2: {  	_ =	swait.ge @!p0 [sflag:s0], s1  }
0xb3: {  	s1 =	ssub.s32 @!p0 $0x0, s1;
	[sflag:s0] =	ssyncset.done @!p0 $0x0  }
0xb4: {  	[sflag:s0] =	ssyncadd.s32 @!p0 s1  }
0xb5: {  	[bflag:$0x3] =	sbarrier.arrive $0xFFFF  }
0xb6: {  	_ =	shalt  }

// kernel: kernel.19.cloned.1.call-start
scs
__scs_entry_jumppad:
0x0: {  	(pc) =	sbr.rel $0x88, $3  }
0x1: {  	(tag) =	ssettag $0x0;
	lr =	simm.s32 $0x1  }
0x2: {  	[smem:$0x3F92] =	sst lr;
	_ =	strace $0xD0000000  }
0x3: {  	_ = 	snop  }
0x4: {  	_ = 	snop  }
0x5: {  	_ = 	snop  }
0x6: {  	_ = 	snop  }
0x7: {  	_ = 	snop  }
__scs_overlays_trampoline_lowered:
0x8: {  	[smem:$0x3FA1] =	sst s0  }
0x9: {  	[smem:$0x3FA2] =	sst s1  }
0xa: {  	[smem:$0x3FA3] =	sst s2  }
0xb: {  	[smem:$0x3FA4] =	sst s3  }
0xc: {  	[smem:$0x3FA5] =	sst s4  }
0xd: {  	[smem:$0x3FA6] =	sst s5  }
0xe: {  	[smem:$0x3FA7] =	sst s6  }
0xf: {  	[smem:$0x3FA8] =	sst s7  }
0x10: {  	[smem:$0x3FA9] =	sst s8  }
0x11: {  	[smem:$0x3FAA] =	sst s9;
	s0 =	simm.s32 @!p0 $0x0  }
0x12: {  	s1 =	sld [smem:$0x3F90];
	s0 =	simm.s32 @p0 $0x1  }
0x13: {  	[smem:$0x3FAB] =	sst s0;
	s0 =	simm.s32 @!p1 $0x0  }
0x14: {  	s2 =	sld [smem:$0x3F8F];
	s0 =	simm.s32 @p1 $0x1  }
0x15: {  	[smem:$0x3FAC] =	sst s0;
	s0 =	simm.s32 @!p2 $0x0  }
0x16: {  	s3 =	sld [smem:$0x3FDB];
	s0 =	simm.s32 @p2 $0x1  }
0x17: {  	s4 =	simm.s32 $0x1BF5;
	[smem:$0x3FAE] =	sst s0  }
0x18: {  	s0 =	sld [smem:$0x3F91];
	_ =	swait.ge [sflag:s4], $0x0  }
0x19: {  	s7 =	sld [smem:$0x3F92]  }
0x1a: {  	s8 =	sadd.s32 $0xFFFFE003, lr  }
0x1b: {  	s9 =	sadd.s32 $0xFFFFFEF7, lr;
	s5 =	simm.s32 $0xFFFFFFFF;
	p2 =	slt.u32 s8, $0xFFFFF086  }
0x1c: {  	p1 =	slt.u32 s9, $0xF7A;
	s5 =	simm.s32 @!p2 $0x0  }
0x1d: {  	s5 =	simm.s32 @p1 $0x1;
	p0 =	seq.s32 s7, s2  }
0x1e: {  	s7 =	smul.u32 @!p0 $0xF7A, s2;
	p2 =	seq.s32 @!p0 s5, $0x0  }
0x1f: {  	s9 =	smul.u32 $0xF7A, s1;
	s8 =	simm.s32 @!p0 $0x1BF5;
	p2 =	por !p2, p0  }
0x20: {  	[sflag:s8] =	ssyncset.s32 @!p0 $0xFFFFF086;
	s6 =	sadd.s32 @!p0 s3, s7;
	s7 =	simm.s32 @!p0 $0x108  }
0x21: {  	s3 =	sadd.s32 s3, s9;
	s6 =	sadd.s32 @!p0 $0x88, s6;
	s7 =	simm.s32 @p2 $0x1082  }
0x22: {  	[simem:s7], [sflag:s8] =	dma.local @!p0 [hbm:s6], $0xF7A  }
0x23: {  	s9 =	sor.u32 $0xD0000000, s2;
	s6 =	simm.s32 $0x108;
	_ =	swait.ge @!p0 [sflag:s8], $0x0  }
0x24: {  	s3 =	sadd.s32 $0x88, s3;
	s6 =	simm.s32 @!p1 $0x1082;
	[sflag:s4] =	ssyncset.s32 $0xFFFFF086  }
0x25: {  	[simem:s6], [sflag:s4] =	dma.local [hbm:s3], $0xF7A  }
0x26: {  	[smem:$0x3F92] =	sst s1;
	(tag) =	ssettag s2;
	_ =	strace s9  }
0x27: {  	s1 =	sld [smem:$0x3FA2]  }
0x28: {  	s2 =	sld [smem:$0x3FA3]  }
0x29: {  	s4 =	sld [smem:$0x3FA5]  }
0x2a: {  	p0 =	seq.s32 s5, $0x0;
	s5 =	sld [smem:$0x3FA6]  }
0x2b: {  	s6 =	sld [smem:$0x3FA7]  }
0x2c: {  	s7 =	sld [smem:$0x3FA8]  }
0x2d: {  	s3 =	simm.s32 $0x108;
	s8 =	sld [smem:$0x3FA9]  }
0x2e: {  	s3 =	simm.s32 @!p0 $0x1082;
	s9 =	sld [smem:$0x3FAA]  }
0x2f: {  	lr =	sadd.s32 s0, s3;
	s0 =	sld [smem:$0x3FA1]  }
0x30: {  	s3 =	sld [smem:$0x3FA4]  }
0x31: {  	[smem:$0x3FAD] =	sst s10  }
0x32: {  	s10 =	sld [smem:$0x3FAB];
	_ =	sdelay $0x3  }
0x33: {  	p0 =	seq.s32 s10, $0x1;
	s10 =	sld [smem:$0x3FAD];
	_ =	sdelay $0x3  }
0x34: {  	[smem:$0x3FAD] =	sst s10  }
0x35: {  	s10 =	sld [smem:$0x3FAC];
	_ =	sdelay $0x3  }
0x36: {  	p1 =	seq.s32 s10, $0x1;
	s10 =	sld [smem:$0x3FAD];
	_ =	sdelay $0x3  }
0x37: {  	[smem:$0x3FAD] =	sst s10  }
0x38: {  	s10 =	sld [smem:$0x3FAE]  }
0x39: {  	_ = 	snop;
	(pc) =	sbr.ind lr, $3  }
0x3a: {  	_ = 	snop  }
0x3b: {  	_ = 	snop  }
0x3c: {  	p2 =	seq.s32 s10, $0x1;
	s10 =	sld [smem:$0x3FAD]  }
0x3d: {  	_ =	shalt  }
0x3e: {  	_ =	shalt  }
0x3f: {  	_ =	shalt  }
0x40: {  	_ =	shalt  }
0x41: {  	_ =	shalt  }
0x42: {  	_ =	shalt  }
0x43: {  	_ =	shalt  }
0x44: {  	_ =	shalt  }
0x45: {  	_ =	shalt  }
0x46: {  	_ =	shalt  }
0x47: {  	_ =	shalt  }
0x48: {  	_ =	shalt  }
0x49: {  	_ =	shalt  }
0x4a: {  	_ =	shalt  }
0x4b: {  	_ =	shalt  }
0x4c: {  	_ =	shalt  }
0x4d: {  	_ =	shalt  }
0x4e: {  	_ =	shalt  }
0x4f: {  	_ =	shalt  }
0x50: {  	_ =	shalt  }
0x51: {  	_ =	shalt  }
0x52: {  	_ =	shalt  }
0x53: {  	_ =	shalt  }
0x54: {  	_ =	shalt  }
0x55: {  	_ =	shalt  }
0x56: {  	_ =	shalt  }
0x57: {  	_ =	shalt  }
0x58: {  	_ =	shalt  }
0x59: {  	_ =	shalt  }
0x5a: {  	_ =	shalt  }
0x5b: {  	_ =	shalt  }
0x5c: {  	_ =	shalt  }
0x5d: {  	_ =	shalt  }
0x5e: {  	_ =	shalt  }
0x5f: {  	_ =	shalt  }
0x60: {  	_ =	shalt  }
0x61: {  	_ =	shalt  }
0x62: {  	_ =	shalt  }
0x63: {  	_ =	shalt  }
0x64: {  	_ =	shalt  }
0x65: {  	_ =	shalt  }
0x66: {  	_ =	shalt  }
0x67: {  	_ =	shalt  }
0x68: {  	_ =	shalt  }
0x69: {  	_ =	shalt  }
0x6a: {  	_ =	shalt  }
0x6b: {  	_ =	shalt  }
0x6c: {  	_ =	shalt  }
0x6d: {  	_ =	shalt  }
0x6e: {  	_ =	shalt  }
0x6f: {  	_ =	shalt  }
0x70: {  	_ =	shalt  }
0x71: {  	_ =	shalt  }
0x72: {  	_ =	shalt  }
0x73: {  	_ =	shalt  }
0x74: {  	_ =	shalt  }
0x75: {  	_ =	shalt  }
0x76: {  	_ =	shalt  }
0x77: {  	_ =	shalt  }
0x78: {  	_ =	shalt  }
0x79: {  	_ =	shalt  }
0x7a: {  	_ =	shalt  }
0x7b: {  	_ =	shalt  }
0x7c: {  	_ =	shalt  }
0x7d: {  	_ =	shalt  }
0x7e: {  	_ =	shalt  }
0x7f: {  	_ =	shalt  }
0x80: {  	_ =	shalt  }
0x81: {  	_ =	shalt  }
0x82: {  	_ =	shalt  }
0x83: {  	_ =	shalt  }
0x84: {  	_ =	shalt  }
0x85: {  	_ =	shalt  }
0x86: {  	_ =	shalt  }
0x87: {  	_ =	shalt  }
.Lfunc_end0:
.L_simem_size_0:
called_computation.3_lowered:
.L_overlay_start_0:
0x88: {  	s2 =	sld [smem:$0x3FD9]  }
0x89: {  	s3 =	sld [smem:$0x3FFE];
	_ =	sdelay $0x1  }
0x8a: {  	s1 =	srdreg.scid  }
0x8b: {  	s0 =	sand.u32 $0x1, s1  }
0x8c: {  	s16 =	sshll.u32 s0, $0xA;
	s2 =	sadd.s32 s3, s2  }
0x8d: {  	s2 =	sadd.s32 s2, s16  }
0x8e: {  	[smem:$0x3FB9] =	sst s2  }
0x8f: {  	_ = 	snop  }
0x90: {  	(tm) =	ssettm $0x1  }
0x91: {  	s17 =	sld [smem:$0x3FFB];
	_ =	sdelay $0x3  }
0x92: {  	_ =	strace s17  }
0x93: {  	s2 =	sld [smem:$0x3FFC];
	_ =	sdelay $0x3  }
0x94: {  	_ =	strace s2  }
0x95: {  	s2 =	sld [smem:$0x3FFD];
	_ =	sdelay $0x3  }
0x96: {  	_ =	strace s2  }
0x97: {  	_ =	strace $0x8FFFFFFF  }
0x98: {  	s18 =	sld [smem:$0x3FDB];
	_ =	sdelay $0x1  }
0x99: {  	s19 =	simm.s32 $_scs_section_size  }
0x9a: {  	s4 =	simm.s32 $_size__tile_overlayer_lowered;
	s5 =	simm.s32 $_tile_overlayer_lowered  }
0x9b: {  	s22 =	simm.s32 $0x1BFF;
	s21 =	sshll.u32 s5, $0x1;
	s2 =	sadd.s32 s19, s18  }
0x9c: {  	s6 =	simm.s32 $0x0;
	s20 =	sshll.u32 s4, $0x1;
	s4 =	sadd.s32 s21, s2  }
0x9d: {  	[timem:s6], [sflag:s22] =	dma.local [hbm:s4], s20  }
0x9e: {  	_ =	swait.ge [sflag:s22], s20  }
0x9f: {  	s3 =	ssub.s32 $0x0, s20;
	[sflag:s22] =	ssyncset.done $0x0  }
0xa0: {  	[sflag:s22] =	ssyncadd.s32 s3;
	_ =	sdelay $0x1  }
0xa1: {  	s23 =	simm.s32 $0x1B8B  }
0xa2: {  	_ =	swait.ge [sflag:s23], $0x1  }
0xa3: {  	[sflag:s23] =	ssyncset.done $0x0  }
0xa4: {  	s25 =	simm.s32 $0x1B8E;
	s24 =	sld [smem:$0x3FFE];
	[sflag:s23] =	ssyncadd.s32 $0xFFFFFFFF  }
0xa5: {  	s26 =	simm.s32 $execute0_lowered;
	[smem:$0x3FD2] =	sst s25  }
0xa6: {  	s4 =	sshll.u32 s26, $0x1;
	_ =	strace $0x8000004F;
	[dreg:$0x1] =	wrdreg $0xFFFFFFFF  }
0xa7: {  	s28 =	simm.s32 $_size_execute0_lowered;
	s2 =	sadd.s32 s2, s4;
	[dreg:$0x0] =	wrdreg $0x0  }
0xa8: {  	s4 =	sshll.u32 s28, $0x1;
	[dreg:$0x2] =	wrdreg s2  }
0xa9: {  	[dreg:$0x3] =	wrdreg s4  }
0xaa: {  	[dreg:$0x4] =	wrdreg $0xC0  }
0xab: {  	_ =	task [dreg:s6], $0x5FFFF  }
0xac: {  	[dreg:$0x1] =	wrdreg $0xFFFFFFFF  }
0xad: {  	[dreg:$0x0] =	wrdreg $0x60  }
0xae: {  	[dreg:$0x2] =	wrdreg s24  }
0xaf: {  	[dreg:$0x3] =	wrdreg $0xA8000  }
0xb0: {  	[dreg:$0x4] =	wrdreg $0x9  }
0xb1: {  	_ =	task.clear_ibuf [dreg:s6], $0x5FFFF;
	_ =	strace $0x9000004F  }
0xb2: {  	s29 =	simm.s32 $0x9;
	_ =	strace $0x80000051  }
0xb3: {  	_ =	swait.ge [sflag:s29], $0x1  }
0xb4: {  	[sflag:s29] =	ssyncadd.s32 $0xFFFFFFFF  }
0xb5: {  	_ =	strace $0x90000051  }
0xb6: {  	_ =	sfence  }
0xb7: {  	s30 =	sld [smem:$0x0];
	_ =	sdelay $0x2  }
0xb8: {  	s31 =	sshll.u32 s1, $0xD;
	s1 =	sshrl.u32 s1, $0x2  }
0xb9: {  	s3 =	sand.u32 $0x4000, s31;
	s1 =	sadd.s32 s1, s30  }
0xba: {  	s0 =	sor.u32 s3, s0;
	s1 =	sshll.u32 s1, $0x11  }
0xbb: {  	s0 =	sor.u32 s1, s0  }
0xbc: {  	s0 =	sadd.s32 $0x8F2B, s0  }
0xbd: {  	[sflag:s0] =	ssyncadd.remote.s32 $0x1  }
0xbe: {  	_ =	sfence.sel $0xFFFF  }
0xbf: {  	[dreg:$0x0] =	wrdreg $0xFFFFFFFF;
	(pc) =	sbr.abs _section_cstart, $3  }
0xc0: {  	[dreg:$0x1] =	wrdreg $0xFFFFFFFF  }
0xc1: {  	_ =	task.clear_ibuf [dreg:s6], $0x2FFFF;
	_ =	strace $0x9FFFFFFF  }
0xc2: {  	(tm) =	ssettm $0x7FFFFFFF  }
0xc3: {  	_ =	shalt  }
tec
execute0_lowered:
.L_overlay_start_1:
0x0: {  	(tag) =	ssettag $0x1  }
0x1: {  	s5 =	rddreg [dreg:$0x0]  }
0x2: {  	s0 =	srdreg.scid;
	s2 =	rddreg [dreg:$0x1]  }
0x3: {  	s1 =	rddreg [dreg:$0x2];
	s3 =	simm.s32 $0x0;
	s16 =	simm.s32 $0x3  }
0x4: {  	s17 =	simm.s32 $0x1400;
	s18 =	simm.s32 $0x80;
	s19 =	simm.s32 $0x2800  }
0x5: {  	s20 =	simm.s32 $0x6800;
	s21 =	simm.s32 $0x1;
	s6 =	sand.u32 $0x1, s0  }
0x6: {  	s22 =	simm.s32 $0x2;
	s0 =	stileid.u32;
	s4 =	smul.u32 $0x28000, s6  }
0x7: {  	s23 =	simm.s32 $0x2700;
	s24 =	simm.s32 $0x2780;
	s7 =	smul.u32 $0x2800, s0  }
0x8: {  	s25 =	simm.s32 $0x0;
	[smem:$0x7FF] =	sst s3;
	s8 =	smul.u32 $0x140000, s6  }
0x9: {  	_ =	strace $0x80000050;
	s10 =	smul.u32 $0x14000, s0;
	s6 =	ssub.s32 $0x2, s6  }
0xa: {  	s28 =	smul.u32 $0x50000, s0;
	s30 =	sshrl.u32 s6, $0x1;
	s4 =	sadd.s32 s7, s4  }
0xb: {  	s7 =	sshrl.u32 s7, $0x3;
	s8 =	sadd.s32 s10, s8;
	s15 =	ssub.s32 s6, s30  }
0xc: {  	s31 =	sshrl.u32 s28, $0x2;
	s9 =	sshrl.u32 s4, $0x3;
	s4 =	sadd.s32 $0x6D000, s5  }
0xd: {  	s13 =	sadd.s32 s7, s5;
	s29 =	sshrl.u32 s8, $0x3;
	s7 =	sadd.s32 s31, s2  }
0xe: {  	s15 =	smax.u32 s15, $0x1;
	s12 =	sadd.s32 s9, s5;
	s14 =	sadd.s32 s29, s5  }
0xf: {  	s6 =	sadd.s32 $0x4000, s13;
	s8 =	sadd.s32 $0x4000, s7;
	s9 =	sadd.s32 $0x8000, s7  }
0x10: {  	s10 =	sadd.s32 $0xC000, s7;
	s11 =	sadd.s32 $0x10000, s7;
	s13 =	sadd.s32 $0x4280, s13  }
0x11: {  	v0 =	vimm.f32 $0.0e+00;
	s5 =	sadd.s32 $0x13000, s12;
	s12 =	sadd.s32 $0x13280, s12;
	s14 =	sadd.s32 $0xBD000, s14  }
.LBB2_1:
0x12: {  	[tilespmem:s3], [sflag:$0x3] =	stream.linear.gather [hbm4b:s5+s3], $0x1400, $0x38;
	[tilespmem:$0x1E800] =	vst v63  }
0x13: {  	_ =	swait.ge [sflag:s16], $0x1400  }
0x14: {  	[sflag:s16] =	ssyncset.done $0x0  }
0x15: {  	[sflag:s16] =	ssyncadd.s32 $0xFFFFEC00  }
0x16: {  	[tilespmem:s17], [sflag:$0x3] =	stream.linear.gather [hbm4b:s6+s3], $0x1400, $0x38;
	[tilespmem:$0x1E800] =	vst v63  }
0x17: {  	s26 =	sand.u32 $0xFE00, s3;
	s28 =	sand.u32 $0x70, s3;
	_ =	swait.ge [sflag:s16], $0x1400  }
0x18: {  	s29 =	sshrl.u32 s26, $0x2;
	s26 =	simm.s32 $0x40;
	[sflag:s16] =	ssyncset.done $0x0  }
0x19: {  	s29 =	sor.u32 s28, s29;
	s28 =	simm.s32 $0x0;
	[sflag:s16] =	ssyncadd.s32 $0xFFFFEC00  }
0x1a: {  	[tilespmem:s19], [sflag:$0x1] =	stream.indirect.gather [hbm4b:s4+s18], $0x80, s3, s18, $0xb8;
	[tilespmem:$0x1E800] =	vst v63  }
.LBB2_2:
0x1b: {  	p0 =	sne.s32 s26, $0xFFC0  }
0x1c: {  	[tilespmem:s29+$0x6800] =	vst v0;
	s28 =	sadd.s32 $0x10, s28;
	s29 =	smov.u32 s26;
	s26 =	sadd.s32 $0x40, s26  }
.Ltmp0:
0x1d: {  	(pc) =	sbr.rel @p0 .LBB2_2-.Ltmp0, $4  }
0x1e: {  	_ = 	snop  }
0x1f: {  	s29 =	sand.u32 $0xFE00, s29  }
0x20: {  	s30 =	sand.u32 $0x70, s28;
	s29 =	sshrl.u32 s29, $0x2  }
0x21: {  	s29 =	sor.u32 s30, s29  }
0x22: {  	[tilespmem:s29+$0x6800] =	vst v0  }
0x23: {  	[spmem:s7] =	stream.linear.scatter [tilespmem:s20], [sflag:$0x3], $0x4000, $0x38;
	[tilespmem:$0x1E800] =	vst v63  }
0x24: {  	_ =	swait.ge [sflag:s16], $0x4000  }
0x25: {  	[sflag:s16] =	ssyncset.done $0x0  }
0x26: {  	[sflag:s16] =	ssyncadd.s32 $0xFFFFC000  }
0x27: {  	[spmem:s8] =	stream.linear.scatter [tilespmem:s20], [sflag:$0x3], $0x4000, $0x38;
	[tilespmem:$0x1E800] =	vst v63  }
0x28: {  	_ =	swait.ge [sflag:s16], $0x4000  }
0x29: {  	[sflag:s16] =	ssyncset.done $0x0  }
0x2a: {  	[sflag:s16] =	ssyncadd.s32 $0xFFFFC000  }
0x2b: {  	[spmem:s9] =	stream.linear.scatter [tilespmem:s20], [sflag:$0x3], $0x4000, $0x38;
	[tilespmem:$0x1E800] =	vst v63  }
0x2c: {  	_ =	swait.ge [sflag:s16], $0x4000  }
0x2d: {  	[sflag:s16] =	ssyncset.done $0x0  }
0x2e: {  	[sflag:s16] =	ssyncadd.s32 $0xFFFFC000  }
0x2f: {  	[spmem:s10] =	stream.linear.scatter [tilespmem:s20], [sflag:$0x3], $0x4000, $0x38;
	[tilespmem:$0x1E800] =	vst v63  }
0x30: {  	_ =	swait.ge [sflag:s16], $0x4000  }
0x31: {  	[sflag:s16] =	ssyncset.done $0x0  }
0x32: {  	[sflag:s16] =	ssyncadd.s32 $0xFFFFC000  }
0x33: {  	[spmem:s11] =	stream.linear.scatter [tilespmem:s20], [sflag:$0x3], $0x4000, $0x38;
	[tilespmem:$0x1E800] =	vst v63  }
0x34: {  	_ =	swait.ge [sflag:s16], $0x4000  }
0x35: {  	[sflag:s16] =	ssyncset.done $0x0  }
0x36: {  	[sflag:s16] =	ssyncadd.s32 $0xFFFFC000  }
0x37: {  	[tilespmem:s20], [sflag:$0x2] =	stream.indirect.gather [hbm4b:s4+s18], $0x80, s18, s18, $0xb8;
	[tilespmem:$0x1E800] =	vst v63  }
0x38: {  	[bflag:$0x0] =	sbarrier.arrive $0xFFFF  }
0x39: {  	_ =	swait.ge [sflag:s21], $0x4000  }
0x3a: {  	[sflag:s21] =	ssyncset.done $0x0  }
0x3b: {  	s26 =	simm.s32 $0x1400;
	[sflag:s21] =	ssyncadd.s32 $0xFFFFC000  }
0x3c: {  	[spmem:s2] =	stream.indirect.scatter.add.f32 [tilespmem:s19], [sflag:$0x3], $0x80, s26, s18, $0xb8;
	[tilespmem:$0x1E800] =	vst v63  }
0x3d: {  	_ =	swait.ge [sflag:s16], $0x4000  }
0x3e: {  	[sflag:s16] =	ssyncset.done $0x0  }
0x3f: {  	s30 =	simm.s32 $0x100;
	[sflag:s16] =	ssyncadd.s32 $0xFFFFC000  }
0x40: {  	[tilespmem:s19], [sflag:$0x1] =	stream.indirect.gather [hbm4b:s4+s18], $0x80, s30, s18, $0xb8;
	[tilespmem:$0x1E800] =	vst v63  }
0x41: {  	_ =	swait.ge [sflag:s22], $0x4000  }
0x42: {  	[sflag:s22] =	ssyncset.done $0x0  }
0x43: {  	s31 =	simm.s32 $0x1480;
	[sflag:s22] =	ssyncadd.s32 $0xFFFFC000  }
0x44: {  	[spmem:s2] =	stream.indirect.scatter.add.f32 [tilespmem:s20], [sflag:$0x3], $0x80, s31, s18, $0xb8;
	[tilespmem:$0x1E800] =	vst v63  }
0x45: {  	_ =	swait.ge [sflag:s16], $0x4000  }
0x46: {  	[sflag:s16] =	ssyncset.done $0x0  }
0x47: {  	s28 =	simm.s32 $0x180;
	s26 =	simm.s32 $0x400;
	[sflag:s16] =	ssyncadd.s32 $0xFFFFC000  }
.LBB2_4:
0x48: {  	[tilespmem:s20], [sflag:$0x2] =	stream.indirect.gather [hbm4b:s4+s18], $0x80, s28, s18, $0xb8;
	[tilespmem:$0x1E800] =	vst v63  }
0x49: {  	s28 =	smov.u32 s26  }
0x4a: {  	p0 =	sne.s32 s26, $0x4800;
	s26 =	sadd.s32 $0x400, s26;
	_ =	swait.ge [sflag:s21], $0x4000  }
0x4b: {  	s28 =	sshra.s32 s28, $0x2;
	[sflag:s21] =	ssyncset.done $0x0  }
0x4c: {  	s29 =	sadd.s32 $0x1400, s28;
	[sflag:s21] =	ssyncadd.s32 $0xFFFFC000  }
0x4d: {  	[spmem:s2] =	stream.indirect.scatter.add.f32 [tilespmem:s19], [sflag:$0x3], $0x80, s29, s18, $0xb8;
	[tilespmem:$0x1E800] =	vst v63  }
0x4e: {  	_ =	swait.ge [sflag:s16], $0x4000  }
0x4f: {  	[sflag:s16] =	ssyncset.done $0x0  }
0x50: {  	s29 =	sadd.s32 $0x100, s28;
	[sflag:s16] =	ssyncadd.s32 $0xFFFFC000  }
0x51: {  	[tilespmem:s19], [sflag:$0x1] =	stream.indirect.gather [hbm4b:s4+s18], $0x80, s29, s18, $0xb8;
	[tilespmem:$0x1E800] =	vst v63  }
0x52: {  	_ =	swait.ge [sflag:s22], $0x4000  }
0x53: {  	[sflag:s22] =	ssyncset.done $0x0  }
.Ltmp1:
0x54: {  	s29 =	sadd.s32 $0x1480, s28;
	[sflag:s22] =	ssyncadd.s32 $0xFFFFC000;
	(pc) =	sbr.rel @p0 .LBB2_4-.Ltmp1, $4  }
0x55: {  	[spmem:s2] =	stream.indirect.scatter.add.f32 [tilespmem:s20], [sflag:$0x3], $0x80, s29, s18, $0xb8;
	[tilespmem:$0x1E800] =	vst v63  }
0x56: {  	_ =	swait.ge [sflag:s16], $0x4000  }
0x57: {  	[sflag:s16] =	ssyncset.done $0x0  }
0x58: {  	s28 =	sadd.s32 $0x180, s28;
	[sflag:s16] =	ssyncadd.s32 $0xFFFFC000  }
0x59: {  	[tilespmem:s20], [sflag:$0x2] =	stream.indirect.gather [hbm4b:s4+s18], $0x80, s28, s18, $0xb8;
	[tilespmem:$0x1E800] =	vst v63  }
0x5a: {  	_ =	swait.ge [sflag:s21], $0x4000  }
0x5b: {  	[sflag:s21] =	ssyncset.done $0x0  }
0x5c: {  	[sflag:s21] =	ssyncadd.s32 $0xFFFFC000  }
0x5d: {  	[spmem:s2] =	stream.indirect.scatter.add.f32 [tilespmem:s19], [sflag:$0x3], $0x80, s23, s18, $0xb8;
	[tilespmem:$0x1E800] =	vst v63  }
0x5e: {  	_ =	swait.ge [sflag:s16], $0x4000  }
0x5f: {  	[sflag:s16] =	ssyncset.done $0x0  }
0x60: {  	[sflag:s16] =	ssyncadd.s32 $0xFFFFC000  }
0x61: {  	_ =	swait.ge [sflag:s22], $0x4000  }
0x62: {  	[sflag:s22] =	ssyncset.done $0x0  }
0x63: {  	[sflag:s22] =	ssyncadd.s32 $0xFFFFC000  }
0x64: {  	[spmem:s2] =	stream.indirect.scatter.add.f32 [tilespmem:s20], [sflag:$0x3], $0x80, s24, s18, $0xb8;
	[tilespmem:$0x1E800] =	vst v63  }
0x65: {  	_ =	swait.ge [sflag:s16], $0x4000  }
0x66: {  	[sflag:s16] =	ssyncset.done $0x0  }
0x67: {  	s26 =	simm.s32 $0x0;
	[sflag:s16] =	ssyncadd.s32 $0xFFFFC000  }
0x68: {  	[tilespmem:s26], [sflag:$0x3] =	stream.linear.gather [hbm4b:s12+s26], $0x1400, $0x38;
	[tilespmem:$0x1E800] =	vst v63  }
0x69: {  	_ =	swait.ge [sflag:s16], $0x1400  }
0x6a: {  	[sflag:s16] =	ssyncset.done $0x0  }
0x6b: {  	[sflag:s16] =	ssyncadd.s32 $0xFFFFEC00  }
0x6c: {  	[tilespmem:s17], [sflag:$0x3] =	stream.linear.gather [hbm4b:s13+s26], $0x1400, $0x38;
	[tilespmem:$0x1E800] =	vst v63  }
0x6d: {  	_ =	swait.ge [sflag:s16], $0x1400  }
0x6e: {  	[sflag:s16] =	ssyncset.done $0x0  }
0x6f: {  	[sflag:s16] =	ssyncadd.s32 $0xFFFFEC00  }
0x70: {  	[tilespmem:s19], [sflag:$0x1] =	stream.indirect.gather [hbm4b:s4+s18], $0x80, s26, s18, $0xb8;
	[tilespmem:$0x1E800] =	vst v63  }
0x71: {  	_ = 	snop  }
0x72: {  	[tilespmem:s20], [sflag:$0x2] =	stream.indirect.gather [hbm4b:s4+s18], $0x80, s18, s18, $0xb8;
	[tilespmem:$0x1E800] =	vst v63  }
0x73: {  	_ =	swait.ge [sflag:s21], $0x4000  }
0x74: {  	[sflag:s21] =	ssyncset.done $0x0  }
0x75: {  	s29 =	simm.s32 $0x1400;
	[sflag:s21] =	ssyncadd.s32 $0xFFFFC000  }
0x76: {  	[spmem:s2] =	stream.indirect.scatter.add.f32 [tilespmem:s19], [sflag:$0x3], $0x80, s29, s18, $0xb8;
	[tilespmem:$0x1E800] =	vst v63  }
0x77: {  	_ =	swait.ge [sflag:s16], $0x4000  }
0x78: {  	[sflag:s16] =	ssyncset.done $0x0  }
0x79: {  	s30 =	simm.s32 $0x100;
	[sflag:s16] =	ssyncadd.s32 $0xFFFFC000  }
0x7a: {  	[tilespmem:s19], [sflag:$0x1] =	stream.indirect.gather [hbm4b:s4+s18], $0x80, s30, s18, $0xb8;
	[tilespmem:$0x1E800] =	vst v63  }
0x7b: {  	_ =	swait.ge [sflag:s22], $0x4000  }
0x7c: {  	[sflag:s22] =	ssyncset.done $0x0  }
0x7d: {  	s31 =	simm.s32 $0x1480;
	[sflag:s22] =	ssyncadd.s32 $0xFFFFC000  }
0x7e: {  	[spmem:s2] =	stream.indirect.scatter.add.f32 [tilespmem:s20], [sflag:$0x3], $0x80, s31, s18, $0xb8;
	[tilespmem:$0x1E800] =	vst v63  }
0x7f: {  	_ =	swait.ge [sflag:s16], $0x4000  }
0x80: {  	[sflag:s16] =	ssyncset.done $0x0  }
0x81: {  	s28 =	simm.s32 $0x180;
	s26 =	simm.s32 $0x400;
	[sflag:s16] =	ssyncadd.s32 $0xFFFFC000  }
.LBB2_6:
0x82: {  	[tilespmem:s20], [sflag:$0x2] =	stream.indirect.gather [hbm4b:s4+s18], $0x80, s28, s18, $0xb8;
	[tilespmem:$0x1E800] =	vst v63  }
0x83: {  	s28 =	smov.u32 s26  }
0x84: {  	p0 =	sne.s32 s26, $0x4800;
	s26 =	sadd.s32 $0x400, s26;
	_ =	swait.ge [sflag:s21], $0x4000  }
0x85: {  	s28 =	sshra.s32 s28, $0x2;
	[sflag:s21] =	ssyncset.done $0x0  }
0x86: {  	s29 =	sadd.s32 $0x1400, s28;
	[sflag:s21] =	ssyncadd.s32 $0xFFFFC000  }
0x87: {  	[spmem:s2] =	stream.indirect.scatter.add.f32 [tilespmem:s19], [sflag:$0x3], $0x80, s29, s18, $0xb8;
	[tilespmem:$0x1E800] =	vst v63  }
0x88: {  	_ =	swait.ge [sflag:s16], $0x4000  }
0x89: {  	[sflag:s16] =	ssyncset.done $0x0  }
0x8a: {  	s29 =	sadd.s32 $0x100, s28;
	[sflag:s16] =	ssyncadd.s32 $0xFFFFC000  }
0x8b: {  	[tilespmem:s19], [sflag:$0x1] =	stream.indirect.gather [hbm4b:s4+s18], $0x80, s29, s18, $0xb8;
	[tilespmem:$0x1E800] =	vst v63  }
0x8c: {  	_ =	swait.ge [sflag:s22], $0x4000  }
0x8d: {  	[sflag:s22] =	ssyncset.done $0x0  }
.Ltmp2:
0x8e: {  	s29 =	sadd.s32 $0x1480, s28;
	[sflag:s22] =	ssyncadd.s32 $0xFFFFC000;
	(pc) =	sbr.rel @p0 .LBB2_6-.Ltmp2, $4  }
0x8f: {  	[spmem:s2] =	stream.indirect.scatter.add.f32 [tilespmem:s20], [sflag:$0x3], $0x80, s29, s18, $0xb8;
	[tilespmem:$0x1E800] =	vst v63  }
0x90: {  	_ =	swait.ge [sflag:s16], $0x4000  }
0x91: {  	[sflag:s16] =	ssyncset.done $0x0  }
0x92: {  	s28 =	sadd.s32 $0x180, s28;
	[sflag:s16] =	ssyncadd.s32 $0xFFFFC000  }
0x93: {  	[tilespmem:s20], [sflag:$0x2] =	stream.indirect.gather [hbm4b:s4+s18], $0x80, s28, s18, $0xb8;
	[tilespmem:$0x1E800] =	vst v63  }
0x94: {  	_ =	swait.ge [sflag:s21], $0x4000  }
0x95: {  	[sflag:s21] =	ssyncset.done $0x0  }
0x96: {  	[sflag:s21] =	ssyncadd.s32 $0xFFFFC000  }
0x97: {  	[spmem:s2] =	stream.indirect.scatter.add.f32 [tilespmem:s19], [sflag:$0x3], $0x80, s23, s18, $0xb8;
	[tilespmem:$0x1E800] =	vst v63  }
0x98: {  	_ =	swait.ge [sflag:s16], $0x4000  }
0x99: {  	[sflag:s16] =	ssyncset.done $0x0  }
0x9a: {  	[sflag:s16] =	ssyncadd.s32 $0xFFFFC000  }
0x9b: {  	_ =	swait.ge [sflag:s22], $0x4000  }
0x9c: {  	[sflag:s22] =	ssyncset.done $0x0  }
0x9d: {  	[sflag:s22] =	ssyncadd.s32 $0xFFFFC000  }
0x9e: {  	[spmem:s2] =	stream.indirect.scatter.add.f32 [tilespmem:s20], [sflag:$0x3], $0x80, s24, s18, $0xb8;
	[tilespmem:$0x1E800] =	vst v63  }
0x9f: {  	_ =	swait.ge [sflag:s16], $0x4000  }
0xa0: {  	s26 =	sshll.u32 s0, $0x6;
	s25 =	sadd.s32 $0x1, s25;
	[sflag:s16] =	ssyncset.done $0x0  }
0xa1: {  	s31 =	sshrl.u32 s7, $0x3;
	p0 =	sne.s32 s25, s15;
	[sflag:s16] =	ssyncadd.s32 $0xFFFFC000  }
.Ltmp3:
0xa2: {  	s26 =	sor.u32 $0x1C03, s26;
	[bflag:$0x0] =	sbarrier.arrive $0xFFFF;
	(pc) =	sbr.rel @p0 .LBB2_1-.Ltmp3, $4  }
0xa3: {  	[hbm:s14], [sflag:s26] =	dma.local [spmem:s31], $0x2800  }
0xa4: {  	_ =	swait.ge [sflag:s16], $0x2800  }
0xa5: {  	[sflag:s16] =	ssyncset.done $0x0  }
0xa6: {  	[sflag:s16] =	ssyncadd.s32 $0xFFFFD800  }
0xa7: {  	_ =	sfence.sel $0x180000  }
0xa8: {  	[bflag:$0x0] =	sbarrier.arrive $0xFFFF  }
0xa9: {  	p0 =	sne.s32 s0, $0x0;
	_ =	strace $0x90000050  }
0xaa: {  	s0 =	sadd.s32 @!p0 $0x100000, s1;
	[bflag:$0x2] =	sbarrier.arrive $0xFFFF  }
0xab: {  	[sflag:s0] =	ssyncadd.tile.s32 @!p0 $0x1;
	_ =	shalt  }
.Lfunc_end2:
_tile_overlayer_lowered:
.L_overlay_start_2:
0xac: {  	(tag) =	ssettag $0x2  }
0xad: {  	s0 =	rddreg [dreg:$0x0];
	s2 =	stileid.u32  }
0xae: {  	s1 =	rddreg [dreg:$0x1];
	p0 =	sne.s32 s2, $0x0  }
0xaf: {  	s3 =	rddreg [dreg:$0x2];
	[bflag:$0x3] =	sbarrier.arrive $0xFFFF;
	s2 =	simm.s32 @!p0 $0x1C03  }
0xb0: {  	[timem:s3], [sflag:s2] =	dma.local @!p0 [hbm:s0], s1  }
0xb1: {  	s0 =	simm.s32 @!p0 $0x3  }
0xb2: {  	_ =	swait.ge @!p0 [sflag:s0], s1  }
0xb3: {  	s1 =	ssub.s32 @!p0 $0x0, s1;
	[sflag:s0] =	ssyncset.done @!p0 $0x0  }
0xb4: {  	[sflag:s0] =	ssyncadd.s32 @!p0 s1  }
0xb5: {  	[bflag:$0x3] =	sbarrier.arrive $0xFFFF  }
0xb6: {  	_ =	shalt  }

</sc_bundles>
